<compile_context>
chip_gen: v7x
topology: tpu7x:2x2x1
jax: 0.10.2.dev20260603
libtpu: 0.0.44.dev20260713+nightly
codegen_flags: <defaults>
</compile_context>

<pallas_src>
import functools

import jax
import jax.numpy as jnp
from jax import lax
from jax.experimental import pallas as pl
from jax.experimental.pallas import tpu as pltpu
from jax.experimental.pallas import tpu_sc as plsc

_T, _B, _C = 576, 64, 768
_RATIO = 0.75
_REMAIN = int(_T * (1 - _RATIO))
_MASKED = _T - _REMAIN
_NC, _NS = 2, 16
_NW = _NC * _NS
_CHUNK = 32
_PC = (_REMAIN * _B) // (_NW * _CHUNK)
_MC = (_MASKED * _B) // (_NW * _CHUNK)
_DEPTH = 5
_G = 2


def _indexes():
    keys = jax.random.split(jax.random.key(42), _B)
    fwd = jax.vmap(lambda k: jax.random.permutation(k, _T))(keys).T
    bwd = jnp.argsort(fwd, axis=0)
    col = jnp.arange(_B, dtype=jnp.int32)[None, :]
    flat = fwd.astype(jnp.int32) * _B + col
    idx_p = flat[:_REMAIN].reshape(_NW, _PC, _CHUNK)
    idx_m = flat[_REMAIN:].reshape(_NW, _MC, _CHUNK)
    return fwd, bwd, idx_p, idx_m


def _sc_gather(patches_f, mask_f, idx_p, idx_m):
    mesh = plsc.VectorSubcoreMesh(core_axis_name="c", subcore_axis_name="s")

    @functools.partial(
        pl.kernel,
        mesh=mesh,
        out_type=[
            jax.ShapeDtypeStruct((_REMAIN * _B, _C), jnp.float32),
            jax.ShapeDtypeStruct((_MASKED * _B, _C), jnp.float32),
        ],
        scratch_types=(
            [
                pltpu.VMEM((_PC, _CHUNK), jnp.int32),
                pltpu.VMEM((_MC, _CHUNK), jnp.int32),
            ]
            + [pltpu.VMEM((_CHUNK, _C), jnp.float32) for _ in range(_DEPTH)]
            + [pltpu.SemaphoreType.DMA for _ in range(2 * _DEPTH)]
        ),
    )
    def k(p_hbm, m_hbm, ip_hbm, im_hbm, op_hbm, om_hbm, ipv, imv, *scratch):
        bufs = list(scratch[:_DEPTH])
        gsems = list(scratch[_DEPTH : 2 * _DEPTH])
        osems = list(scratch[2 * _DEPTH :])
        wid = lax.axis_index("s") * _NC + lax.axis_index("c")
        pltpu.sync_copy(ip_hbm.at[wid], ipv)
        pltpu.sync_copy(im_hbm.at[wid], imv)
        chunks = (
            [(p_hbm, ipv, c, op_hbm, wid * _PC + c) for c in range(_PC)]
            + [(m_hbm, imv, c, om_hbm, wid * _MC + c) for c in range(_MC)]
        )
        n = len(chunks)
        gh = [None] * n
        oh = [None] * n

        def out_copy(j):
            _, _, _, dst, blk = chunks[j]
            return pltpu.async_copy(
                bufs[j % _DEPTH],
                dst.at[pl.ds(blk * _CHUNK, _CHUNK)],
                osems[j % _DEPTH],
            )

        def gather(i):
            src, idxr, c, _, _ = chunks[i]
            return pltpu.async_copy(src.at[idxr.at[c]], bufs[i % _DEPTH], gsems[i % _DEPTH])

        for i in range(min(_G + 1, n)):
            gh[i] = gather(i)
        for i in range(n):
            gh[i].wait()
            oh[i] = out_copy(i)
            nxt = i + _G + 1
            if nxt < n:
                if nxt >= _DEPTH:
                    oh[nxt - _DEPTH].wait()
                gh[nxt] = gather(nxt)
        for j in range(max(0, n - _DEPTH), n):
            oh[j].wait()

    return k(patches_f, mask_f, idx_p, idx_m)


def kernel(patches, mask_patches):
    fwd, bwd, idx_p, idx_m = _indexes()
    out_p, out_m = _sc_gather(
        patches.reshape(_T * _B, _C),
        mask_patches.reshape(_T * _B, _C),
        idx_p,
        idx_m,
    )
    return (
        out_p.reshape(_REMAIN, _B, _C),
        out_m.reshape(_MASKED, _B, _C),
        fwd,
        bwd,
    )

# --- scband reference (transcript-rebuilt; emitter-appended) ---
"""Pipeline reference for scband-sdpatch-shuffle-19593640805121 (READ-ONLY COPY).

The authoritative reference and input builder live on the scoring server;
editing this copy changes nothing except your own understanding.
"""

import jax, jax.numpy as jnp
import numpy as np

RATIO = 0.75

def setup_inputs(seed: int = 0) -> dict:
    key = jax.random.key(seed)
    k1, k2 = jax.random.split(key)
    patches = jax.random.normal(k1, (576, 64, 768), dtype=jnp.float32)
    mask_patches = jax.random.normal(k2, (576, 64, 768), dtype=jnp.float32)
    return {"patches": patches, "mask_patches": mask_patches}

def _take_indexes(sequences, indexes):
    # sequences: [T, B, C], indexes: [T, B] -> gather along axis 0, repeated over C
    T, B, C = sequences.shape
    idx = jnp.broadcast_to(indexes[:, :, None], (indexes.shape[0], B, C))
    return jnp.take_along_axis(sequences, idx, axis=0)

def reference(patches, mask_patches):
    T, B, C = patches.shape
    remain_T = int(T * (1 - RATIO))
    # per-sample random permutations (deterministic key replaces np.random.shuffle)
    keys = jax.random.split(jax.random.key(42), B)
    forward_indexes = jax.vmap(lambda k: jax.random.permutation(k, T))(keys).T  # [T, B]
    backward_indexes = jnp.argsort(forward_indexes, axis=0)  # [T, B]
    shuffled_patches = _take_indexes(patches, forward_indexes)
    shuffled_mask = _take_indexes(mask_patches, forward_indexes)
    out_patches = shuffled_patches[:remain_T]
    out_mask = shuffled_mask[remain_T:]
    return (out_patches, out_mask, forward_indexes, backward_indexes)

if __name__ == "__main__":
    import jax
    _d = setup_inputs()
    print(jax.jit(kernel)(*tuple(_d.values())))

</pallas_src>

<mosaic_0001>
#map = affine_map<(d0, d1) -> (0, 0)>
#map1 = affine_map<(d0, d1) -> (0, 0, 0)>
module attributes {stable_mosaic.version = 14 : i64} {
  func.func @k(%arg0: i32, %arg1: i32, %arg2: memref<36864x768xf32, #tpu.memory_space<hbm>>, %arg3: memref<36864x768xf32, #tpu.memory_space<hbm>>, %arg4: memref<32x9x32xi32, #tpu.memory_space<hbm>>, %arg5: memref<32x27x32xi32, #tpu.memory_space<hbm>>, %arg6: memref<9216x768xf32, #tpu.memory_space<hbm>>, %arg7: memref<27648x768xf32, #tpu.memory_space<hbm>>, %arg8: memref<9x32xi32, #tpu.memory_space<vmem>>, %arg9: memref<27x32xi32, #tpu.memory_space<vmem>>, %arg10: memref<32x768xf32, #tpu.memory_space<vmem>>, %arg11: memref<32x768xf32, #tpu.memory_space<vmem>>, %arg12: memref<32x768xf32, #tpu.memory_space<vmem>>, %arg13: memref<32x768xf32, #tpu.memory_space<vmem>>, %arg14: memref<32x768xf32, #tpu.memory_space<vmem>>, %arg15: memref<!tpu.dma_semaphore, #tpu.memory_space<semaphore_mem>>, %arg16: memref<!tpu.dma_semaphore, #tpu.memory_space<semaphore_mem>>, %arg17: memref<!tpu.dma_semaphore, #tpu.memory_space<semaphore_mem>>, %arg18: memref<!tpu.dma_semaphore, #tpu.memory_space<semaphore_mem>>, %arg19: memref<!tpu.dma_semaphore, #tpu.memory_space<semaphore_mem>>, %arg20: memref<!tpu.dma_semaphore, #tpu.memory_space<semaphore_mem>>, %arg21: memref<!tpu.dma_semaphore, #tpu.memory_space<semaphore_mem>>, %arg22: memref<!tpu.dma_semaphore, #tpu.memory_space<semaphore_mem>>, %arg23: memref<!tpu.dma_semaphore, #tpu.memory_space<semaphore_mem>>, %arg24: memref<!tpu.dma_semaphore, #tpu.memory_space<semaphore_mem>>) attributes {dimension_semantics = [#tpu.dimension_semantics<core_parallel>, #tpu.dimension_semantics<subcore_parallel>], iteration_bounds = array<i64: 2, 16>, scalar_prefetch = 0 : i64, scratch_operands = 17 : i64, tpu.core_type = #tpu.core_type<sc_vector_subcore>, window_params = [{transform_indices = #map}, {transform_indices = #map}, {transform_indices = #map1}, {transform_indices = #map1}, {transform_indices = #map}, {transform_indices = #map}]} {
    %mul3A = arith.constant 2 : i32
    %mul3A_0 = arith.muli %arg1, %mul3A : i32
    %add3A = arith.addi %mul3A_0, %arg0 : i32
    "tpu.region"() ({
      %run_scoped3A = tpu.sem_alloc : memref<!tpu.dma_semaphore, #tpu.memory_space<semaphore_mem>>
      %dma_start3A_1007 = arith.constant 0 : i32
      %dma_start3A_1008 = arith.constant 0 : i32
      %dma_start3A_1009 = tpu.memref_slice %arg4[%add3A, %dma_start3A_1007, %dma_start3A_1008] : memref<32x9x32xi32, #tpu.memory_space<hbm>> -> memref<1x9x32xi32, #tpu.memory_space<hbm>>
      %dma_start3A_1010 = tpu.memref_squeeze %dma_start3A_1009 : memref<1x9x32xi32, #tpu.memory_space<hbm>> -> memref<9x32xi32, #tpu.memory_space<hbm>>
      %dma_start3A_1011 = arith.constant 0 : i32
      %dma_start3A_1012 = arith.constant 0 : i32
      %dma_start3A_1013 = tpu.memref_slice %arg4[%add3A, %dma_start3A_1011, %dma_start3A_1012] : memref<32x9x32xi32, #tpu.memory_space<hbm>> -> memref<1x9x32xi32, #tpu.memory_space<hbm>>
      %dma_start3A_1014 = tpu.memref_squeeze %dma_start3A_1013 : memref<1x9x32xi32, #tpu.memory_space<hbm>> -> memref<9x32xi32, #tpu.memory_space<hbm>>
      tpu.enqueue_dma source(%dma_start3A_1014 : memref<9x32xi32, #tpu.memory_space<hbm>>) target(%arg8 : memref<9x32xi32, #tpu.memory_space<vmem>>) target_semaphore(%run_scoped3A : memref<!tpu.dma_semaphore, #tpu.memory_space<semaphore_mem>>)
      %dma_wait3A_1015 = arith.constant 0 : i32
      %dma_wait3A_1016 = arith.constant 0 : i32
      %dma_wait3A_1017 = tpu.memref_slice %arg4[%add3A, %dma_wait3A_1015, %dma_wait3A_1016] : memref<32x9x32xi32, #tpu.memory_space<hbm>> -> memref<1x9x32xi32, #tpu.memory_space<hbm>>
      %dma_wait3A_1018 = tpu.memref_squeeze %dma_wait3A_1017 : memref<1x9x32xi32, #tpu.memory_space<hbm>> -> memref<9x32xi32, #tpu.memory_space<hbm>>
      %dma_wait3A_1019 = arith.constant 0 : i32
      %dma_wait3A_1020 = arith.constant 0 : i32
      %dma_wait3A_1021 = tpu.memref_slice %arg4[%add3A, %dma_wait3A_1019, %dma_wait3A_1020] : memref<32x9x32xi32, #tpu.memory_space<hbm>> -> memref<1x9x32xi32, #tpu.memory_space<hbm>>
      %dma_wait3A_1022 = tpu.memref_squeeze %dma_wait3A_1021 : memref<1x9x32xi32, #tpu.memory_space<hbm>> -> memref<9x32xi32, #tpu.memory_space<hbm>>
      tpu.wait_dma2 semaphore(%run_scoped3A : memref<!tpu.dma_semaphore, #tpu.memory_space<semaphore_mem>>) src(%dma_wait3A_1022 : memref<9x32xi32, #tpu.memory_space<hbm>>) dst(%arg8 : memref<9x32xi32, #tpu.memory_space<vmem>>)
      tpu.yield
    }) : () -> ()
    "tpu.region"() ({
      %run_scoped3A = tpu.sem_alloc : memref<!tpu.dma_semaphore, #tpu.memory_space<semaphore_mem>>
      %dma_start3A_1007 = arith.constant 0 : i32
      %dma_start3A_1008 = arith.constant 0 : i32
      %dma_start3A_1009 = tpu.memref_slice %arg5[%add3A, %dma_start3A_1007, %dma_start3A_1008] : memref<32x27x32xi32, #tpu.memory_space<hbm>> -> memref<1x27x32xi32, #tpu.memory_space<hbm>>
      %dma_start3A_1010 = tpu.memref_squeeze %dma_start3A_1009 : memref<1x27x32xi32, #tpu.memory_space<hbm>> -> memref<27x32xi32, #tpu.memory_space<hbm>>
      %dma_start3A_1011 = arith.constant 0 : i32
      %dma_start3A_1012 = arith.constant 0 : i32
      %dma_start3A_1013 = tpu.memref_slice %arg5[%add3A, %dma_start3A_1011, %dma_start3A_1012] : memref<32x27x32xi32, #tpu.memory_space<hbm>> -> memref<1x27x32xi32, #tpu.memory_space<hbm>>
      %dma_start3A_1014 = tpu.memref_squeeze %dma_start3A_1013 : memref<1x27x32xi32, #tpu.memory_space<hbm>> -> memref<27x32xi32, #tpu.memory_space<hbm>>
      tpu.enqueue_dma source(%dma_start3A_1014 : memref<27x32xi32, #tpu.memory_space<hbm>>) target(%arg9 : memref<27x32xi32, #tpu.memory_space<vmem>>) target_semaphore(%run_scoped3A : memref<!tpu.dma_semaphore, #tpu.memory_space<semaphore_mem>>)
      %dma_wait3A_1015 = arith.constant 0 : i32
      %dma_wait3A_1016 = arith.constant 0 : i32
      %dma_wait3A_1017 = tpu.memref_slice %arg5[%add3A, %dma_wait3A_1015, %dma_wait3A_1016] : memref<32x27x32xi32, #tpu.memory_space<hbm>> -> memref<1x27x32xi32, #tpu.memory_space<hbm>>
      %dma_wait3A_1018 = tpu.memref_squeeze %dma_wait3A_1017 : memref<1x27x32xi32, #tpu.memory_space<hbm>> -> memref<27x32xi32, #tpu.memory_space<hbm>>
      %dma_wait3A_1019 = arith.constant 0 : i32
      %dma_wait3A_1020 = arith.constant 0 : i32
      %dma_wait3A_1021 = tpu.memref_slice %arg5[%add3A, %dma_wait3A_1019, %dma_wait3A_1020] : memref<32x27x32xi32, #tpu.memory_space<hbm>> -> memref<1x27x32xi32, #tpu.memory_space<hbm>>
      %dma_wait3A_1022 = tpu.memref_squeeze %dma_wait3A_1021 : memref<1x27x32xi32, #tpu.memory_space<hbm>> -> memref<27x32xi32, #tpu.memory_space<hbm>>
      tpu.wait_dma2 semaphore(%run_scoped3A : memref<!tpu.dma_semaphore, #tpu.memory_space<semaphore_mem>>) src(%dma_wait3A_1022 : memref<27x32xi32, #tpu.memory_space<hbm>>) dst(%arg9 : memref<27x32xi32, #tpu.memory_space<vmem>>)
      tpu.yield
    }) : () -> ()
    %mul3A_1 = arith.constant 9 : i32
    %mul3A_2 = arith.muli %add3A, %mul3A_1 : i32
    %add3A_3 = arith.constant 0 : i32
    %add3A_4 = arith.addi %mul3A_2, %add3A_3 : i32
    %mul3A_5 = arith.constant 9 : i32
    %mul3A_6 = arith.muli %add3A, %mul3A_5 : i32
    %add3A_7 = arith.constant 1 : i32
    %add3A_8 = arith.addi %mul3A_6, %add3A_7 : i32
    %mul3A_9 = arith.constant 9 : i32
    %mul3A_10 = arith.muli %add3A, %mul3A_9 : i32
    %add3A_11 = arith.constant 2 : i32
    %add3A_12 = arith.addi %mul3A_10, %add3A_11 : i32
    %mul3A_13 = arith.constant 9 : i32
    %mul3A_14 = arith.muli %add3A, %mul3A_13 : i32
    %add3A_15 = arith.constant 3 : i32
    %add3A_16 = arith.addi %mul3A_14, %add3A_15 : i32
    %mul3A_17 = arith.constant 9 : i32
    %mul3A_18 = arith.muli %add3A, %mul3A_17 : i32
    %add3A_19 = arith.constant 4 : i32
    %add3A_20 = arith.addi %mul3A_18, %add3A_19 : i32
    %mul3A_21 = arith.constant 9 : i32
    %mul3A_22 = arith.muli %add3A, %mul3A_21 : i32
    %add3A_23 = arith.constant 5 : i32
    %add3A_24 = arith.addi %mul3A_22, %add3A_23 : i32
    %mul3A_25 = arith.constant 9 : i32
    %mul3A_26 = arith.muli %add3A, %mul3A_25 : i32
    %add3A_27 = arith.constant 6 : i32
    %add3A_28 = arith.addi %mul3A_26, %add3A_27 : i32
    %mul3A_29 = arith.constant 9 : i32
    %mul3A_30 = arith.muli %add3A, %mul3A_29 : i32
    %add3A_31 = arith.constant 7 : i32
    %add3A_32 = arith.addi %mul3A_30, %add3A_31 : i32
    %mul3A_33 = arith.constant 9 : i32
    %mul3A_34 = arith.muli %add3A, %mul3A_33 : i32
    %add3A_35 = arith.constant 8 : i32
    %add3A_36 = arith.addi %mul3A_34, %add3A_35 : i32
    %mul3A_37 = arith.constant 27 : i32
    %mul3A_38 = arith.muli %add3A, %mul3A_37 : i32
    %add3A_39 = arith.constant 0 : i32
    %add3A_40 = arith.addi %mul3A_38, %add3A_39 : i32
    %mul3A_41 = arith.constant 27 : i32
    %mul3A_42 = arith.muli %add3A, %mul3A_41 : i32
    %add3A_43 = arith.constant 1 : i32
    %add3A_44 = arith.addi %mul3A_42, %add3A_43 : i32
    %mul3A_45 = arith.constant 27 : i32
    %mul3A_46 = arith.muli %add3A, %mul3A_45 : i32
    %add3A_47 = arith.constant 2 : i32
    %add3A_48 = arith.addi %mul3A_46, %add3A_47 : i32
    %mul3A_49 = arith.constant 27 : i32
    %mul3A_50 = arith.muli %add3A, %mul3A_49 : i32
    %add3A_51 = arith.constant 3 : i32
    %add3A_52 = arith.addi %mul3A_50, %add3A_51 : i32
    %mul3A_53 = arith.constant 27 : i32
    %mul3A_54 = arith.muli %add3A, %mul3A_53 : i32
    %add3A_55 = arith.constant 4 : i32
    %add3A_56 = arith.addi %mul3A_54, %add3A_55 : i32
    %mul3A_57 = arith.constant 27 : i32
    %mul3A_58 = arith.muli %add3A, %mul3A_57 : i32
    %add3A_59 = arith.constant 5 : i32
    %add3A_60 = arith.addi %mul3A_58, %add3A_59 : i32
    %mul3A_61 = arith.constant 27 : i32
    %mul3A_62 = arith.muli %add3A, %mul3A_61 : i32
    %add3A_63 = arith.constant 6 : i32
    %add3A_64 = arith.addi %mul3A_62, %add3A_63 : i32
    %mul3A_65 = arith.constant 27 : i32
    %mul3A_66 = arith.muli %add3A, %mul3A_65 : i32
    %add3A_67 = arith.constant 7 : i32
    %add3A_68 = arith.addi %mul3A_66, %add3A_67 : i32
    %mul3A_69 = arith.constant 27 : i32
    %mul3A_70 = arith.muli %add3A, %mul3A_69 : i32
    %add3A_71 = arith.constant 8 : i32
    %add3A_72 = arith.addi %mul3A_70, %add3A_71 : i32
    %mul3A_73 = arith.constant 27 : i32
    %mul3A_74 = arith.muli %add3A, %mul3A_73 : i32
    %add3A_75 = arith.constant 9 : i32
    %add3A_76 = arith.addi %mul3A_74, %add3A_75 : i32
    %mul3A_77 = arith.constant 27 : i32
    %mul3A_78 = arith.muli %add3A, %mul3A_77 : i32
    %add3A_79 = arith.constant 10 : i32
    %add3A_80 = arith.addi %mul3A_78, %add3A_79 : i32
    %mul3A_81 = arith.constant 27 : i32
    %mul3A_82 = arith.muli %add3A, %mul3A_81 : i32
    %add3A_83 = arith.constant 11 : i32
    %add3A_84 = arith.addi %mul3A_82, %add3A_83 : i32
    %mul3A_85 = arith.constant 27 : i32
    %mul3A_86 = arith.muli %add3A, %mul3A_85 : i32
    %add3A_87 = arith.constant 12 : i32
    %add3A_88 = arith.addi %mul3A_86, %add3A_87 : i32
    %mul3A_89 = arith.constant 27 : i32
    %mul3A_90 = arith.muli %add3A, %mul3A_89 : i32
    %add3A_91 = arith.constant 13 : i32
    %add3A_92 = arith.addi %mul3A_90, %add3A_91 : i32
    %mul3A_93 = arith.constant 27 : i32
    %mul3A_94 = arith.muli %add3A, %mul3A_93 : i32
    %add3A_95 = arith.constant 14 : i32
    %add3A_96 = arith.addi %mul3A_94, %add3A_95 : i32
    %mul3A_97 = arith.constant 27 : i32
    %mul3A_98 = arith.muli %add3A, %mul3A_97 : i32
    %add3A_99 = arith.constant 15 : i32
    %add3A_100 = arith.addi %mul3A_98, %add3A_99 : i32
    %mul3A_101 = arith.constant 27 : i32
    %mul3A_102 = arith.muli %add3A, %mul3A_101 : i32
    %add3A_103 = arith.constant 16 : i32
    %add3A_104 = arith.addi %mul3A_102, %add3A_103 : i32
    %mul3A_105 = arith.constant 27 : i32
    %mul3A_106 = arith.muli %add3A, %mul3A_105 : i32
    %add3A_107 = arith.constant 17 : i32
    %add3A_108 = arith.addi %mul3A_106, %add3A_107 : i32
    %mul3A_109 = arith.constant 27 : i32
    %mul3A_110 = arith.muli %add3A, %mul3A_109 : i32
    %add3A_111 = arith.constant 18 : i32
    %add3A_112 = arith.addi %mul3A_110, %add3A_111 : i32
    %mul3A_113 = arith.constant 27 : i32
    %mul3A_114 = arith.muli %add3A, %mul3A_113 : i32
    %add3A_115 = arith.constant 19 : i32
    %add3A_116 = arith.addi %mul3A_114, %add3A_115 : i32
    %mul3A_117 = arith.constant 27 : i32
    %mul3A_118 = arith.muli %add3A, %mul3A_117 : i32
    %add3A_119 = arith.constant 20 : i32
    %add3A_120 = arith.addi %mul3A_118, %add3A_119 : i32
    %mul3A_121 = arith.constant 27 : i32
    %mul3A_122 = arith.muli %add3A, %mul3A_121 : i32
    %add3A_123 = arith.constant 21 : i32
    %add3A_124 = arith.addi %mul3A_122, %add3A_123 : i32
    %mul3A_125 = arith.constant 27 : i32
    %mul3A_126 = arith.muli %add3A, %mul3A_125 : i32
    %add3A_127 = arith.constant 22 : i32
    %add3A_128 = arith.addi %mul3A_126, %add3A_127 : i32
    %mul3A_129 = arith.constant 27 : i32
    %mul3A_130 = arith.muli %add3A, %mul3A_129 : i32
    %add3A_131 = arith.constant 23 : i32
    %add3A_132 = arith.addi %mul3A_130, %add3A_131 : i32
    %mul3A_133 = arith.constant 27 : i32
    %mul3A_134 = arith.muli %add3A, %mul3A_133 : i32
    %add3A_135 = arith.constant 24 : i32
    %add3A_136 = arith.addi %mul3A_134, %add3A_135 : i32
    %mul3A_137 = arith.constant 27 : i32
    %mul3A_138 = arith.muli %add3A, %mul3A_137 : i32
    %add3A_139 = arith.constant 25 : i32
    %add3A_140 = arith.addi %mul3A_138, %add3A_139 : i32
    %mul3A_141 = arith.constant 27 : i32
    %mul3A_142 = arith.muli %add3A, %mul3A_141 : i32
    %add3A_143 = arith.constant 26 : i32
    %add3A_144 = arith.addi %mul3A_142, %add3A_143 : i32
    %dma_start3A = arith.constant 0 : i32
    %dma_start3A_145 = arith.constant 0 : i32
    %dma_start3A_146 = tpu.memref_slice %arg8[%dma_start3A, %dma_start3A_145] : memref<9x32xi32, #tpu.memory_space<vmem>> -> memref<1x32xi32, #tpu.memory_space<vmem>>
    %dma_start3A_147 = tpu.memref_squeeze %dma_start3A_146 : memref<1x32xi32, #tpu.memory_space<vmem>> -> memref<32xi32, #tpu.memory_space<vmem>>
    %dma_start3A_148 = arith.constant 0 : i32
    %dma_start3A_149 = arith.constant 0 : i32
    %dma_start3A_150 = tpu.memref_slice %arg2[%dma_start3A_148, %dma_start3A_149] : memref<36864x768xf32, #tpu.memory_space<hbm>> -> memref<36864x768xf32, #tpu.memory_space<hbm>>
    tpu.enqueue_indirect_dma source(%dma_start3A_150 : memref<36864x768xf32, #tpu.memory_space<hbm>>) target(%arg10 : memref<32x768xf32, #tpu.memory_space<vmem>>) offsets(%dma_start3A_147 : memref<32xi32, #tpu.memory_space<vmem>>) semaphore(%arg15 : memref<!tpu.dma_semaphore, #tpu.memory_space<semaphore_mem>>)
    %dma_start3A_151 = arith.constant 1 : i32
    %dma_start3A_152 = arith.constant 0 : i32
    %dma_start3A_153 = tpu.memref_slice %arg8[%dma_start3A_151, %dma_start3A_152] : memref<9x32xi32, #tpu.memory_space<vmem>> -> memref<1x32xi32, #tpu.memory_space<vmem>>
    %dma_start3A_154 = tpu.memref_squeeze %dma_start3A_153 : memref<1x32xi32, #tpu.memory_space<vmem>> -> memref<32xi32, #tpu.memory_space<vmem>>
    %dma_start3A_155 = arith.constant 0 : i32
    %dma_start3A_156 = arith.constant 0 : i32
    %dma_start3A_157 = tpu.memref_slice %arg2[%dma_start3A_155, %dma_start3A_156] : memref<36864x768xf32, #tpu.memory_space<hbm>> -> memref<36864x768xf32, #tpu.memory_space<hbm>>
    tpu.enqueue_indirect_dma source(%dma_start3A_157 : memref<36864x768xf32, #tpu.memory_space<hbm>>) target(%arg11 : memref<32x768xf32, #tpu.memory_space<vmem>>) offsets(%dma_start3A_154 : memref<32xi32, #tpu.memory_space<vmem>>) semaphore(%arg16 : memref<!tpu.dma_semaphore, #tpu.memory_space<semaphore_mem>>)
    %dma_start3A_158 = arith.constant 2 : i32
    %dma_start3A_159 = arith.constant 0 : i32
    %dma_start3A_160 = tpu.memref_slice %arg8[%dma_start3A_158, %dma_start3A_159] : memref<9x32xi32, #tpu.memory_space<vmem>> -> memref<1x32xi32, #tpu.memory_space<vmem>>
    %dma_start3A_161 = tpu.memref_squeeze %dma_start3A_160 : memref<1x32xi32, #tpu.memory_space<vmem>> -> memref<32xi32, #tpu.memory_space<vmem>>
    %dma_start3A_162 = arith.constant 0 : i32
    %dma_start3A_163 = arith.constant 0 : i32
    %dma_start3A_164 = tpu.memref_slice %arg2[%dma_start3A_162, %dma_start3A_163] : memref<36864x768xf32, #tpu.memory_space<hbm>> -> memref<36864x768xf32, #tpu.memory_space<hbm>>
    tpu.enqueue_indirect_dma source(%dma_start3A_164 : memref<36864x768xf32, #tpu.memory_space<hbm>>) target(%arg12 : memref<32x768xf32, #tpu.memory_space<vmem>>) offsets(%dma_start3A_161 : memref<32xi32, #tpu.memory_space<vmem>>) semaphore(%arg17 : memref<!tpu.dma_semaphore, #tpu.memory_space<semaphore_mem>>)
    %dma_wait3A = arith.constant 0 : i32
    %dma_wait3A_165 = arith.constant 0 : i32
    %dma_wait3A_166 = tpu.memref_slice %arg8[%dma_wait3A, %dma_wait3A_165] : memref<9x32xi32, #tpu.memory_space<vmem>> -> memref<1x32xi32, #tpu.memory_space<vmem>>
    %dma_wait3A_167 = tpu.memref_squeeze %dma_wait3A_166 : memref<1x32xi32, #tpu.memory_space<vmem>> -> memref<32xi32, #tpu.memory_space<vmem>>
    %dma_wait3A_168 = arith.constant 0 : i32
    %dma_wait3A_169 = arith.constant 0 : i32
    %dma_wait3A_170 = tpu.memref_slice %arg2[%dma_wait3A_168, %dma_wait3A_169] : memref<36864x768xf32, #tpu.memory_space<hbm>> -> memref<36864x768xf32, #tpu.memory_space<hbm>>
    tpu.wait_indirect_dma semaphore(%arg15 : memref<!tpu.dma_semaphore, #tpu.memory_space<semaphore_mem>>) src(%dma_wait3A_170 : memref<36864x768xf32, #tpu.memory_space<hbm>>) dst(%arg10 : memref<32x768xf32, #tpu.memory_space<vmem>>)
    %mul3A_171 = arith.constant 32 : i32
    %mul3A_172 = arith.muli %add3A_4, %mul3A_171 : i32
    %dma_start3A_173 = arith.constant 0 : i32
    %dma_start3A_174 = tpu.memref_slice %arg6[%mul3A_172, %dma_start3A_173] : memref<9216x768xf32, #tpu.memory_space<hbm>> -> memref<32x768xf32, #tpu.memory_space<hbm>>
    %dma_start3A_175 = arith.constant 0 : i32
    %dma_start3A_176 = tpu.memref_slice %arg6[%mul3A_172, %dma_start3A_175] : memref<9216x768xf32, #tpu.memory_space<hbm>> -> memref<32x768xf32, #tpu.memory_space<hbm>>
    tpu.enqueue_dma source(%arg10 : memref<32x768xf32, #tpu.memory_space<vmem>>) target(%dma_start3A_176 : memref<32x768xf32, #tpu.memory_space<hbm>>) target_semaphore(%arg20 : memref<!tpu.dma_semaphore, #tpu.memory_space<semaphore_mem>>)
    %dma_start3A_177 = arith.constant 3 : i32
    %dma_start3A_178 = arith.constant 0 : i32
    %dma_start3A_179 = tpu.memref_slice %arg8[%dma_start3A_177, %dma_start3A_178] : memref<9x32xi32, #tpu.memory_space<vmem>> -> memref<1x32xi32, #tpu.memory_space<vmem>>
    %dma_start3A_180 = tpu.memref_squeeze %dma_start3A_179 : memref<1x32xi32, #tpu.memory_space<vmem>> -> memref<32xi32, #tpu.memory_space<vmem>>
    %dma_start3A_181 = arith.constant 0 : i32
    %dma_start3A_182 = arith.constant 0 : i32
    %dma_start3A_183 = tpu.memref_slice %arg2[%dma_start3A_181, %dma_start3A_182] : memref<36864x768xf32, #tpu.memory_space<hbm>> -> memref<36864x768xf32, #tpu.memory_space<hbm>>
    tpu.enqueue_indirect_dma source(%dma_start3A_183 : memref<36864x768xf32, #tpu.memory_space<hbm>>) target(%arg13 : memref<32x768xf32, #tpu.memory_space<vmem>>) offsets(%dma_start3A_180 : memref<32xi32, #tpu.memory_space<vmem>>) semaphore(%arg18 : memref<!tpu.dma_semaphore, #tpu.memory_space<semaphore_mem>>)
    %dma_wait3A_184 = arith.constant 1 : i32
    %dma_wait3A_185 = arith.constant 0 : i32
    %dma_wait3A_186 = tpu.memref_slice %arg8[%dma_wait3A_184, %dma_wait3A_185] : memref<9x32xi32, #tpu.memory_space<vmem>> -> memref<1x32xi32, #tpu.memory_space<vmem>>
    %dma_wait3A_187 = tpu.memref_squeeze %dma_wait3A_186 : memref<1x32xi32, #tpu.memory_space<vmem>> -> memref<32xi32, #tpu.memory_space<vmem>>
    %dma_wait3A_188 = arith.constant 0 : i32
    %dma_wait3A_189 = arith.constant 0 : i32
    %dma_wait3A_190 = tpu.memref_slice %arg2[%dma_wait3A_188, %dma_wait3A_189] : memref<36864x768xf32, #tpu.memory_space<hbm>> -> memref<36864x768xf32, #tpu.memory_space<hbm>>
    tpu.wait_indirect_dma semaphore(%arg16 : memref<!tpu.dma_semaphore, #tpu.memory_space<semaphore_mem>>) src(%dma_wait3A_190 : memref<36864x768xf32, #tpu.memory_space<hbm>>) dst(%arg11 : memref<32x768xf32, #tpu.memory_space<vmem>>)
    %mul3A_191 = arith.constant 32 : i32
    %mul3A_192 = arith.muli %add3A_8, %mul3A_191 : i32
    %dma_start3A_193 = arith.constant 0 : i32
    %dma_start3A_194 = tpu.memref_slice %arg6[%mul3A_192, %dma_start3A_193] : memref<9216x768xf32, #tpu.memory_space<hbm>> -> memref<32x768xf32, #tpu.memory_space<hbm>>
    %dma_start3A_195 = arith.constant 0 : i32
    %dma_start3A_196 = tpu.memref_slice %arg6[%mul3A_192, %dma_start3A_195] : memref<9216x768xf32, #tpu.memory_space<hbm>> -> memref<32x768xf32, #tpu.memory_space<hbm>>
    tpu.enqueue_dma source(%arg11 : memref<32x768xf32, #tpu.memory_space<vmem>>) target(%dma_start3A_196 : memref<32x768xf32, #tpu.memory_space<hbm>>) target_semaphore(%arg21 : memref<!tpu.dma_semaphore, #tpu.memory_space<semaphore_mem>>)
    %dma_start3A_197 = arith.constant 4 : i32
    %dma_start3A_198 = arith.constant 0 : i32
    %dma_start3A_199 = tpu.memref_slice %arg8[%dma_start3A_197, %dma_start3A_198] : memref<9x32xi32, #tpu.memory_space<vmem>> -> memref<1x32xi32, #tpu.memory_space<vmem>>
    %dma_start3A_200 = tpu.memref_squeeze %dma_start3A_199 : memref<1x32xi32, #tpu.memory_space<vmem>> -> memref<32xi32, #tpu.memory_space<vmem>>
    %dma_start3A_201 = arith.constant 0 : i32
    %dma_start3A_202 = arith.constant 0 : i32
    %dma_start3A_203 = tpu.memref_slice %arg2[%dma_start3A_201, %dma_start3A_202] : memref<36864x768xf32, #tpu.memory_space<hbm>> -> memref<36864x768xf32, #tpu.memory_space<hbm>>
    tpu.enqueue_indirect_dma source(%dma_start3A_203 : memref<36864x768xf32, #tpu.memory_space<hbm>>) target(%arg14 : memref<32x768xf32, #tpu.memory_space<vmem>>) offsets(%dma_start3A_200 : memref<32xi32, #tpu.memory_space<vmem>>) semaphore(%arg19 : memref<!tpu.dma_semaphore, #tpu.memory_space<semaphore_mem>>)
    %dma_wait3A_204 = arith.constant 2 : i32
    %dma_wait3A_205 = arith.constant 0 : i32
    %dma_wait3A_206 = tpu.memref_slice %arg8[%dma_wait3A_204, %dma_wait3A_205] : memref<9x32xi32, #tpu.memory_space<vmem>> -> memref<1x32xi32, #tpu.memory_space<vmem>>
    %dma_wait3A_207 = tpu.memref_squeeze %dma_wait3A_206 : memref<1x32xi32, #tpu.memory_space<vmem>> -> memref<32xi32, #tpu.memory_space<vmem>>
    %dma_wait3A_208 = arith.constant 0 : i32
    %dma_wait3A_209 = arith.constant 0 : i32
    %dma_wait3A_210 = tpu.memref_slice %arg2[%dma_wait3A_208, %dma_wait3A_209] : memref<36864x768xf32, #tpu.memory_space<hbm>> -> memref<36864x768xf32, #tpu.memory_space<hbm>>
    tpu.wait_indirect_dma semaphore(%arg17 : memref<!tpu.dma_semaphore, #tpu.memory_space<semaphore_mem>>) src(%dma_wait3A_210 : memref<36864x768xf32, #tpu.memory_space<hbm>>) dst(%arg12 : memref<32x768xf32, #tpu.memory_space<vmem>>)
    %mul3A_211 = arith.constant 32 : i32
    %mul3A_212 = arith.muli %add3A_12, %mul3A_211 : i32
    %dma_start3A_213 = arith.constant 0 : i32
    %dma_start3A_214 = tpu.memref_slice %arg6[%mul3A_212, %dma_start3A_213] : memref<9216x768xf32, #tpu.memory_space<hbm>> -> memref<32x768xf32, #tpu.memory_space<hbm>>
    %dma_start3A_215 = arith.constant 0 : i32
    %dma_start3A_216 = tpu.memref_slice %arg6[%mul3A_212, %dma_start3A_215] : memref<9216x768xf32, #tpu.memory_space<hbm>> -> memref<32x768xf32, #tpu.memory_space<hbm>>
    tpu.enqueue_dma source(%arg12 : memref<32x768xf32, #tpu.memory_space<vmem>>) target(%dma_start3A_216 : memref<32x768xf32, #tpu.memory_space<hbm>>) target_semaphore(%arg22 : memref<!tpu.dma_semaphore, #tpu.memory_space<semaphore_mem>>)
    %dma_wait3A_217 = arith.constant 0 : i32
    %dma_wait3A_218 = tpu.memref_slice %arg6[%mul3A_172, %dma_wait3A_217] : memref<9216x768xf32, #tpu.memory_space<hbm>> -> memref<32x768xf32, #tpu.memory_space<hbm>>
    %dma_wait3A_219 = arith.constant 0 : i32
    %dma_wait3A_220 = tpu.memref_slice %arg6[%mul3A_172, %dma_wait3A_219] : memref<9216x768xf32, #tpu.memory_space<hbm>> -> memref<32x768xf32, #tpu.memory_space<hbm>>
    tpu.wait_dma2 semaphore(%arg20 : memref<!tpu.dma_semaphore, #tpu.memory_space<semaphore_mem>>) src(%arg10 : memref<32x768xf32, #tpu.memory_space<vmem>>) dst(%dma_wait3A_220 : memref<32x768xf32, #tpu.memory_space<hbm>>)
    %dma_start3A_221 = arith.constant 5 : i32
    %dma_start3A_222 = arith.constant 0 : i32
    %dma_start3A_223 = tpu.memref_slice %arg8[%dma_start3A_221, %dma_start3A_222] : memref<9x32xi32, #tpu.memory_space<vmem>> -> memref<1x32xi32, #tpu.memory_space<vmem>>
    %dma_start3A_224 = tpu.memref_squeeze %dma_start3A_223 : memref<1x32xi32, #tpu.memory_space<vmem>> -> memref<32xi32, #tpu.memory_space<vmem>>
    %dma_start3A_225 = arith.constant 0 : i32
    %dma_start3A_226 = arith.constant 0 : i32
    %dma_start3A_227 = tpu.memref_slice %arg2[%dma_start3A_225, %dma_start3A_226] : memref<36864x768xf32, #tpu.memory_space<hbm>> -> memref<36864x768xf32, #tpu.memory_space<hbm>>
    tpu.enqueue_indirect_dma source(%dma_start3A_227 : memref<36864x768xf32, #tpu.memory_space<hbm>>) target(%arg10 : memref<32x768xf32, #tpu.memory_space<vmem>>) offsets(%dma_start3A_224 : memref<32xi32, #tpu.memory_space<vmem>>) semaphore(%arg15 : memref<!tpu.dma_semaphore, #tpu.memory_space<semaphore_mem>>)
    %dma_wait3A_228 = arith.constant 3 : i32
    %dma_wait3A_229 = arith.constant 0 : i32
    %dma_wait3A_230 = tpu.memref_slice %arg8[%dma_wait3A_228, %dma_wait3A_229] : memref<9x32xi32, #tpu.memory_space<vmem>> -> memref<1x32xi32, #tpu.memory_space<vmem>>
    %dma_wait3A_231 = tpu.memref_squeeze %dma_wait3A_230 : memref<1x32xi32, #tpu.memory_space<vmem>> -> memref<32xi32, #tpu.memory_space<vmem>>
    %dma_wait3A_232 = arith.constant 0 : i32
    %dma_wait3A_233 = arith.constant 0 : i32
    %dma_wait3A_234 = tpu.memref_slice %arg2[%dma_wait3A_232, %dma_wait3A_233] : memref<36864x768xf32, #tpu.memory_space<hbm>> -> memref<36864x768xf32, #tpu.memory_space<hbm>>
    tpu.wait_indirect_dma semaphore(%arg18 : memref<!tpu.dma_semaphore, #tpu.memory_space<semaphore_mem>>) src(%dma_wait3A_234 : memref<36864x768xf32, #tpu.memory_space<hbm>>) dst(%arg13 : memref<32x768xf32, #tpu.memory_space<vmem>>)
    %mul3A_235 = arith.constant 32 : i32
    %mul3A_236 = arith.muli %add3A_16, %mul3A_235 : i32
    %dma_start3A_237 = arith.constant 0 : i32
    %dma_start3A_238 = tpu.memref_slice %arg6[%mul3A_236, %dma_start3A_237] : memref<9216x768xf32, #tpu.memory_space<hbm>> -> memref<32x768xf32, #tpu.memory_space<hbm>>
    %dma_start3A_239 = arith.constant 0 : i32
    %dma_start3A_240 = tpu.memref_slice %arg6[%mul3A_236, %dma_start3A_239] : memref<9216x768xf32, #tpu.memory_space<hbm>> -> memref<32x768xf32, #tpu.memory_space<hbm>>
    tpu.enqueue_dma source(%arg13 : memref<32x768xf32, #tpu.memory_space<vmem>>) target(%dma_start3A_240 : memref<32x768xf32, #tpu.memory_space<hbm>>) target_semaphore(%arg23 : memref<!tpu.dma_semaphore, #tpu.memory_space<semaphore_mem>>)
    %dma_wait3A_241 = arith.constant 0 : i32
    %dma_wait3A_242 = tpu.memref_slice %arg6[%mul3A_192, %dma_wait3A_241] : memref<9216x768xf32, #tpu.memory_space<hbm>> -> memref<32x768xf32, #tpu.memory_space<hbm>>
    %dma_wait3A_243 = arith.constant 0 : i32
    %dma_wait3A_244 = tpu.memref_slice %arg6[%mul3A_192, %dma_wait3A_243] : memref<9216x768xf32, #tpu.memory_space<hbm>> -> memref<32x768xf32, #tpu.memory_space<hbm>>
    tpu.wait_dma2 semaphore(%arg21 : memref<!tpu.dma_semaphore, #tpu.memory_space<semaphore_mem>>) src(%arg11 : memref<32x768xf32, #tpu.memory_space<vmem>>) dst(%dma_wait3A_244 : memref<32x768xf32, #tpu.memory_space<hbm>>)
    %dma_start3A_245 = arith.constant 6 : i32
    %dma_start3A_246 = arith.constant 0 : i32
    %dma_start3A_247 = tpu.memref_slice %arg8[%dma_start3A_245, %dma_start3A_246] : memref<9x32xi32, #tpu.memory_space<vmem>> -> memref<1x32xi32, #tpu.memory_space<vmem>>
    %dma_start3A_248 = tpu.memref_squeeze %dma_start3A_247 : memref<1x32xi32, #tpu.memory_space<vmem>> -> memref<32xi32, #tpu.memory_space<vmem>>
    %dma_start3A_249 = arith.constant 0 : i32
    %dma_start3A_250 = arith.constant 0 : i32
    %dma_start3A_251 = tpu.memref_slice %arg2[%dma_start3A_249, %dma_start3A_250] : memref<36864x768xf32, #tpu.memory_space<hbm>> -> memref<36864x768xf32, #tpu.memory_space<hbm>>
    tpu.enqueue_indirect_dma source(%dma_start3A_251 : memref<36864x768xf32, #tpu.memory_space<hbm>>) target(%arg11 : memref<32x768xf32, #tpu.memory_space<vmem>>) offsets(%dma_start3A_248 : memref<32xi32, #tpu.memory_space<vmem>>) semaphore(%arg16 : memref<!tpu.dma_semaphore, #tpu.memory_space<semaphore_mem>>)
    %dma_wait3A_252 = arith.constant 4 : i32
    %dma_wait3A_253 = arith.constant 0 : i32
    %dma_wait3A_254 = tpu.memref_slice %arg8[%dma_wait3A_252, %dma_wait3A_253] : memref<9x32xi32, #tpu.memory_space<vmem>> -> memref<1x32xi32, #tpu.memory_space<vmem>>
    %dma_wait3A_255 = tpu.memref_squeeze %dma_wait3A_254 : memref<1x32xi32, #tpu.memory_space<vmem>> -> memref<32xi32, #tpu.memory_space<vmem>>
    %dma_wait3A_256 = arith.constant 0 : i32
    %dma_wait3A_257 = arith.constant 0 : i32
    %dma_wait3A_258 = tpu.memref_slice %arg2[%dma_wait3A_256, %dma_wait3A_257] : memref<36864x768xf32, #tpu.memory_space<hbm>> -> memref<36864x768xf32, #tpu.memory_space<hbm>>
    tpu.wait_indirect_dma semaphore(%arg19 : memref<!tpu.dma_semaphore, #tpu.memory_space<semaphore_mem>>) src(%dma_wait3A_258 : memref<36864x768xf32, #tpu.memory_space<hbm>>) dst(%arg14 : memref<32x768xf32, #tpu.memory_space<vmem>>)
    %mul3A_259 = arith.constant 32 : i32
    %mul3A_260 = arith.muli %add3A_20, %mul3A_259 : i32
    %dma_start3A_261 = arith.constant 0 : i32
    %dma_start3A_262 = tpu.memref_slice %arg6[%mul3A_260, %dma_start3A_261] : memref<9216x768xf32, #tpu.memory_space<hbm>> -> memref<32x768xf32, #tpu.memory_space<hbm>>
    %dma_start3A_263 = arith.constant 0 : i32
    %dma_start3A_264 = tpu.memref_slice %arg6[%mul3A_260, %dma_start3A_263] : memref<9216x768xf32, #tpu.memory_space<hbm>> -> memref<32x768xf32, #tpu.memory_space<hbm>>
    tpu.enqueue_dma source(%arg14 : memref<32x768xf32, #tpu.memory_space<vmem>>) target(%dma_start3A_264 : memref<32x768xf32, #tpu.memory_space<hbm>>) target_semaphore(%arg24 : memref<!tpu.dma_semaphore, #tpu.memory_space<semaphore_mem>>)
    %dma_wait3A_265 = arith.constant 0 : i32
    %dma_wait3A_266 = tpu.memref_slice %arg6[%mul3A_212, %dma_wait3A_265] : memref<9216x768xf32, #tpu.memory_space<hbm>> -> memref<32x768xf32, #tpu.memory_space<hbm>>
    %dma_wait3A_267 = arith.constant 0 : i32
    %dma_wait3A_268 = tpu.memref_slice %arg6[%mul3A_212, %dma_wait3A_267] : memref<9216x768xf32, #tpu.memory_space<hbm>> -> memref<32x768xf32, #tpu.memory_space<hbm>>
    tpu.wait_dma2 semaphore(%arg22 : memref<!tpu.dma_semaphore, #tpu.memory_space<semaphore_mem>>) src(%arg12 : memref<32x768xf32, #tpu.memory_space<vmem>>) dst(%dma_wait3A_268 : memref<32x768xf32, #tpu.memory_space<hbm>>)
    %dma_start3A_269 = arith.constant 7 : i32
    %dma_start3A_270 = arith.constant 0 : i32
    %dma_start3A_271 = tpu.memref_slice %arg8[%dma_start3A_269, %dma_start3A_270] : memref<9x32xi32, #tpu.memory_space<vmem>> -> memref<1x32xi32, #tpu.memory_space<vmem>>
    %dma_start3A_272 = tpu.memref_squeeze %dma_start3A_271 : memref<1x32xi32, #tpu.memory_space<vmem>> -> memref<32xi32, #tpu.memory_space<vmem>>
    %dma_start3A_273 = arith.constant 0 : i32
    %dma_start3A_274 = arith.constant 0 : i32
    %dma_start3A_275 = tpu.memref_slice %arg2[%dma_start3A_273, %dma_start3A_274] : memref<36864x768xf32, #tpu.memory_space<hbm>> -> memref<36864x768xf32, #tpu.memory_space<hbm>>
    tpu.enqueue_indirect_dma source(%dma_start3A_275 : memref<36864x768xf32, #tpu.memory_space<hbm>>) target(%arg12 : memref<32x768xf32, #tpu.memory_space<vmem>>) offsets(%dma_start3A_272 : memref<32xi32, #tpu.memory_space<vmem>>) semaphore(%arg17 : memref<!tpu.dma_semaphore, #tpu.memory_space<semaphore_mem>>)
    %dma_wait3A_276 = arith.constant 5 : i32
    %dma_wait3A_277 = arith.constant 0 : i32
    %dma_wait3A_278 = tpu.memref_slice %arg8[%dma_wait3A_276, %dma_wait3A_277] : memref<9x32xi32, #tpu.memory_space<vmem>> -> memref<1x32xi32, #tpu.memory_space<vmem>>
    %dma_wait3A_279 = tpu.memref_squeeze %dma_wait3A_278 : memref<1x32xi32, #tpu.memory_space<vmem>> -> memref<32xi32, #tpu.memory_space<vmem>>
    %dma_wait3A_280 = arith.constant 0 : i32
    %dma_wait3A_281 = arith.constant 0 : i32
    %dma_wait3A_282 = tpu.memref_slice %arg2[%dma_wait3A_280, %dma_wait3A_281] : memref<36864x768xf32, #tpu.memory_space<hbm>> -> memref<36864x768xf32, #tpu.memory_space<hbm>>
    tpu.wait_indirect_dma semaphore(%arg15 : memref<!tpu.dma_semaphore, #tpu.memory_space<semaphore_mem>>) src(%dma_wait3A_282 : memref<36864x768xf32, #tpu.memory_space<hbm>>) dst(%arg10 : memref<32x768xf32, #tpu.memory_space<vmem>>)
    %mul3A_283 = arith.constant 32 : i32
    %mul3A_284 = arith.muli %add3A_24, %mul3A_283 : i32
    %dma_start3A_285 = arith.constant 0 : i32
    %dma_start3A_286 = tpu.memref_slice %arg6[%mul3A_284, %dma_start3A_285] : memref<9216x768xf32, #tpu.memory_space<hbm>> -> memref<32x768xf32, #tpu.memory_space<hbm>>
    %dma_start3A_287 = arith.constant 0 : i32
    %dma_start3A_288 = tpu.memref_slice %arg6[%mul3A_284, %dma_start3A_287] : memref<9216x768xf32, #tpu.memory_space<hbm>> -> memref<32x768xf32, #tpu.memory_space<hbm>>
    tpu.enqueue_dma source(%arg10 : memref<32x768xf32, #tpu.memory_space<vmem>>) target(%dma_start3A_288 : memref<32x768xf32, #tpu.memory_space<hbm>>) target_semaphore(%arg20 : memref<!tpu.dma_semaphore, #tpu.memory_space<semaphore_mem>>)
    %dma_wait3A_289 = arith.constant 0 : i32
    %dma_wait3A_290 = tpu.memref_slice %arg6[%mul3A_236, %dma_wait3A_289] : memref<9216x768xf32, #tpu.memory_space<hbm>> -> memref<32x768xf32, #tpu.memory_space<hbm>>
    %dma_wait3A_291 = arith.constant 0 : i32
    %dma_wait3A_292 = tpu.memref_slice %arg6[%mul3A_236, %dma_wait3A_291] : memref<9216x768xf32, #tpu.memory_space<hbm>> -> memref<32x768xf32, #tpu.memory_space<hbm>>
    tpu.wait_dma2 semaphore(%arg23 : memref<!tpu.dma_semaphore, #tpu.memory_space<semaphore_mem>>) src(%arg13 : memref<32x768xf32, #tpu.memory_space<vmem>>) dst(%dma_wait3A_292 : memref<32x768xf32, #tpu.memory_space<hbm>>)
    %dma_start3A_293 = arith.constant 8 : i32
    %dma_start3A_294 = arith.constant 0 : i32
    %dma_start3A_295 = tpu.memref_slice %arg8[%dma_start3A_293, %dma_start3A_294] : memref<9x32xi32, #tpu.memory_space<vmem>> -> memref<1x32xi32, #tpu.memory_space<vmem>>
    %dma_start3A_296 = tpu.memref_squeeze %dma_start3A_295 : memref<1x32xi32, #tpu.memory_space<vmem>> -> memref<32xi32, #tpu.memory_space<vmem>>
    %dma_start3A_297 = arith.constant 0 : i32
    %dma_start3A_298 = arith.constant 0 : i32
    %dma_start3A_299 = tpu.memref_slice %arg2[%dma_start3A_297, %dma_start3A_298] : memref<36864x768xf32, #tpu.memory_space<hbm>> -> memref<36864x768xf32, #tpu.memory_space<hbm>>
    tpu.enqueue_indirect_dma source(%dma_start3A_299 : memref<36864x768xf32, #tpu.memory_space<hbm>>) target(%arg13 : memref<32x768xf32, #tpu.memory_space<vmem>>) offsets(%dma_start3A_296 : memref<32xi32, #tpu.memory_space<vmem>>) semaphore(%arg18 : memref<!tpu.dma_semaphore, #tpu.memory_space<semaphore_mem>>)
    %dma_wait3A_300 = arith.constant 6 : i32
    %dma_wait3A_301 = arith.constant 0 : i32
    %dma_wait3A_302 = tpu.memref_slice %arg8[%dma_wait3A_300, %dma_wait3A_301] : memref<9x32xi32, #tpu.memory_space<vmem>> -> memref<1x32xi32, #tpu.memory_space<vmem>>
    %dma_wait3A_303 = tpu.memref_squeeze %dma_wait3A_302 : memref<1x32xi32, #tpu.memory_space<vmem>> -> memref<32xi32, #tpu.memory_space<vmem>>
    %dma_wait3A_304 = arith.constant 0 : i32
    %dma_wait3A_305 = arith.constant 0 : i32
    %dma_wait3A_306 = tpu.memref_slice %arg2[%dma_wait3A_304, %dma_wait3A_305] : memref<36864x768xf32, #tpu.memory_space<hbm>> -> memref<36864x768xf32, #tpu.memory_space<hbm>>
    tpu.wait_indirect_dma semaphore(%arg16 : memref<!tpu.dma_semaphore, #tpu.memory_space<semaphore_mem>>) src(%dma_wait3A_306 : memref<36864x768xf32, #tpu.memory_space<hbm>>) dst(%arg11 : memref<32x768xf32, #tpu.memory_space<vmem>>)
    %mul3A_307 = arith.constant 32 : i32
    %mul3A_308 = arith.muli %add3A_28, %mul3A_307 : i32
    %dma_start3A_309 = arith.constant 0 : i32
    %dma_start3A_310 = tpu.memref_slice %arg6[%mul3A_308, %dma_start3A_309] : memref<9216x768xf32, #tpu.memory_space<hbm>> -> memref<32x768xf32, #tpu.memory_space<hbm>>
    %dma_start3A_311 = arith.constant 0 : i32
    %dma_start3A_312 = tpu.memref_slice %arg6[%mul3A_308, %dma_start3A_311] : memref<9216x768xf32, #tpu.memory_space<hbm>> -> memref<32x768xf32, #tpu.memory_space<hbm>>
    tpu.enqueue_dma source(%arg11 : memref<32x768xf32, #tpu.memory_space<vmem>>) target(%dma_start3A_312 : memref<32x768xf32, #tpu.memory_space<hbm>>) target_semaphore(%arg21 : memref<!tpu.dma_semaphore, #tpu.memory_space<semaphore_mem>>)
    %dma_wait3A_313 = arith.constant 0 : i32
    %dma_wait3A_314 = tpu.memref_slice %arg6[%mul3A_260, %dma_wait3A_313] : memref<9216x768xf32, #tpu.memory_space<hbm>> -> memref<32x768xf32, #tpu.memory_space<hbm>>
    %dma_wait3A_315 = arith.constant 0 : i32
    %dma_wait3A_316 = tpu.memref_slice %arg6[%mul3A_260, %dma_wait3A_315] : memref<9216x768xf32, #tpu.memory_space<hbm>> -> memref<32x768xf32, #tpu.memory_space<hbm>>
    tpu.wait_dma2 semaphore(%arg24 : memref<!tpu.dma_semaphore, #tpu.memory_space<semaphore_mem>>) src(%arg14 : memref<32x768xf32, #tpu.memory_space<vmem>>) dst(%dma_wait3A_316 : memref<32x768xf32, #tpu.memory_space<hbm>>)
    %dma_start3A_317 = arith.constant 0 : i32
    %dma_start3A_318 = arith.constant 0 : i32
    %dma_start3A_319 = tpu.memref_slice %arg9[%dma_start3A_317, %dma_start3A_318] : memref<27x32xi32, #tpu.memory_space<vmem>> -> memref<1x32xi32, #tpu.memory_space<vmem>>
    %dma_start3A_320 = tpu.memref_squeeze %dma_start3A_319 : memref<1x32xi32, #tpu.memory_space<vmem>> -> memref<32xi32, #tpu.memory_space<vmem>>
    %dma_start3A_321 = arith.constant 0 : i32
    %dma_start3A_322 = arith.constant 0 : i32
    %dma_start3A_323 = tpu.memref_slice %arg3[%dma_start3A_321, %dma_start3A_322] : memref<36864x768xf32, #tpu.memory_space<hbm>> -> memref<36864x768xf32, #tpu.memory_space<hbm>>
    tpu.enqueue_indirect_dma source(%dma_start3A_323 : memref<36864x768xf32, #tpu.memory_space<hbm>>) target(%arg14 : memref<32x768xf32, #tpu.memory_space<vmem>>) offsets(%dma_start3A_320 : memref<32xi32, #tpu.memory_space<vmem>>) semaphore(%arg19 : memref<!tpu.dma_semaphore, #tpu.memory_space<semaphore_mem>>)
    %dma_wait3A_324 = arith.constant 7 : i32
    %dma_wait3A_325 = arith.constant 0 : i32
    %dma_wait3A_326 = tpu.memref_slice %arg8[%dma_wait3A_324, %dma_wait3A_325] : memref<9x32xi32, #tpu.memory_space<vmem>> -> memref<1x32xi32, #tpu.memory_space<vmem>>
    %dma_wait3A_327 = tpu.memref_squeeze %dma_wait3A_326 : memref<1x32xi32, #tpu.memory_space<vmem>> -> memref<32xi32, #tpu.memory_space<vmem>>
    %dma_wait3A_328 = arith.constant 0 : i32
    %dma_wait3A_329 = arith.constant 0 : i32
    %dma_wait3A_330 = tpu.memref_slice %arg2[%dma_wait3A_328, %dma_wait3A_329] : memref<36864x768xf32, #tpu.memory_space<hbm>> -> memref<36864x768xf32, #tpu.memory_space<hbm>>
    tpu.wait_indirect_dma semaphore(%arg17 : memref<!tpu.dma_semaphore, #tpu.memory_space<semaphore_mem>>) src(%dma_wait3A_330 : memref<36864x768xf32, #tpu.memory_space<hbm>>) dst(%arg12 : memref<32x768xf32, #tpu.memory_space<vmem>>)
    %mul3A_331 = arith.constant 32 : i32
    %mul3A_332 = arith.muli %add3A_32, %mul3A_331 : i32
    %dma_start3A_333 = arith.constant 0 : i32
    %dma_start3A_334 = tpu.memref_slice %arg6[%mul3A_332, %dma_start3A_333] : memref<9216x768xf32, #tpu.memory_space<hbm>> -> memref<32x768xf32, #tpu.memory_space<hbm>>
    %dma_start3A_335 = arith.constant 0 : i32
    %dma_start3A_336 = tpu.memref_slice %arg6[%mul3A_332, %dma_start3A_335] : memref<9216x768xf32, #tpu.memory_space<hbm>> -> memref<32x768xf32, #tpu.memory_space<hbm>>
    tpu.enqueue_dma source(%arg12 : memref<32x768xf32, #tpu.memory_space<vmem>>) target(%dma_start3A_336 : memref<32x768xf32, #tpu.memory_space<hbm>>) target_semaphore(%arg22 : memref<!tpu.dma_semaphore, #tpu.memory_space<semaphore_mem>>)
    %dma_wait3A_337 = arith.constant 0 : i32
    %dma_wait3A_338 = tpu.memref_slice %arg6[%mul3A_284, %dma_wait3A_337] : memref<9216x768xf32, #tpu.memory_space<hbm>> -> memref<32x768xf32, #tpu.memory_space<hbm>>
    %dma_wait3A_339 = arith.constant 0 : i32
    %dma_wait3A_340 = tpu.memref_slice %arg6[%mul3A_284, %dma_wait3A_339] : memref<9216x768xf32, #tpu.memory_space<hbm>> -> memref<32x768xf32, #tpu.memory_space<hbm>>
    tpu.wait_dma2 semaphore(%arg20 : memref<!tpu.dma_semaphore, #tpu.memory_space<semaphore_mem>>) src(%arg10 : memref<32x768xf32, #tpu.memory_space<vmem>>) dst(%dma_wait3A_340 : memref<32x768xf32, #tpu.memory_space<hbm>>)
    %dma_start3A_341 = arith.constant 1 : i32
    %dma_start3A_342 = arith.constant 0 : i32
    %dma_start3A_343 = tpu.memref_slice %arg9[%dma_start3A_341, %dma_start3A_342] : memref<27x32xi32, #tpu.memory_space<vmem>> -> memref<1x32xi32, #tpu.memory_space<vmem>>
    %dma_start3A_344 = tpu.memref_squeeze %dma_start3A_343 : memref<1x32xi32, #tpu.memory_space<vmem>> -> memref<32xi32, #tpu.memory_space<vmem>>
    %dma_start3A_345 = arith.constant 0 : i32
    %dma_start3A_346 = arith.constant 0 : i32
    %dma_start3A_347 = tpu.memref_slice %arg3[%dma_start3A_345, %dma_start3A_346] : memref<36864x768xf32, #tpu.memory_space<hbm>> -> memref<36864x768xf32, #tpu.memory_space<hbm>>
    tpu.enqueue_indirect_dma source(%dma_start3A_347 : memref<36864x768xf32, #tpu.memory_space<hbm>>) target(%arg10 : memref<32x768xf32, #tpu.memory_space<vmem>>) offsets(%dma_start3A_344 : memref<32xi32, #tpu.memory_space<vmem>>) semaphore(%arg15 : memref<!tpu.dma_semaphore, #tpu.memory_space<semaphore_mem>>)
    %dma_wait3A_348 = arith.constant 8 : i32
    %dma_wait3A_349 = arith.constant 0 : i32
    %dma_wait3A_350 = tpu.memref_slice %arg8[%dma_wait3A_348, %dma_wait3A_349] : memref<9x32xi32, #tpu.memory_space<vmem>> -> memref<1x32xi32, #tpu.memory_space<vmem>>
    %dma_wait3A_351 = tpu.memref_squeeze %dma_wait3A_350 : memref<1x32xi32, #tpu.memory_space<vmem>> -> memref<32xi32, #tpu.memory_space<vmem>>
    %dma_wait3A_352 = arith.constant 0 : i32
    %dma_wait3A_353 = arith.constant 0 : i32
    %dma_wait3A_354 = tpu.memref_slice %arg2[%dma_wait3A_352, %dma_wait3A_353] : memref<36864x768xf32, #tpu.memory_space<hbm>> -> memref<36864x768xf32, #tpu.memory_space<hbm>>
    tpu.wait_indirect_dma semaphore(%arg18 : memref<!tpu.dma_semaphore, #tpu.memory_space<semaphore_mem>>) src(%dma_wait3A_354 : memref<36864x768xf32, #tpu.memory_space<hbm>>) dst(%arg13 : memref<32x768xf32, #tpu.memory_space<vmem>>)
    %mul3A_355 = arith.constant 32 : i32
    %mul3A_356 = arith.muli %add3A_36, %mul3A_355 : i32
    %dma_start3A_357 = arith.constant 0 : i32
    %dma_start3A_358 = tpu.memref_slice %arg6[%mul3A_356, %dma_start3A_357] : memref<9216x768xf32, #tpu.memory_space<hbm>> -> memref<32x768xf32, #tpu.memory_space<hbm>>
    %dma_start3A_359 = arith.constant 0 : i32
    %dma_start3A_360 = tpu.memref_slice %arg6[%mul3A_356, %dma_start3A_359] : memref<9216x768xf32, #tpu.memory_space<hbm>> -> memref<32x768xf32, #tpu.memory_space<hbm>>
    tpu.enqueue_dma source(%arg13 : memref<32x768xf32, #tpu.memory_space<vmem>>) target(%dma_start3A_360 : memref<32x768xf32, #tpu.memory_space<hbm>>) target_semaphore(%arg23 : memref<!tpu.dma_semaphore, #tpu.memory_space<semaphore_mem>>)
    %dma_wait3A_361 = arith.constant 0 : i32
    %dma_wait3A_362 = tpu.memref_slice %arg6[%mul3A_308, %dma_wait3A_361] : memref<9216x768xf32, #tpu.memory_space<hbm>> -> memref<32x768xf32, #tpu.memory_space<hbm>>
    %dma_wait3A_363 = arith.constant 0 : i32
    %dma_wait3A_364 = tpu.memref_slice %arg6[%mul3A_308, %dma_wait3A_363] : memref<9216x768xf32, #tpu.memory_space<hbm>> -> memref<32x768xf32, #tpu.memory_space<hbm>>
    tpu.wait_dma2 semaphore(%arg21 : memref<!tpu.dma_semaphore, #tpu.memory_space<semaphore_mem>>) src(%arg11 : memref<32x768xf32, #tpu.memory_space<vmem>>) dst(%dma_wait3A_364 : memref<32x768xf32, #tpu.memory_space<hbm>>)
    %dma_start3A_365 = arith.constant 2 : i32
    %dma_start3A_366 = arith.constant 0 : i32
    %dma_start3A_367 = tpu.memref_slice %arg9[%dma_start3A_365, %dma_start3A_366] : memref<27x32xi32, #tpu.memory_space<vmem>> -> memref<1x32xi32, #tpu.memory_space<vmem>>
    %dma_start3A_368 = tpu.memref_squeeze %dma_start3A_367 : memref<1x32xi32, #tpu.memory_space<vmem>> -> memref<32xi32, #tpu.memory_space<vmem>>
    %dma_start3A_369 = arith.constant 0 : i32
    %dma_start3A_370 = arith.constant 0 : i32
    %dma_start3A_371 = tpu.memref_slice %arg3[%dma_start3A_369, %dma_start3A_370] : memref<36864x768xf32, #tpu.memory_space<hbm>> -> memref<36864x768xf32, #tpu.memory_space<hbm>>
    tpu.enqueue_indirect_dma source(%dma_start3A_371 : memref<36864x768xf32, #tpu.memory_space<hbm>>) target(%arg11 : memref<32x768xf32, #tpu.memory_space<vmem>>) offsets(%dma_start3A_368 : memref<32xi32, #tpu.memory_space<vmem>>) semaphore(%arg16 : memref<!tpu.dma_semaphore, #tpu.memory_space<semaphore_mem>>)
    %dma_wait3A_372 = arith.constant 0 : i32
    %dma_wait3A_373 = arith.constant 0 : i32
    %dma_wait3A_374 = tpu.memref_slice %arg9[%dma_wait3A_372, %dma_wait3A_373] : memref<27x32xi32, #tpu.memory_space<vmem>> -> memref<1x32xi32, #tpu.memory_space<vmem>>
    %dma_wait3A_375 = tpu.memref_squeeze %dma_wait3A_374 : memref<1x32xi32, #tpu.memory_space<vmem>> -> memref<32xi32, #tpu.memory_space<vmem>>
    %dma_wait3A_376 = arith.constant 0 : i32
    %dma_wait3A_377 = arith.constant 0 : i32
    %dma_wait3A_378 = tpu.memref_slice %arg3[%dma_wait3A_376, %dma_wait3A_377] : memref<36864x768xf32, #tpu.memory_space<hbm>> -> memref<36864x768xf32, #tpu.memory_space<hbm>>
    tpu.wait_indirect_dma semaphore(%arg19 : memref<!tpu.dma_semaphore, #tpu.memory_space<semaphore_mem>>) src(%dma_wait3A_378 : memref<36864x768xf32, #tpu.memory_space<hbm>>) dst(%arg14 : memref<32x768xf32, #tpu.memory_space<vmem>>)
    %mul3A_379 = arith.constant 32 : i32
    %mul3A_380 = arith.muli %add3A_40, %mul3A_379 : i32
    %dma_start3A_381 = arith.constant 0 : i32
    %dma_start3A_382 = tpu.memref_slice %arg7[%mul3A_380, %dma_start3A_381] : memref<27648x768xf32, #tpu.memory_space<hbm>> -> memref<32x768xf32, #tpu.memory_space<hbm>>
    %dma_start3A_383 = arith.constant 0 : i32
    %dma_start3A_384 = tpu.memref_slice %arg7[%mul3A_380, %dma_start3A_383] : memref<27648x768xf32, #tpu.memory_space<hbm>> -> memref<32x768xf32, #tpu.memory_space<hbm>>
    tpu.enqueue_dma source(%arg14 : memref<32x768xf32, #tpu.memory_space<vmem>>) target(%dma_start3A_384 : memref<32x768xf32, #tpu.memory_space<hbm>>) target_semaphore(%arg24 : memref<!tpu.dma_semaphore, #tpu.memory_space<semaphore_mem>>)
    %dma_wait3A_385 = arith.constant 0 : i32
    %dma_wait3A_386 = tpu.memref_slice %arg6[%mul3A_332, %dma_wait3A_385] : memref<9216x768xf32, #tpu.memory_space<hbm>> -> memref<32x768xf32, #tpu.memory_space<hbm>>
    %dma_wait3A_387 = arith.constant 0 : i32
    %dma_wait3A_388 = tpu.memref_slice %arg6[%mul3A_332, %dma_wait3A_387] : memref<9216x768xf32, #tpu.memory_space<hbm>> -> memref<32x768xf32, #tpu.memory_space<hbm>>
    tpu.wait_dma2 semaphore(%arg22 : memref<!tpu.dma_semaphore, #tpu.memory_space<semaphore_mem>>) src(%arg12 : memref<32x768xf32, #tpu.memory_space<vmem>>) dst(%dma_wait3A_388 : memref<32x768xf32, #tpu.memory_space<hbm>>)
    %dma_start3A_389 = arith.constant 3 : i32
    %dma_start3A_390 = arith.constant 0 : i32
    %dma_start3A_391 = tpu.memref_slice %arg9[%dma_start3A_389, %dma_start3A_390] : memref<27x32xi32, #tpu.memory_space<vmem>> -> memref<1x32xi32, #tpu.memory_space<vmem>>
    %dma_start3A_392 = tpu.memref_squeeze %dma_start3A_391 : memref<1x32xi32, #tpu.memory_space<vmem>> -> memref<32xi32, #tpu.memory_space<vmem>>
    %dma_start3A_393 = arith.constant 0 : i32
    %dma_start3A_394 = arith.constant 0 : i32
    %dma_start3A_395 = tpu.memref_slice %arg3[%dma_start3A_393, %dma_start3A_394] : memref<36864x768xf32, #tpu.memory_space<hbm>> -> memref<36864x768xf32, #tpu.memory_space<hbm>>
    tpu.enqueue_indirect_dma source(%dma_start3A_395 : memref<36864x768xf32, #tpu.memory_space<hbm>>) target(%arg12 : memref<32x768xf32, #tpu.memory_space<vmem>>) offsets(%dma_start3A_392 : memref<32xi32, #tpu.memory_space<vmem>>) semaphore(%arg17 : memref<!tpu.dma_semaphore, #tpu.memory_space<semaphore_mem>>)
    %dma_wait3A_396 = arith.constant 1 : i32
    %dma_wait3A_397 = arith.constant 0 : i32
    %dma_wait3A_398 = tpu.memref_slice %arg9[%dma_wait3A_396, %dma_wait3A_397] : memref<27x32xi32, #tpu.memory_space<vmem>> -> memref<1x32xi32, #tpu.memory_space<vmem>>
    %dma_wait3A_399 = tpu.memref_squeeze %dma_wait3A_398 : memref<1x32xi32, #tpu.memory_space<vmem>> -> memref<32xi32, #tpu.memory_space<vmem>>
    %dma_wait3A_400 = arith.constant 0 : i32
    %dma_wait3A_401 = arith.constant 0 : i32
    %dma_wait3A_402 = tpu.memref_slice %arg3[%dma_wait3A_400, %dma_wait3A_401] : memref<36864x768xf32, #tpu.memory_space<hbm>> -> memref<36864x768xf32, #tpu.memory_space<hbm>>
    tpu.wait_indirect_dma semaphore(%arg15 : memref<!tpu.dma_semaphore, #tpu.memory_space<semaphore_mem>>) src(%dma_wait3A_402 : memref<36864x768xf32, #tpu.memory_space<hbm>>) dst(%arg10 : memref<32x768xf32, #tpu.memory_space<vmem>>)
    %mul3A_403 = arith.constant 32 : i32
    %mul3A_404 = arith.muli %add3A_44, %mul3A_403 : i32
    %dma_start3A_405 = arith.constant 0 : i32
    %dma_start3A_406 = tpu.memref_slice %arg7[%mul3A_404, %dma_start3A_405] : memref<27648x768xf32, #tpu.memory_space<hbm>> -> memref<32x768xf32, #tpu.memory_space<hbm>>
    %dma_start3A_407 = arith.constant 0 : i32
    %dma_start3A_408 = tpu.memref_slice %arg7[%mul3A_404, %dma_start3A_407] : memref<27648x768xf32, #tpu.memory_space<hbm>> -> memref<32x768xf32, #tpu.memory_space<hbm>>
    tpu.enqueue_dma source(%arg10 : memref<32x768xf32, #tpu.memory_space<vmem>>) target(%dma_start3A_408 : memref<32x768xf32, #tpu.memory_space<hbm>>) target_semaphore(%arg20 : memref<!tpu.dma_semaphore, #tpu.memory_space<semaphore_mem>>)
    %dma_wait3A_409 = arith.constant 0 : i32
    %dma_wait3A_410 = tpu.memref_slice %arg6[%mul3A_356, %dma_wait3A_409] : memref<9216x768xf32, #tpu.memory_space<hbm>> -> memref<32x768xf32, #tpu.memory_space<hbm>>
    %dma_wait3A_411 = arith.constant 0 : i32
    %dma_wait3A_412 = tpu.memref_slice %arg6[%mul3A_356, %dma_wait3A_411] : memref<9216x768xf32, #tpu.memory_space<hbm>> -> memref<32x768xf32, #tpu.memory_space<hbm>>
    tpu.wait_dma2 semaphore(%arg23 : memref<!tpu.dma_semaphore, #tpu.memory_space<semaphore_mem>>) src(%arg13 : memref<32x768xf32, #tpu.memory_space<vmem>>) dst(%dma_wait3A_412 : memref<32x768xf32, #tpu.memory_space<hbm>>)
    %dma_start3A_413 = arith.constant 4 : i32
    %dma_start3A_414 = arith.constant 0 : i32
    %dma_start3A_415 = tpu.memref_slice %arg9[%dma_start3A_413, %dma_start3A_414] : memref<27x32xi32, #tpu.memory_space<vmem>> -> memref<1x32xi32, #tpu.memory_space<vmem>>
    %dma_start3A_416 = tpu.memref_squeeze %dma_start3A_415 : memref<1x32xi32, #tpu.memory_space<vmem>> -> memref<32xi32, #tpu.memory_space<vmem>>
    %dma_start3A_417 = arith.constant 0 : i32
    %dma_start3A_418 = arith.constant 0 : i32
    %dma_start3A_419 = tpu.memref_slice %arg3[%dma_start3A_417, %dma_start3A_418] : memref<36864x768xf32, #tpu.memory_space<hbm>> -> memref<36864x768xf32, #tpu.memory_space<hbm>>
    tpu.enqueue_indirect_dma source(%dma_start3A_419 : memref<36864x768xf32, #tpu.memory_space<hbm>>) target(%arg13 : memref<32x768xf32, #tpu.memory_space<vmem>>) offsets(%dma_start3A_416 : memref<32xi32, #tpu.memory_space<vmem>>) semaphore(%arg18 : memref<!tpu.dma_semaphore, #tpu.memory_space<semaphore_mem>>)
    %dma_wait3A_420 = arith.constant 2 : i32
    %dma_wait3A_421 = arith.constant 0 : i32
    %dma_wait3A_422 = tpu.memref_slice %arg9[%dma_wait3A_420, %dma_wait3A_421] : memref<27x32xi32, #tpu.memory_space<vmem>> -> memref<1x32xi32, #tpu.memory_space<vmem>>
    %dma_wait3A_423 = tpu.memref_squeeze %dma_wait3A_422 : memref<1x32xi32, #tpu.memory_space<vmem>> -> memref<32xi32, #tpu.memory_space<vmem>>
    %dma_wait3A_424 = arith.constant 0 : i32
    %dma_wait3A_425 = arith.constant 0 : i32
    %dma_wait3A_426 = tpu.memref_slice %arg3[%dma_wait3A_424, %dma_wait3A_425] : memref<36864x768xf32, #tpu.memory_space<hbm>> -> memref<36864x768xf32, #tpu.memory_space<hbm>>
    tpu.wait_indirect_dma semaphore(%arg16 : memref<!tpu.dma_semaphore, #tpu.memory_space<semaphore_mem>>) src(%dma_wait3A_426 : memref<36864x768xf32, #tpu.memory_space<hbm>>) dst(%arg11 : memref<32x768xf32, #tpu.memory_space<vmem>>)
    %mul3A_427 = arith.constant 32 : i32
    %mul3A_428 = arith.muli %add3A_48, %mul3A_427 : i32
    %dma_start3A_429 = arith.constant 0 : i32
    %dma_start3A_430 = tpu.memref_slice %arg7[%mul3A_428, %dma_start3A_429] : memref<27648x768xf32, #tpu.memory_space<hbm>> -> memref<32x768xf32, #tpu.memory_space<hbm>>
    %dma_start3A_431 = arith.constant 0 : i32
    %dma_start3A_432 = tpu.memref_slice %arg7[%mul3A_428, %dma_start3A_431] : memref<27648x768xf32, #tpu.memory_space<hbm>> -> memref<32x768xf32, #tpu.memory_space<hbm>>
    tpu.enqueue_dma source(%arg11 : memref<32x768xf32, #tpu.memory_space<vmem>>) target(%dma_start3A_432 : memref<32x768xf32, #tpu.memory_space<hbm>>) target_semaphore(%arg21 : memref<!tpu.dma_semaphore, #tpu.memory_space<semaphore_mem>>)
    %dma_wait3A_433 = arith.constant 0 : i32
    %dma_wait3A_434 = tpu.memref_slice %arg7[%mul3A_380, %dma_wait3A_433] : memref<27648x768xf32, #tpu.memory_space<hbm>> -> memref<32x768xf32, #tpu.memory_space<hbm>>
    %dma_wait3A_435 = arith.constant 0 : i32
    %dma_wait3A_436 = tpu.memref_slice %arg7[%mul3A_380, %dma_wait3A_435] : memref<27648x768xf32, #tpu.memory_space<hbm>> -> memref<32x768xf32, #tpu.memory_space<hbm>>
    tpu.wait_dma2 semaphore(%arg24 : memref<!tpu.dma_semaphore, #tpu.memory_space<semaphore_mem>>) src(%arg14 : memref<32x768xf32, #tpu.memory_space<vmem>>) dst(%dma_wait3A_436 : memref<32x768xf32, #tpu.memory_space<hbm>>)
    %dma_start3A_437 = arith.constant 5 : i32
    %dma_start3A_438 = arith.constant 0 : i32
    %dma_start3A_439 = tpu.memref_slice %arg9[%dma_start3A_437, %dma_start3A_438] : memref<27x32xi32, #tpu.memory_space<vmem>> -> memref<1x32xi32, #tpu.memory_space<vmem>>
    %dma_start3A_440 = tpu.memref_squeeze %dma_start3A_439 : memref<1x32xi32, #tpu.memory_space<vmem>> -> memref<32xi32, #tpu.memory_space<vmem>>
    %dma_start3A_441 = arith.constant 0 : i32
    %dma_start3A_442 = arith.constant 0 : i32
    %dma_start3A_443 = tpu.memref_slice %arg3[%dma_start3A_441, %dma_start3A_442] : memref<36864x768xf32, #tpu.memory_space<hbm>> -> memref<36864x768xf32, #tpu.memory_space<hbm>>
    tpu.enqueue_indirect_dma source(%dma_start3A_443 : memref<36864x768xf32, #tpu.memory_space<hbm>>) target(%arg14 : memref<32x768xf32, #tpu.memory_space<vmem>>) offsets(%dma_start3A_440 : memref<32xi32, #tpu.memory_space<vmem>>) semaphore(%arg19 : memref<!tpu.dma_semaphore, #tpu.memory_space<semaphore_mem>>)
    %dma_wait3A_444 = arith.constant 3 : i32
    %dma_wait3A_445 = arith.constant 0 : i32
    %dma_wait3A_446 = tpu.memref_slice %arg9[%dma_wait3A_444, %dma_wait3A_445] : memref<27x32xi32, #tpu.memory_space<vmem>> -> memref<1x32xi32, #tpu.memory_space<vmem>>
    %dma_wait3A_447 = tpu.memref_squeeze %dma_wait3A_446 : memref<1x32xi32, #tpu.memory_space<vmem>> -> memref<32xi32, #tpu.memory_space<vmem>>
    %dma_wait3A_448 = arith.constant 0 : i32
    %dma_wait3A_449 = arith.constant 0 : i32
    %dma_wait3A_450 = tpu.memref_slice %arg3[%dma_wait3A_448, %dma_wait3A_449] : memref<36864x768xf32, #tpu.memory_space<hbm>> -> memref<36864x768xf32, #tpu.memory_space<hbm>>
    tpu.wait_indirect_dma semaphore(%arg17 : memref<!tpu.dma_semaphore, #tpu.memory_space<semaphore_mem>>) src(%dma_wait3A_450 : memref<36864x768xf32, #tpu.memory_space<hbm>>) dst(%arg12 : memref<32x768xf32, #tpu.memory_space<vmem>>)
    %mul3A_451 = arith.constant 32 : i32
    %mul3A_452 = arith.muli %add3A_52, %mul3A_451 : i32
    %dma_start3A_453 = arith.constant 0 : i32
    %dma_start3A_454 = tpu.memref_slice %arg7[%mul3A_452, %dma_start3A_453] : memref<27648x768xf32, #tpu.memory_space<hbm>> -> memref<32x768xf32, #tpu.memory_space<hbm>>
    %dma_start3A_455 = arith.constant 0 : i32
    %dma_start3A_456 = tpu.memref_slice %arg7[%mul3A_452, %dma_start3A_455] : memref<27648x768xf32, #tpu.memory_space<hbm>> -> memref<32x768xf32, #tpu.memory_space<hbm>>
    tpu.enqueue_dma source(%arg12 : memref<32x768xf32, #tpu.memory_space<vmem>>) target(%dma_start3A_456 : memref<32x768xf32, #tpu.memory_space<hbm>>) target_semaphore(%arg22 : memref<!tpu.dma_semaphore, #tpu.memory_space<semaphore_mem>>)
    %dma_wait3A_457 = arith.constant 0 : i32
    %dma_wait3A_458 = tpu.memref_slice %arg7[%mul3A_404, %dma_wait3A_457] : memref<27648x768xf32, #tpu.memory_space<hbm>> -> memref<32x768xf32, #tpu.memory_space<hbm>>
    %dma_wait3A_459 = arith.constant 0 : i32
    %dma_wait3A_460 = tpu.memref_slice %arg7[%mul3A_404, %dma_wait3A_459] : memref<27648x768xf32, #tpu.memory_space<hbm>> -> memref<32x768xf32, #tpu.memory_space<hbm>>
    tpu.wait_dma2 semaphore(%arg20 : memref<!tpu.dma_semaphore, #tpu.memory_space<semaphore_mem>>) src(%arg10 : memref<32x768xf32, #tpu.memory_space<vmem>>) dst(%dma_wait3A_460 : memref<32x768xf32, #tpu.memory_space<hbm>>)
    %dma_start3A_461 = arith.constant 6 : i32
    %dma_start3A_462 = arith.constant 0 : i32
    %dma_start3A_463 = tpu.memref_slice %arg9[%dma_start3A_461, %dma_start3A_462] : memref<27x32xi32, #tpu.memory_space<vmem>> -> memref<1x32xi32, #tpu.memory_space<vmem>>
    %dma_start3A_464 = tpu.memref_squeeze %dma_start3A_463 : memref<1x32xi32, #tpu.memory_space<vmem>> -> memref<32xi32, #tpu.memory_space<vmem>>
    %dma_start3A_465 = arith.constant 0 : i32
    %dma_start3A_466 = arith.constant 0 : i32
    %dma_start3A_467 = tpu.memref_slice %arg3[%dma_start3A_465, %dma_start3A_466] : memref<36864x768xf32, #tpu.memory_space<hbm>> -> memref<36864x768xf32, #tpu.memory_space<hbm>>
    tpu.enqueue_indirect_dma source(%dma_start3A_467 : memref<36864x768xf32, #tpu.memory_space<hbm>>) target(%arg10 : memref<32x768xf32, #tpu.memory_space<vmem>>) offsets(%dma_start3A_464 : memref<32xi32, #tpu.memory_space<vmem>>) semaphore(%arg15 : memref<!tpu.dma_semaphore, #tpu.memory_space<semaphore_mem>>)
    %dma_wait3A_468 = arith.constant 4 : i32
    %dma_wait3A_469 = arith.constant 0 : i32
    %dma_wait3A_470 = tpu.memref_slice %arg9[%dma_wait3A_468, %dma_wait3A_469] : memref<27x32xi32, #tpu.memory_space<vmem>> -> memref<1x32xi32, #tpu.memory_space<vmem>>
    %dma_wait3A_471 = tpu.memref_squeeze %dma_wait3A_470 : memref<1x32xi32, #tpu.memory_space<vmem>> -> memref<32xi32, #tpu.memory_space<vmem>>
    %dma_wait3A_472 = arith.constant 0 : i32
    %dma_wait3A_473 = arith.constant 0 : i32
    %dma_wait3A_474 = tpu.memref_slice %arg3[%dma_wait3A_472, %dma_wait3A_473] : memref<36864x768xf32, #tpu.memory_space<hbm>> -> memref<36864x768xf32, #tpu.memory_space<hbm>>
    tpu.wait_indirect_dma semaphore(%arg18 : memref<!tpu.dma_semaphore, #tpu.memory_space<semaphore_mem>>) src(%dma_wait3A_474 : memref<36864x768xf32, #tpu.memory_space<hbm>>) dst(%arg13 : memref<32x768xf32, #tpu.memory_space<vmem>>)
    %mul3A_475 = arith.constant 32 : i32
    %mul3A_476 = arith.muli %add3A_56, %mul3A_475 : i32
    %dma_start3A_477 = arith.constant 0 : i32
    %dma_start3A_478 = tpu.memref_slice %arg7[%mul3A_476, %dma_start3A_477] : memref<27648x768xf32, #tpu.memory_space<hbm>> -> memref<32x768xf32, #tpu.memory_space<hbm>>
    %dma_start3A_479 = arith.constant 0 : i32
    %dma_start3A_480 = tpu.memref_slice %arg7[%mul3A_476, %dma_start3A_479] : memref<27648x768xf32, #tpu.memory_space<hbm>> -> memref<32x768xf32, #tpu.memory_space<hbm>>
    tpu.enqueue_dma source(%arg13 : memref<32x768xf32, #tpu.memory_space<vmem>>) target(%dma_start3A_480 : memref<32x768xf32, #tpu.memory_space<hbm>>) target_semaphore(%arg23 : memref<!tpu.dma_semaphore, #tpu.memory_space<semaphore_mem>>)
    %dma_wait3A_481 = arith.constant 0 : i32
    %dma_wait3A_482 = tpu.memref_slice %arg7[%mul3A_428, %dma_wait3A_481] : memref<27648x768xf32, #tpu.memory_space<hbm>> -> memref<32x768xf32, #tpu.memory_space<hbm>>
    %dma_wait3A_483 = arith.constant 0 : i32
    %dma_wait3A_484 = tpu.memref_slice %arg7[%mul3A_428, %dma_wait3A_483] : memref<27648x768xf32, #tpu.memory_space<hbm>> -> memref<32x768xf32, #tpu.memory_space<hbm>>
    tpu.wait_dma2 semaphore(%arg21 : memref<!tpu.dma_semaphore, #tpu.memory_space<semaphore_mem>>) src(%arg11 : memref<32x768xf32, #tpu.memory_space<vmem>>) dst(%dma_wait3A_484 : memref<32x768xf32, #tpu.memory_space<hbm>>)
    %dma_start3A_485 = arith.constant 7 : i32
    %dma_start3A_486 = arith.constant 0 : i32
    %dma_start3A_487 = tpu.memref_slice %arg9[%dma_start3A_485, %dma_start3A_486] : memref<27x32xi32, #tpu.memory_space<vmem>> -> memref<1x32xi32, #tpu.memory_space<vmem>>
    %dma_start3A_488 = tpu.memref_squeeze %dma_start3A_487 : memref<1x32xi32, #tpu.memory_space<vmem>> -> memref<32xi32, #tpu.memory_space<vmem>>
    %dma_start3A_489 = arith.constant 0 : i32
    %dma_start3A_490 = arith.constant 0 : i32
    %dma_start3A_491 = tpu.memref_slice %arg3[%dma_start3A_489, %dma_start3A_490] : memref<36864x768xf32, #tpu.memory_space<hbm>> -> memref<36864x768xf32, #tpu.memory_space<hbm>>
    tpu.enqueue_indirect_dma source(%dma_start3A_491 : memref<36864x768xf32, #tpu.memory_space<hbm>>) target(%arg11 : memref<32x768xf32, #tpu.memory_space<vmem>>) offsets(%dma_start3A_488 : memref<32xi32, #tpu.memory_space<vmem>>) semaphore(%arg16 : memref<!tpu.dma_semaphore, #tpu.memory_space<semaphore_mem>>)
    %dma_wait3A_492 = arith.constant 5 : i32
    %dma_wait3A_493 = arith.constant 0 : i32
    %dma_wait3A_494 = tpu.memref_slice %arg9[%dma_wait3A_492, %dma_wait3A_493] : memref<27x32xi32, #tpu.memory_space<vmem>> -> memref<1x32xi32, #tpu.memory_space<vmem>>
    %dma_wait3A_495 = tpu.memref_squeeze %dma_wait3A_494 : memref<1x32xi32, #tpu.memory_space<vmem>> -> memref<32xi32, #tpu.memory_space<vmem>>
    %dma_wait3A_496 = arith.constant 0 : i32
    %dma_wait3A_497 = arith.constant 0 : i32
    %dma_wait3A_498 = tpu.memref_slice %arg3[%dma_wait3A_496, %dma_wait3A_497] : memref<36864x768xf32, #tpu.memory_space<hbm>> -> memref<36864x768xf32, #tpu.memory_space<hbm>>
    tpu.wait_indirect_dma semaphore(%arg19 : memref<!tpu.dma_semaphore, #tpu.memory_space<semaphore_mem>>) src(%dma_wait3A_498 : memref<36864x768xf32, #tpu.memory_space<hbm>>) dst(%arg14 : memref<32x768xf32, #tpu.memory_space<vmem>>)
    %mul3A_499 = arith.constant 32 : i32
    %mul3A_500 = arith.muli %add3A_60, %mul3A_499 : i32
    %dma_start3A_501 = arith.constant 0 : i32
    %dma_start3A_502 = tpu.memref_slice %arg7[%mul3A_500, %dma_start3A_501] : memref<27648x768xf32, #tpu.memory_space<hbm>> -> memref<32x768xf32, #tpu.memory_space<hbm>>
    %dma_start3A_503 = arith.constant 0 : i32
    %dma_start3A_504 = tpu.memref_slice %arg7[%mul3A_500, %dma_start3A_503] : memref<27648x768xf32, #tpu.memory_space<hbm>> -> memref<32x768xf32, #tpu.memory_space<hbm>>
    tpu.enqueue_dma source(%arg14 : memref<32x768xf32, #tpu.memory_space<vmem>>) target(%dma_start3A_504 : memref<32x768xf32, #tpu.memory_space<hbm>>) target_semaphore(%arg24 : memref<!tpu.dma_semaphore, #tpu.memory_space<semaphore_mem>>)
    %dma_wait3A_505 = arith.constant 0 : i32
    %dma_wait3A_506 = tpu.memref_slice %arg7[%mul3A_452, %dma_wait3A_505] : memref<27648x768xf32, #tpu.memory_space<hbm>> -> memref<32x768xf32, #tpu.memory_space<hbm>>
    %dma_wait3A_507 = arith.constant 0 : i32
    %dma_wait3A_508 = tpu.memref_slice %arg7[%mul3A_452, %dma_wait3A_507] : memref<27648x768xf32, #tpu.memory_space<hbm>> -> memref<32x768xf32, #tpu.memory_space<hbm>>
    tpu.wait_dma2 semaphore(%arg22 : memref<!tpu.dma_semaphore, #tpu.memory_space<semaphore_mem>>) src(%arg12 : memref<32x768xf32, #tpu.memory_space<vmem>>) dst(%dma_wait3A_508 : memref<32x768xf32, #tpu.memory_space<hbm>>)
    %dma_start3A_509 = arith.constant 8 : i32
    %dma_start3A_510 = arith.constant 0 : i32
    %dma_start3A_511 = tpu.memref_slice %arg9[%dma_start3A_509, %dma_start3A_510] : memref<27x32xi32, #tpu.memory_space<vmem>> -> memref<1x32xi32, #tpu.memory_space<vmem>>
    %dma_start3A_512 = tpu.memref_squeeze %dma_start3A_511 : memref<1x32xi32, #tpu.memory_space<vmem>> -> memref<32xi32, #tpu.memory_space<vmem>>
    %dma_start3A_513 = arith.constant 0 : i32
    %dma_start3A_514 = arith.constant 0 : i32
    %dma_start3A_515 = tpu.memref_slice %arg3[%dma_start3A_513, %dma_start3A_514] : memref<36864x768xf32, #tpu.memory_space<hbm>> -> memref<36864x768xf32, #tpu.memory_space<hbm>>
    tpu.enqueue_indirect_dma source(%dma_start3A_515 : memref<36864x768xf32, #tpu.memory_space<hbm>>) target(%arg12 : memref<32x768xf32, #tpu.memory_space<vmem>>) offsets(%dma_start3A_512 : memref<32xi32, #tpu.memory_space<vmem>>) semaphore(%arg17 : memref<!tpu.dma_semaphore, #tpu.memory_space<semaphore_mem>>)
    %dma_wait3A_516 = arith.constant 6 : i32
    %dma_wait3A_517 = arith.constant 0 : i32
    %dma_wait3A_518 = tpu.memref_slice %arg9[%dma_wait3A_516, %dma_wait3A_517] : memref<27x32xi32, #tpu.memory_space<vmem>> -> memref<1x32xi32, #tpu.memory_space<vmem>>
    %dma_wait3A_519 = tpu.memref_squeeze %dma_wait3A_518 : memref<1x32xi32, #tpu.memory_space<vmem>> -> memref<32xi32, #tpu.memory_space<vmem>>
    %dma_wait3A_520 = arith.constant 0 : i32
    %dma_wait3A_521 = arith.constant 0 : i32
    %dma_wait3A_522 = tpu.memref_slice %arg3[%dma_wait3A_520, %dma_wait3A_521] : memref<36864x768xf32, #tpu.memory_space<hbm>> -> memref<36864x768xf32, #tpu.memory_space<hbm>>
    tpu.wait_indirect_dma semaphore(%arg15 : memref<!tpu.dma_semaphore, #tpu.memory_space<semaphore_mem>>) src(%dma_wait3A_522 : memref<36864x768xf32, #tpu.memory_space<hbm>>) dst(%arg10 : memref<32x768xf32, #tpu.memory_space<vmem>>)
    %mul3A_523 = arith.constant 32 : i32
    %mul3A_524 = arith.muli %add3A_64, %mul3A_523 : i32
    %dma_start3A_525 = arith.constant 0 : i32
    %dma_start3A_526 = tpu.memref_slice %arg7[%mul3A_524, %dma_start3A_525] : memref<27648x768xf32, #tpu.memory_space<hbm>> -> memref<32x768xf32, #tpu.memory_space<hbm>>
    %dma_start3A_527 = arith.constant 0 : i32
    %dma_start3A_528 = tpu.memref_slice %arg7[%mul3A_524, %dma_start3A_527] : memref<27648x768xf32, #tpu.memory_space<hbm>> -> memref<32x768xf32, #tpu.memory_space<hbm>>
    tpu.enqueue_dma source(%arg10 : memref<32x768xf32, #tpu.memory_space<vmem>>) target(%dma_start3A_528 : memref<32x768xf32, #tpu.memory_space<hbm>>) target_semaphore(%arg20 : memref<!tpu.dma_semaphore, #tpu.memory_space<semaphore_mem>>)
    %dma_wait3A_529 = arith.constant 0 : i32
    %dma_wait3A_530 = tpu.memref_slice %arg7[%mul3A_476, %dma_wait3A_529] : memref<27648x768xf32, #tpu.memory_space<hbm>> -> memref<32x768xf32, #tpu.memory_space<hbm>>
    %dma_wait3A_531 = arith.constant 0 : i32
    %dma_wait3A_532 = tpu.memref_slice %arg7[%mul3A_476, %dma_wait3A_531] : memref<27648x768xf32, #tpu.memory_space<hbm>> -> memref<32x768xf32, #tpu.memory_space<hbm>>
    tpu.wait_dma2 semaphore(%arg23 : memref<!tpu.dma_semaphore, #tpu.memory_space<semaphore_mem>>) src(%arg13 : memref<32x768xf32, #tpu.memory_space<vmem>>) dst(%dma_wait3A_532 : memref<32x768xf32, #tpu.memory_space<hbm>>)
    %dma_start3A_533 = arith.constant 9 : i32
    %dma_start3A_534 = arith.constant 0 : i32
    %dma_start3A_535 = tpu.memref_slice %arg9[%dma_start3A_533, %dma_start3A_534] : memref<27x32xi32, #tpu.memory_space<vmem>> -> memref<1x32xi32, #tpu.memory_space<vmem>>
    %dma_start3A_536 = tpu.memref_squeeze %dma_start3A_535 : memref<1x32xi32, #tpu.memory_space<vmem>> -> memref<32xi32, #tpu.memory_space<vmem>>
    %dma_start3A_537 = arith.constant 0 : i32
    %dma_start3A_538 = arith.constant 0 : i32
    %dma_start3A_539 = tpu.memref_slice %arg3[%dma_start3A_537, %dma_start3A_538] : memref<36864x768xf32, #tpu.memory_space<hbm>> -> memref<36864x768xf32, #tpu.memory_space<hbm>>
    tpu.enqueue_indirect_dma source(%dma_start3A_539 : memref<36864x768xf32, #tpu.memory_space<hbm>>) target(%arg13 : memref<32x768xf32, #tpu.memory_space<vmem>>) offsets(%dma_start3A_536 : memref<32xi32, #tpu.memory_space<vmem>>) semaphore(%arg18 : memref<!tpu.dma_semaphore, #tpu.memory_space<semaphore_mem>>)
    %dma_wait3A_540 = arith.constant 7 : i32
    %dma_wait3A_541 = arith.constant 0 : i32
    %dma_wait3A_542 = tpu.memref_slice %arg9[%dma_wait3A_540, %dma_wait3A_541] : memref<27x32xi32, #tpu.memory_space<vmem>> -> memref<1x32xi32, #tpu.memory_space<vmem>>
    %dma_wait3A_543 = tpu.memref_squeeze %dma_wait3A_542 : memref<1x32xi32, #tpu.memory_space<vmem>> -> memref<32xi32, #tpu.memory_space<vmem>>
    %dma_wait3A_544 = arith.constant 0 : i32
    %dma_wait3A_545 = arith.constant 0 : i32
    %dma_wait3A_546 = tpu.memref_slice %arg3[%dma_wait3A_544, %dma_wait3A_545] : memref<36864x768xf32, #tpu.memory_space<hbm>> -> memref<36864x768xf32, #tpu.memory_space<hbm>>
    tpu.wait_indirect_dma semaphore(%arg16 : memref<!tpu.dma_semaphore, #tpu.memory_space<semaphore_mem>>) src(%dma_wait3A_546 : memref<36864x768xf32, #tpu.memory_space<hbm>>) dst(%arg11 : memref<32x768xf32, #tpu.memory_space<vmem>>)
    %mul3A_547 = arith.constant 32 : i32
    %mul3A_548 = arith.muli %add3A_68, %mul3A_547 : i32
    %dma_start3A_549 = arith.constant 0 : i32
    %dma_start3A_550 = tpu.memref_slice %arg7[%mul3A_548, %dma_start3A_549] : memref<27648x768xf32, #tpu.memory_space<hbm>> -> memref<32x768xf32, #tpu.memory_space<hbm>>
    %dma_start3A_551 = arith.constant 0 : i32
    %dma_start3A_552 = tpu.memref_slice %arg7[%mul3A_548, %dma_start3A_551] : memref<27648x768xf32, #tpu.memory_space<hbm>> -> memref<32x768xf32, #tpu.memory_space<hbm>>
    tpu.enqueue_dma source(%arg11 : memref<32x768xf32, #tpu.memory_space<vmem>>) target(%dma_start3A_552 : memref<32x768xf32, #tpu.memory_space<hbm>>) target_semaphore(%arg21 : memref<!tpu.dma_semaphore, #tpu.memory_space<semaphore_mem>>)
    %dma_wait3A_553 = arith.constant 0 : i32
    %dma_wait3A_554 = tpu.memref_slice %arg7[%mul3A_500, %dma_wait3A_553] : memref<27648x768xf32, #tpu.memory_space<hbm>> -> memref<32x768xf32, #tpu.memory_space<hbm>>
    %dma_wait3A_555 = arith.constant 0 : i32
    %dma_wait3A_556 = tpu.memref_slice %arg7[%mul3A_500, %dma_wait3A_555] : memref<27648x768xf32, #tpu.memory_space<hbm>> -> memref<32x768xf32, #tpu.memory_space<hbm>>
    tpu.wait_dma2 semaphore(%arg24 : memref<!tpu.dma_semaphore, #tpu.memory_space<semaphore_mem>>) src(%arg14 : memref<32x768xf32, #tpu.memory_space<vmem>>) dst(%dma_wait3A_556 : memref<32x768xf32, #tpu.memory_space<hbm>>)
    %dma_start3A_557 = arith.constant 10 : i32
    %dma_start3A_558 = arith.constant 0 : i32
    %dma_start3A_559 = tpu.memref_slice %arg9[%dma_start3A_557, %dma_start3A_558] : memref<27x32xi32, #tpu.memory_space<vmem>> -> memref<1x32xi32, #tpu.memory_space<vmem>>
    %dma_start3A_560 = tpu.memref_squeeze %dma_start3A_559 : memref<1x32xi32, #tpu.memory_space<vmem>> -> memref<32xi32, #tpu.memory_space<vmem>>
    %dma_start3A_561 = arith.constant 0 : i32
    %dma_start3A_562 = arith.constant 0 : i32
    %dma_start3A_563 = tpu.memref_slice %arg3[%dma_start3A_561, %dma_start3A_562] : memref<36864x768xf32, #tpu.memory_space<hbm>> -> memref<36864x768xf32, #tpu.memory_space<hbm>>
    tpu.enqueue_indirect_dma source(%dma_start3A_563 : memref<36864x768xf32, #tpu.memory_space<hbm>>) target(%arg14 : memref<32x768xf32, #tpu.memory_space<vmem>>) offsets(%dma_start3A_560 : memref<32xi32, #tpu.memory_space<vmem>>) semaphore(%arg19 : memref<!tpu.dma_semaphore, #tpu.memory_space<semaphore_mem>>)
    %dma_wait3A_564 = arith.constant 8 : i32
    %dma_wait3A_565 = arith.constant 0 : i32
    %dma_wait3A_566 = tpu.memref_slice %arg9[%dma_wait3A_564, %dma_wait3A_565] : memref<27x32xi32, #tpu.memory_space<vmem>> -> memref<1x32xi32, #tpu.memory_space<vmem>>
    %dma_wait3A_567 = tpu.memref_squeeze %dma_wait3A_566 : memref<1x32xi32, #tpu.memory_space<vmem>> -> memref<32xi32, #tpu.memory_space<vmem>>
    %dma_wait3A_568 = arith.constant 0 : i32
    %dma_wait3A_569 = arith.constant 0 : i32
    %dma_wait3A_570 = tpu.memref_slice %arg3[%dma_wait3A_568, %dma_wait3A_569] : memref<36864x768xf32, #tpu.memory_space<hbm>> -> memref<36864x768xf32, #tpu.memory_space<hbm>>
    tpu.wait_indirect_dma semaphore(%arg17 : memref<!tpu.dma_semaphore, #tpu.memory_space<semaphore_mem>>) src(%dma_wait3A_570 : memref<36864x768xf32, #tpu.memory_space<hbm>>) dst(%arg12 : memref<32x768xf32, #tpu.memory_space<vmem>>)
    %mul3A_571 = arith.constant 32 : i32
    %mul3A_572 = arith.muli %add3A_72, %mul3A_571 : i32
    %dma_start3A_573 = arith.constant 0 : i32
    %dma_start3A_574 = tpu.memref_slice %arg7[%mul3A_572, %dma_start3A_573] : memref<27648x768xf32, #tpu.memory_space<hbm>> -> memref<32x768xf32, #tpu.memory_space<hbm>>
    %dma_start3A_575 = arith.constant 0 : i32
    %dma_start3A_576 = tpu.memref_slice %arg7[%mul3A_572, %dma_start3A_575] : memref<27648x768xf32, #tpu.memory_space<hbm>> -> memref<32x768xf32, #tpu.memory_space<hbm>>
    tpu.enqueue_dma source(%arg12 : memref<32x768xf32, #tpu.memory_space<vmem>>) target(%dma_start3A_576 : memref<32x768xf32, #tpu.memory_space<hbm>>) target_semaphore(%arg22 : memref<!tpu.dma_semaphore, #tpu.memory_space<semaphore_mem>>)
    %dma_wait3A_577 = arith.constant 0 : i32
    %dma_wait3A_578 = tpu.memref_slice %arg7[%mul3A_524, %dma_wait3A_577] : memref<27648x768xf32, #tpu.memory_space<hbm>> -> memref<32x768xf32, #tpu.memory_space<hbm>>
    %dma_wait3A_579 = arith.constant 0 : i32
    %dma_wait3A_580 = tpu.memref_slice %arg7[%mul3A_524, %dma_wait3A_579] : memref<27648x768xf32, #tpu.memory_space<hbm>> -> memref<32x768xf32, #tpu.memory_space<hbm>>
    tpu.wait_dma2 semaphore(%arg20 : memref<!tpu.dma_semaphore, #tpu.memory_space<semaphore_mem>>) src(%arg10 : memref<32x768xf32, #tpu.memory_space<vmem>>) dst(%dma_wait3A_580 : memref<32x768xf32, #tpu.memory_space<hbm>>)
    %dma_start3A_581 = arith.constant 11 : i32
    %dma_start3A_582 = arith.constant 0 : i32
    %dma_start3A_583 = tpu.memref_slice %arg9[%dma_start3A_581, %dma_start3A_582] : memref<27x32xi32, #tpu.memory_space<vmem>> -> memref<1x32xi32, #tpu.memory_space<vmem>>
    %dma_start3A_584 = tpu.memref_squeeze %dma_start3A_583 : memref<1x32xi32, #tpu.memory_space<vmem>> -> memref<32xi32, #tpu.memory_space<vmem>>
    %dma_start3A_585 = arith.constant 0 : i32
    %dma_start3A_586 = arith.constant 0 : i32
    %dma_start3A_587 = tpu.memref_slice %arg3[%dma_start3A_585, %dma_start3A_586] : memref<36864x768xf32, #tpu.memory_space<hbm>> -> memref<36864x768xf32, #tpu.memory_space<hbm>>
    tpu.enqueue_indirect_dma source(%dma_start3A_587 : memref<36864x768xf32, #tpu.memory_space<hbm>>) target(%arg10 : memref<32x768xf32, #tpu.memory_space<vmem>>) offsets(%dma_start3A_584 : memref<32xi32, #tpu.memory_space<vmem>>) semaphore(%arg15 : memref<!tpu.dma_semaphore, #tpu.memory_space<semaphore_mem>>)
    %dma_wait3A_588 = arith.constant 9 : i32
    %dma_wait3A_589 = arith.constant 0 : i32
    %dma_wait3A_590 = tpu.memref_slice %arg9[%dma_wait3A_588, %dma_wait3A_589] : memref<27x32xi32, #tpu.memory_space<vmem>> -> memref<1x32xi32, #tpu.memory_space<vmem>>
    %dma_wait3A_591 = tpu.memref_squeeze %dma_wait3A_590 : memref<1x32xi32, #tpu.memory_space<vmem>> -> memref<32xi32, #tpu.memory_space<vmem>>
    %dma_wait3A_592 = arith.constant 0 : i32
    %dma_wait3A_593 = arith.constant 0 : i32
    %dma_wait3A_594 = tpu.memref_slice %arg3[%dma_wait3A_592, %dma_wait3A_593] : memref<36864x768xf32, #tpu.memory_space<hbm>> -> memref<36864x768xf32, #tpu.memory_space<hbm>>
    tpu.wait_indirect_dma semaphore(%arg18 : memref<!tpu.dma_semaphore, #tpu.memory_space<semaphore_mem>>) src(%dma_wait3A_594 : memref<36864x768xf32, #tpu.memory_space<hbm>>) dst(%arg13 : memref<32x768xf32, #tpu.memory_space<vmem>>)
    %mul3A_595 = arith.constant 32 : i32
    %mul3A_596 = arith.muli %add3A_76, %mul3A_595 : i32
    %dma_start3A_597 = arith.constant 0 : i32
    %dma_start3A_598 = tpu.memref_slice %arg7[%mul3A_596, %dma_start3A_597] : memref<27648x768xf32, #tpu.memory_space<hbm>> -> memref<32x768xf32, #tpu.memory_space<hbm>>
    %dma_start3A_599 = arith.constant 0 : i32
    %dma_start3A_600 = tpu.memref_slice %arg7[%mul3A_596, %dma_start3A_599] : memref<27648x768xf32, #tpu.memory_space<hbm>> -> memref<32x768xf32, #tpu.memory_space<hbm>>
    tpu.enqueue_dma source(%arg13 : memref<32x768xf32, #tpu.memory_space<vmem>>) target(%dma_start3A_600 : memref<32x768xf32, #tpu.memory_space<hbm>>) target_semaphore(%arg23 : memref<!tpu.dma_semaphore, #tpu.memory_space<semaphore_mem>>)
    %dma_wait3A_601 = arith.constant 0 : i32
    %dma_wait3A_602 = tpu.memref_slice %arg7[%mul3A_548, %dma_wait3A_601] : memref<27648x768xf32, #tpu.memory_space<hbm>> -> memref<32x768xf32, #tpu.memory_space<hbm>>
    %dma_wait3A_603 = arith.constant 0 : i32
    %dma_wait3A_604 = tpu.memref_slice %arg7[%mul3A_548, %dma_wait3A_603] : memref<27648x768xf32, #tpu.memory_space<hbm>> -> memref<32x768xf32, #tpu.memory_space<hbm>>
    tpu.wait_dma2 semaphore(%arg21 : memref<!tpu.dma_semaphore, #tpu.memory_space<semaphore_mem>>) src(%arg11 : memref<32x768xf32, #tpu.memory_space<vmem>>) dst(%dma_wait3A_604 : memref<32x768xf32, #tpu.memory_space<hbm>>)
    %dma_start3A_605 = arith.constant 12 : i32
    %dma_start3A_606 = arith.constant 0 : i32
    %dma_start3A_607 = tpu.memref_slice %arg9[%dma_start3A_605, %dma_start3A_606] : memref<27x32xi32, #tpu.memory_space<vmem>> -> memref<1x32xi32, #tpu.memory_space<vmem>>
    %dma_start3A_608 = tpu.memref_squeeze %dma_start3A_607 : memref<1x32xi32, #tpu.memory_space<vmem>> -> memref<32xi32, #tpu.memory_space<vmem>>
    %dma_start3A_609 = arith.constant 0 : i32
    %dma_start3A_610 = arith.constant 0 : i32
    %dma_start3A_611 = tpu.memref_slice %arg3[%dma_start3A_609, %dma_start3A_610] : memref<36864x768xf32, #tpu.memory_space<hbm>> -> memref<36864x768xf32, #tpu.memory_space<hbm>>
    tpu.enqueue_indirect_dma source(%dma_start3A_611 : memref<36864x768xf32, #tpu.memory_space<hbm>>) target(%arg11 : memref<32x768xf32, #tpu.memory_space<vmem>>) offsets(%dma_start3A_608 : memref<32xi32, #tpu.memory_space<vmem>>) semaphore(%arg16 : memref<!tpu.dma_semaphore, #tpu.memory_space<semaphore_mem>>)
    %dma_wait3A_612 = arith.constant 10 : i32
    %dma_wait3A_613 = arith.constant 0 : i32
    %dma_wait3A_614 = tpu.memref_slice %arg9[%dma_wait3A_612, %dma_wait3A_613] : memref<27x32xi32, #tpu.memory_space<vmem>> -> memref<1x32xi32, #tpu.memory_space<vmem>>
    %dma_wait3A_615 = tpu.memref_squeeze %dma_wait3A_614 : memref<1x32xi32, #tpu.memory_space<vmem>> -> memref<32xi32, #tpu.memory_space<vmem>>
    %dma_wait3A_616 = arith.constant 0 : i32
    %dma_wait3A_617 = arith.constant 0 : i32
    %dma_wait3A_618 = tpu.memref_slice %arg3[%dma_wait3A_616, %dma_wait3A_617] : memref<36864x768xf32, #tpu.memory_space<hbm>> -> memref<36864x768xf32, #tpu.memory_space<hbm>>
    tpu.wait_indirect_dma semaphore(%arg19 : memref<!tpu.dma_semaphore, #tpu.memory_space<semaphore_mem>>) src(%dma_wait3A_618 : memref<36864x768xf32, #tpu.memory_space<hbm>>) dst(%arg14 : memref<32x768xf32, #tpu.memory_space<vmem>>)
    %mul3A_619 = arith.constant 32 : i32
    %mul3A_620 = arith.muli %add3A_80, %mul3A_619 : i32
    %dma_start3A_621 = arith.constant 0 : i32
    %dma_start3A_622 = tpu.memref_slice %arg7[%mul3A_620, %dma_start3A_621] : memref<27648x768xf32, #tpu.memory_space<hbm>> -> memref<32x768xf32, #tpu.memory_space<hbm>>
    %dma_start3A_623 = arith.constant 0 : i32
    %dma_start3A_624 = tpu.memref_slice %arg7[%mul3A_620, %dma_start3A_623] : memref<27648x768xf32, #tpu.memory_space<hbm>> -> memref<32x768xf32, #tpu.memory_space<hbm>>
    tpu.enqueue_dma source(%arg14 : memref<32x768xf32, #tpu.memory_space<vmem>>) target(%dma_start3A_624 : memref<32x768xf32, #tpu.memory_space<hbm>>) target_semaphore(%arg24 : memref<!tpu.dma_semaphore, #tpu.memory_space<semaphore_mem>>)
    %dma_wait3A_625 = arith.constant 0 : i32
    %dma_wait3A_626 = tpu.memref_slice %arg7[%mul3A_572, %dma_wait3A_625] : memref<27648x768xf32, #tpu.memory_space<hbm>> -> memref<32x768xf32, #tpu.memory_space<hbm>>
    %dma_wait3A_627 = arith.constant 0 : i32
    %dma_wait3A_628 = tpu.memref_slice %arg7[%mul3A_572, %dma_wait3A_627] : memref<27648x768xf32, #tpu.memory_space<hbm>> -> memref<32x768xf32, #tpu.memory_space<hbm>>
    tpu.wait_dma2 semaphore(%arg22 : memref<!tpu.dma_semaphore, #tpu.memory_space<semaphore_mem>>) src(%arg12 : memref<32x768xf32, #tpu.memory_space<vmem>>) dst(%dma_wait3A_628 : memref<32x768xf32, #tpu.memory_space<hbm>>)
    %dma_start3A_629 = arith.constant 13 : i32
    %dma_start3A_630 = arith.constant 0 : i32
    %dma_start3A_631 = tpu.memref_slice %arg9[%dma_start3A_629, %dma_start3A_630] : memref<27x32xi32, #tpu.memory_space<vmem>> -> memref<1x32xi32, #tpu.memory_space<vmem>>
    %dma_start3A_632 = tpu.memref_squeeze %dma_start3A_631 : memref<1x32xi32, #tpu.memory_space<vmem>> -> memref<32xi32, #tpu.memory_space<vmem>>
    %dma_start3A_633 = arith.constant 0 : i32
    %dma_start3A_634 = arith.constant 0 : i32
    %dma_start3A_635 = tpu.memref_slice %arg3[%dma_start3A_633, %dma_start3A_634] : memref<36864x768xf32, #tpu.memory_space<hbm>> -> memref<36864x768xf32, #tpu.memory_space<hbm>>
    tpu.enqueue_indirect_dma source(%dma_start3A_635 : memref<36864x768xf32, #tpu.memory_space<hbm>>) target(%arg12 : memref<32x768xf32, #tpu.memory_space<vmem>>) offsets(%dma_start3A_632 : memref<32xi32, #tpu.memory_space<vmem>>) semaphore(%arg17 : memref<!tpu.dma_semaphore, #tpu.memory_space<semaphore_mem>>)
    %dma_wait3A_636 = arith.constant 11 : i32
    %dma_wait3A_637 = arith.constant 0 : i32
    %dma_wait3A_638 = tpu.memref_slice %arg9[%dma_wait3A_636, %dma_wait3A_637] : memref<27x32xi32, #tpu.memory_space<vmem>> -> memref<1x32xi32, #tpu.memory_space<vmem>>
    %dma_wait3A_639 = tpu.memref_squeeze %dma_wait3A_638 : memref<1x32xi32, #tpu.memory_space<vmem>> -> memref<32xi32, #tpu.memory_space<vmem>>
    %dma_wait3A_640 = arith.constant 0 : i32
    %dma_wait3A_641 = arith.constant 0 : i32
    %dma_wait3A_642 = tpu.memref_slice %arg3[%dma_wait3A_640, %dma_wait3A_641] : memref<36864x768xf32, #tpu.memory_space<hbm>> -> memref<36864x768xf32, #tpu.memory_space<hbm>>
    tpu.wait_indirect_dma semaphore(%arg15 : memref<!tpu.dma_semaphore, #tpu.memory_space<semaphore_mem>>) src(%dma_wait3A_642 : memref<36864x768xf32, #tpu.memory_space<hbm>>) dst(%arg10 : memref<32x768xf32, #tpu.memory_space<vmem>>)
    %mul3A_643 = arith.constant 32 : i32
    %mul3A_644 = arith.muli %add3A_84, %mul3A_643 : i32
    %dma_start3A_645 = arith.constant 0 : i32
    %dma_start3A_646 = tpu.memref_slice %arg7[%mul3A_644, %dma_start3A_645] : memref<27648x768xf32, #tpu.memory_space<hbm>> -> memref<32x768xf32, #tpu.memory_space<hbm>>
    %dma_start3A_647 = arith.constant 0 : i32
    %dma_start3A_648 = tpu.memref_slice %arg7[%mul3A_644, %dma_start3A_647] : memref<27648x768xf32, #tpu.memory_space<hbm>> -> memref<32x768xf32, #tpu.memory_space<hbm>>
    tpu.enqueue_dma source(%arg10 : memref<32x768xf32, #tpu.memory_space<vmem>>) target(%dma_start3A_648 : memref<32x768xf32, #tpu.memory_space<hbm>>) target_semaphore(%arg20 : memref<!tpu.dma_semaphore, #tpu.memory_space<semaphore_mem>>)
    %dma_wait3A_649 = arith.constant 0 : i32
    %dma_wait3A_650 = tpu.memref_slice %arg7[%mul3A_596, %dma_wait3A_649] : memref<27648x768xf32, #tpu.memory_space<hbm>> -> memref<32x768xf32, #tpu.memory_space<hbm>>
    %dma_wait3A_651 = arith.constant 0 : i32
    %dma_wait3A_652 = tpu.memref_slice %arg7[%mul3A_596, %dma_wait3A_651] : memref<27648x768xf32, #tpu.memory_space<hbm>> -> memref<32x768xf32, #tpu.memory_space<hbm>>
    tpu.wait_dma2 semaphore(%arg23 : memref<!tpu.dma_semaphore, #tpu.memory_space<semaphore_mem>>) src(%arg13 : memref<32x768xf32, #tpu.memory_space<vmem>>) dst(%dma_wait3A_652 : memref<32x768xf32, #tpu.memory_space<hbm>>)
    %dma_start3A_653 = arith.constant 14 : i32
    %dma_start3A_654 = arith.constant 0 : i32
    %dma_start3A_655 = tpu.memref_slice %arg9[%dma_start3A_653, %dma_start3A_654] : memref<27x32xi32, #tpu.memory_space<vmem>> -> memref<1x32xi32, #tpu.memory_space<vmem>>
    %dma_start3A_656 = tpu.memref_squeeze %dma_start3A_655 : memref<1x32xi32, #tpu.memory_space<vmem>> -> memref<32xi32, #tpu.memory_space<vmem>>
    %dma_start3A_657 = arith.constant 0 : i32
    %dma_start3A_658 = arith.constant 0 : i32
    %dma_start3A_659 = tpu.memref_slice %arg3[%dma_start3A_657, %dma_start3A_658] : memref<36864x768xf32, #tpu.memory_space<hbm>> -> memref<36864x768xf32, #tpu.memory_space<hbm>>
    tpu.enqueue_indirect_dma source(%dma_start3A_659 : memref<36864x768xf32, #tpu.memory_space<hbm>>) target(%arg13 : memref<32x768xf32, #tpu.memory_space<vmem>>) offsets(%dma_start3A_656 : memref<32xi32, #tpu.memory_space<vmem>>) semaphore(%arg18 : memref<!tpu.dma_semaphore, #tpu.memory_space<semaphore_mem>>)
    %dma_wait3A_660 = arith.constant 12 : i32
    %dma_wait3A_661 = arith.constant 0 : i32
    %dma_wait3A_662 = tpu.memref_slice %arg9[%dma_wait3A_660, %dma_wait3A_661] : memref<27x32xi32, #tpu.memory_space<vmem>> -> memref<1x32xi32, #tpu.memory_space<vmem>>
    %dma_wait3A_663 = tpu.memref_squeeze %dma_wait3A_662 : memref<1x32xi32, #tpu.memory_space<vmem>> -> memref<32xi32, #tpu.memory_space<vmem>>
    %dma_wait3A_664 = arith.constant 0 : i32
    %dma_wait3A_665 = arith.constant 0 : i32
    %dma_wait3A_666 = tpu.memref_slice %arg3[%dma_wait3A_664, %dma_wait3A_665] : memref<36864x768xf32, #tpu.memory_space<hbm>> -> memref<36864x768xf32, #tpu.memory_space<hbm>>
    tpu.wait_indirect_dma semaphore(%arg16 : memref<!tpu.dma_semaphore, #tpu.memory_space<semaphore_mem>>) src(%dma_wait3A_666 : memref<36864x768xf32, #tpu.memory_space<hbm>>) dst(%arg11 : memref<32x768xf32, #tpu.memory_space<vmem>>)
    %mul3A_667 = arith.constant 32 : i32
    %mul3A_668 = arith.muli %add3A_88, %mul3A_667 : i32
    %dma_start3A_669 = arith.constant 0 : i32
    %dma_start3A_670 = tpu.memref_slice %arg7[%mul3A_668, %dma_start3A_669] : memref<27648x768xf32, #tpu.memory_space<hbm>> -> memref<32x768xf32, #tpu.memory_space<hbm>>
    %dma_start3A_671 = arith.constant 0 : i32
    %dma_start3A_672 = tpu.memref_slice %arg7[%mul3A_668, %dma_start3A_671] : memref<27648x768xf32, #tpu.memory_space<hbm>> -> memref<32x768xf32, #tpu.memory_space<hbm>>
    tpu.enqueue_dma source(%arg11 : memref<32x768xf32, #tpu.memory_space<vmem>>) target(%dma_start3A_672 : memref<32x768xf32, #tpu.memory_space<hbm>>) target_semaphore(%arg21 : memref<!tpu.dma_semaphore, #tpu.memory_space<semaphore_mem>>)
    %dma_wait3A_673 = arith.constant 0 : i32
    %dma_wait3A_674 = tpu.memref_slice %arg7[%mul3A_620, %dma_wait3A_673] : memref<27648x768xf32, #tpu.memory_space<hbm>> -> memref<32x768xf32, #tpu.memory_space<hbm>>
    %dma_wait3A_675 = arith.constant 0 : i32
    %dma_wait3A_676 = tpu.memref_slice %arg7[%mul3A_620, %dma_wait3A_675] : memref<27648x768xf32, #tpu.memory_space<hbm>> -> memref<32x768xf32, #tpu.memory_space<hbm>>
    tpu.wait_dma2 semaphore(%arg24 : memref<!tpu.dma_semaphore, #tpu.memory_space<semaphore_mem>>) src(%arg14 : memref<32x768xf32, #tpu.memory_space<vmem>>) dst(%dma_wait3A_676 : memref<32x768xf32, #tpu.memory_space<hbm>>)
    %dma_start3A_677 = arith.constant 15 : i32
    %dma_start3A_678 = arith.constant 0 : i32
    %dma_start3A_679 = tpu.memref_slice %arg9[%dma_start3A_677, %dma_start3A_678] : memref<27x32xi32, #tpu.memory_space<vmem>> -> memref<1x32xi32, #tpu.memory_space<vmem>>
    %dma_start3A_680 = tpu.memref_squeeze %dma_start3A_679 : memref<1x32xi32, #tpu.memory_space<vmem>> -> memref<32xi32, #tpu.memory_space<vmem>>
    %dma_start3A_681 = arith.constant 0 : i32
    %dma_start3A_682 = arith.constant 0 : i32
    %dma_start3A_683 = tpu.memref_slice %arg3[%dma_start3A_681, %dma_start3A_682] : memref<36864x768xf32, #tpu.memory_space<hbm>> -> memref<36864x768xf32, #tpu.memory_space<hbm>>
    tpu.enqueue_indirect_dma source(%dma_start3A_683 : memref<36864x768xf32, #tpu.memory_space<hbm>>) target(%arg14 : memref<32x768xf32, #tpu.memory_space<vmem>>) offsets(%dma_start3A_680 : memref<32xi32, #tpu.memory_space<vmem>>) semaphore(%arg19 : memref<!tpu.dma_semaphore, #tpu.memory_space<semaphore_mem>>)
    %dma_wait3A_684 = arith.constant 13 : i32
    %dma_wait3A_685 = arith.constant 0 : i32
    %dma_wait3A_686 = tpu.memref_slice %arg9[%dma_wait3A_684, %dma_wait3A_685] : memref<27x32xi32, #tpu.memory_space<vmem>> -> memref<1x32xi32, #tpu.memory_space<vmem>>
    %dma_wait3A_687 = tpu.memref_squeeze %dma_wait3A_686 : memref<1x32xi32, #tpu.memory_space<vmem>> -> memref<32xi32, #tpu.memory_space<vmem>>
    %dma_wait3A_688 = arith.constant 0 : i32
    %dma_wait3A_689 = arith.constant 0 : i32
    %dma_wait3A_690 = tpu.memref_slice %arg3[%dma_wait3A_688, %dma_wait3A_689] : memref<36864x768xf32, #tpu.memory_space<hbm>> -> memref<36864x768xf32, #tpu.memory_space<hbm>>
    tpu.wait_indirect_dma semaphore(%arg17 : memref<!tpu.dma_semaphore, #tpu.memory_space<semaphore_mem>>) src(%dma_wait3A_690 : memref<36864x768xf32, #tpu.memory_space<hbm>>) dst(%arg12 : memref<32x768xf32, #tpu.memory_space<vmem>>)
    %mul3A_691 = arith.constant 32 : i32
    %mul3A_692 = arith.muli %add3A_92, %mul3A_691 : i32
    %dma_start3A_693 = arith.constant 0 : i32
    %dma_start3A_694 = tpu.memref_slice %arg7[%mul3A_692, %dma_start3A_693] : memref<27648x768xf32, #tpu.memory_space<hbm>> -> memref<32x768xf32, #tpu.memory_space<hbm>>
    %dma_start3A_695 = arith.constant 0 : i32
    %dma_start3A_696 = tpu.memref_slice %arg7[%mul3A_692, %dma_start3A_695] : memref<27648x768xf32, #tpu.memory_space<hbm>> -> memref<32x768xf32, #tpu.memory_space<hbm>>
    tpu.enqueue_dma source(%arg12 : memref<32x768xf32, #tpu.memory_space<vmem>>) target(%dma_start3A_696 : memref<32x768xf32, #tpu.memory_space<hbm>>) target_semaphore(%arg22 : memref<!tpu.dma_semaphore, #tpu.memory_space<semaphore_mem>>)
    %dma_wait3A_697 = arith.constant 0 : i32
    %dma_wait3A_698 = tpu.memref_slice %arg7[%mul3A_644, %dma_wait3A_697] : memref<27648x768xf32, #tpu.memory_space<hbm>> -> memref<32x768xf32, #tpu.memory_space<hbm>>
    %dma_wait3A_699 = arith.constant 0 : i32
    %dma_wait3A_700 = tpu.memref_slice %arg7[%mul3A_644, %dma_wait3A_699] : memref<27648x768xf32, #tpu.memory_space<hbm>> -> memref<32x768xf32, #tpu.memory_space<hbm>>
    tpu.wait_dma2 semaphore(%arg20 : memref<!tpu.dma_semaphore, #tpu.memory_space<semaphore_mem>>) src(%arg10 : memref<32x768xf32, #tpu.memory_space<vmem>>) dst(%dma_wait3A_700 : memref<32x768xf32, #tpu.memory_space<hbm>>)
    %dma_start3A_701 = arith.constant 16 : i32
    %dma_start3A_702 = arith.constant 0 : i32
    %dma_start3A_703 = tpu.memref_slice %arg9[%dma_start3A_701, %dma_start3A_702] : memref<27x32xi32, #tpu.memory_space<vmem>> -> memref<1x32xi32, #tpu.memory_space<vmem>>
    %dma_start3A_704 = tpu.memref_squeeze %dma_start3A_703 : memref<1x32xi32, #tpu.memory_space<vmem>> -> memref<32xi32, #tpu.memory_space<vmem>>
    %dma_start3A_705 = arith.constant 0 : i32
    %dma_start3A_706 = arith.constant 0 : i32
    %dma_start3A_707 = tpu.memref_slice %arg3[%dma_start3A_705, %dma_start3A_706] : memref<36864x768xf32, #tpu.memory_space<hbm>> -> memref<36864x768xf32, #tpu.memory_space<hbm>>
    tpu.enqueue_indirect_dma source(%dma_start3A_707 : memref<36864x768xf32, #tpu.memory_space<hbm>>) target(%arg10 : memref<32x768xf32, #tpu.memory_space<vmem>>) offsets(%dma_start3A_704 : memref<32xi32, #tpu.memory_space<vmem>>) semaphore(%arg15 : memref<!tpu.dma_semaphore, #tpu.memory_space<semaphore_mem>>)
    %dma_wait3A_708 = arith.constant 14 : i32
    %dma_wait3A_709 = arith.constant 0 : i32
    %dma_wait3A_710 = tpu.memref_slice %arg9[%dma_wait3A_708, %dma_wait3A_709] : memref<27x32xi32, #tpu.memory_space<vmem>> -> memref<1x32xi32, #tpu.memory_space<vmem>>
    %dma_wait3A_711 = tpu.memref_squeeze %dma_wait3A_710 : memref<1x32xi32, #tpu.memory_space<vmem>> -> memref<32xi32, #tpu.memory_space<vmem>>
    %dma_wait3A_712 = arith.constant 0 : i32
    %dma_wait3A_713 = arith.constant 0 : i32
    %dma_wait3A_714 = tpu.memref_slice %arg3[%dma_wait3A_712, %dma_wait3A_713] : memref<36864x768xf32, #tpu.memory_space<hbm>> -> memref<36864x768xf32, #tpu.memory_space<hbm>>
    tpu.wait_indirect_dma semaphore(%arg18 : memref<!tpu.dma_semaphore, #tpu.memory_space<semaphore_mem>>) src(%dma_wait3A_714 : memref<36864x768xf32, #tpu.memory_space<hbm>>) dst(%arg13 : memref<32x768xf32, #tpu.memory_space<vmem>>)
    %mul3A_715 = arith.constant 32 : i32
    %mul3A_716 = arith.muli %add3A_96, %mul3A_715 : i32
    %dma_start3A_717 = arith.constant 0 : i32
    %dma_start3A_718 = tpu.memref_slice %arg7[%mul3A_716, %dma_start3A_717] : memref<27648x768xf32, #tpu.memory_space<hbm>> -> memref<32x768xf32, #tpu.memory_space<hbm>>
    %dma_start3A_719 = arith.constant 0 : i32
    %dma_start3A_720 = tpu.memref_slice %arg7[%mul3A_716, %dma_start3A_719] : memref<27648x768xf32, #tpu.memory_space<hbm>> -> memref<32x768xf32, #tpu.memory_space<hbm>>
    tpu.enqueue_dma source(%arg13 : memref<32x768xf32, #tpu.memory_space<vmem>>) target(%dma_start3A_720 : memref<32x768xf32, #tpu.memory_space<hbm>>) target_semaphore(%arg23 : memref<!tpu.dma_semaphore, #tpu.memory_space<semaphore_mem>>)
    %dma_wait3A_721 = arith.constant 0 : i32
    %dma_wait3A_722 = tpu.memref_slice %arg7[%mul3A_668, %dma_wait3A_721] : memref<27648x768xf32, #tpu.memory_space<hbm>> -> memref<32x768xf32, #tpu.memory_space<hbm>>
    %dma_wait3A_723 = arith.constant 0 : i32
    %dma_wait3A_724 = tpu.memref_slice %arg7[%mul3A_668, %dma_wait3A_723] : memref<27648x768xf32, #tpu.memory_space<hbm>> -> memref<32x768xf32, #tpu.memory_space<hbm>>
    tpu.wait_dma2 semaphore(%arg21 : memref<!tpu.dma_semaphore, #tpu.memory_space<semaphore_mem>>) src(%arg11 : memref<32x768xf32, #tpu.memory_space<vmem>>) dst(%dma_wait3A_724 : memref<32x768xf32, #tpu.memory_space<hbm>>)
    %dma_start3A_725 = arith.constant 17 : i32
    %dma_start3A_726 = arith.constant 0 : i32
    %dma_start3A_727 = tpu.memref_slice %arg9[%dma_start3A_725, %dma_start3A_726] : memref<27x32xi32, #tpu.memory_space<vmem>> -> memref<1x32xi32, #tpu.memory_space<vmem>>
    %dma_start3A_728 = tpu.memref_squeeze %dma_start3A_727 : memref<1x32xi32, #tpu.memory_space<vmem>> -> memref<32xi32, #tpu.memory_space<vmem>>
    %dma_start3A_729 = arith.constant 0 : i32
    %dma_start3A_730 = arith.constant 0 : i32
    %dma_start3A_731 = tpu.memref_slice %arg3[%dma_start3A_729, %dma_start3A_730] : memref<36864x768xf32, #tpu.memory_space<hbm>> -> memref<36864x768xf32, #tpu.memory_space<hbm>>
    tpu.enqueue_indirect_dma source(%dma_start3A_731 : memref<36864x768xf32, #tpu.memory_space<hbm>>) target(%arg11 : memref<32x768xf32, #tpu.memory_space<vmem>>) offsets(%dma_start3A_728 : memref<32xi32, #tpu.memory_space<vmem>>) semaphore(%arg16 : memref<!tpu.dma_semaphore, #tpu.memory_space<semaphore_mem>>)
    %dma_wait3A_732 = arith.constant 15 : i32
    %dma_wait3A_733 = arith.constant 0 : i32
    %dma_wait3A_734 = tpu.memref_slice %arg9[%dma_wait3A_732, %dma_wait3A_733] : memref<27x32xi32, #tpu.memory_space<vmem>> -> memref<1x32xi32, #tpu.memory_space<vmem>>
    %dma_wait3A_735 = tpu.memref_squeeze %dma_wait3A_734 : memref<1x32xi32, #tpu.memory_space<vmem>> -> memref<32xi32, #tpu.memory_space<vmem>>
    %dma_wait3A_736 = arith.constant 0 : i32
    %dma_wait3A_737 = arith.constant 0 : i32
    %dma_wait3A_738 = tpu.memref_slice %arg3[%dma_wait3A_736, %dma_wait3A_737] : memref<36864x768xf32, #tpu.memory_space<hbm>> -> memref<36864x768xf32, #tpu.memory_space<hbm>>
    tpu.wait_indirect_dma semaphore(%arg19 : memref<!tpu.dma_semaphore, #tpu.memory_space<semaphore_mem>>) src(%dma_wait3A_738 : memref<36864x768xf32, #tpu.memory_space<hbm>>) dst(%arg14 : memref<32x768xf32, #tpu.memory_space<vmem>>)
    %mul3A_739 = arith.constant 32 : i32
    %mul3A_740 = arith.muli %add3A_100, %mul3A_739 : i32
    %dma_start3A_741 = arith.constant 0 : i32
    %dma_start3A_742 = tpu.memref_slice %arg7[%mul3A_740, %dma_start3A_741] : memref<27648x768xf32, #tpu.memory_space<hbm>> -> memref<32x768xf32, #tpu.memory_space<hbm>>
    %dma_start3A_743 = arith.constant 0 : i32
    %dma_start3A_744 = tpu.memref_slice %arg7[%mul3A_740, %dma_start3A_743] : memref<27648x768xf32, #tpu.memory_space<hbm>> -> memref<32x768xf32, #tpu.memory_space<hbm>>
    tpu.enqueue_dma source(%arg14 : memref<32x768xf32, #tpu.memory_space<vmem>>) target(%dma_start3A_744 : memref<32x768xf32, #tpu.memory_space<hbm>>) target_semaphore(%arg24 : memref<!tpu.dma_semaphore, #tpu.memory_space<semaphore_mem>>)
    %dma_wait3A_745 = arith.constant 0 : i32
    %dma_wait3A_746 = tpu.memref_slice %arg7[%mul3A_692, %dma_wait3A_745] : memref<27648x768xf32, #tpu.memory_space<hbm>> -> memref<32x768xf32, #tpu.memory_space<hbm>>
    %dma_wait3A_747 = arith.constant 0 : i32
    %dma_wait3A_748 = tpu.memref_slice %arg7[%mul3A_692, %dma_wait3A_747] : memref<27648x768xf32, #tpu.memory_space<hbm>> -> memref<32x768xf32, #tpu.memory_space<hbm>>
    tpu.wait_dma2 semaphore(%arg22 : memref<!tpu.dma_semaphore, #tpu.memory_space<semaphore_mem>>) src(%arg12 : memref<32x768xf32, #tpu.memory_space<vmem>>) dst(%dma_wait3A_748 : memref<32x768xf32, #tpu.memory_space<hbm>>)
    %dma_start3A_749 = arith.constant 18 : i32
    %dma_start3A_750 = arith.constant 0 : i32
    %dma_start3A_751 = tpu.memref_slice %arg9[%dma_start3A_749, %dma_start3A_750] : memref<27x32xi32, #tpu.memory_space<vmem>> -> memref<1x32xi32, #tpu.memory_space<vmem>>
    %dma_start3A_752 = tpu.memref_squeeze %dma_start3A_751 : memref<1x32xi32, #tpu.memory_space<vmem>> -> memref<32xi32, #tpu.memory_space<vmem>>
    %dma_start3A_753 = arith.constant 0 : i32
    %dma_start3A_754 = arith.constant 0 : i32
    %dma_start3A_755 = tpu.memref_slice %arg3[%dma_start3A_753, %dma_start3A_754] : memref<36864x768xf32, #tpu.memory_space<hbm>> -> memref<36864x768xf32, #tpu.memory_space<hbm>>
    tpu.enqueue_indirect_dma source(%dma_start3A_755 : memref<36864x768xf32, #tpu.memory_space<hbm>>) target(%arg12 : memref<32x768xf32, #tpu.memory_space<vmem>>) offsets(%dma_start3A_752 : memref<32xi32, #tpu.memory_space<vmem>>) semaphore(%arg17 : memref<!tpu.dma_semaphore, #tpu.memory_space<semaphore_mem>>)
    %dma_wait3A_756 = arith.constant 16 : i32
    %dma_wait3A_757 = arith.constant 0 : i32
    %dma_wait3A_758 = tpu.memref_slice %arg9[%dma_wait3A_756, %dma_wait3A_757] : memref<27x32xi32, #tpu.memory_space<vmem>> -> memref<1x32xi32, #tpu.memory_space<vmem>>
    %dma_wait3A_759 = tpu.memref_squeeze %dma_wait3A_758 : memref<1x32xi32, #tpu.memory_space<vmem>> -> memref<32xi32, #tpu.memory_space<vmem>>
    %dma_wait3A_760 = arith.constant 0 : i32
    %dma_wait3A_761 = arith.constant 0 : i32
    %dma_wait3A_762 = tpu.memref_slice %arg3[%dma_wait3A_760, %dma_wait3A_761] : memref<36864x768xf32, #tpu.memory_space<hbm>> -> memref<36864x768xf32, #tpu.memory_space<hbm>>
    tpu.wait_indirect_dma semaphore(%arg15 : memref<!tpu.dma_semaphore, #tpu.memory_space<semaphore_mem>>) src(%dma_wait3A_762 : memref<36864x768xf32, #tpu.memory_space<hbm>>) dst(%arg10 : memref<32x768xf32, #tpu.memory_space<vmem>>)
    %mul3A_763 = arith.constant 32 : i32
    %mul3A_764 = arith.muli %add3A_104, %mul3A_763 : i32
    %dma_start3A_765 = arith.constant 0 : i32
    %dma_start3A_766 = tpu.memref_slice %arg7[%mul3A_764, %dma_start3A_765] : memref<27648x768xf32, #tpu.memory_space<hbm>> -> memref<32x768xf32, #tpu.memory_space<hbm>>
    %dma_start3A_767 = arith.constant 0 : i32
    %dma_start3A_768 = tpu.memref_slice %arg7[%mul3A_764, %dma_start3A_767] : memref<27648x768xf32, #tpu.memory_space<hbm>> -> memref<32x768xf32, #tpu.memory_space<hbm>>
    tpu.enqueue_dma source(%arg10 : memref<32x768xf32, #tpu.memory_space<vmem>>) target(%dma_start3A_768 : memref<32x768xf32, #tpu.memory_space<hbm>>) target_semaphore(%arg20 : memref<!tpu.dma_semaphore, #tpu.memory_space<semaphore_mem>>)
    %dma_wait3A_769 = arith.constant 0 : i32
    %dma_wait3A_770 = tpu.memref_slice %arg7[%mul3A_716, %dma_wait3A_769] : memref<27648x768xf32, #tpu.memory_space<hbm>> -> memref<32x768xf32, #tpu.memory_space<hbm>>
    %dma_wait3A_771 = arith.constant 0 : i32
    %dma_wait3A_772 = tpu.memref_slice %arg7[%mul3A_716, %dma_wait3A_771] : memref<27648x768xf32, #tpu.memory_space<hbm>> -> memref<32x768xf32, #tpu.memory_space<hbm>>
    tpu.wait_dma2 semaphore(%arg23 : memref<!tpu.dma_semaphore, #tpu.memory_space<semaphore_mem>>) src(%arg13 : memref<32x768xf32, #tpu.memory_space<vmem>>) dst(%dma_wait3A_772 : memref<32x768xf32, #tpu.memory_space<hbm>>)
    %dma_start3A_773 = arith.constant 19 : i32
    %dma_start3A_774 = arith.constant 0 : i32
    %dma_start3A_775 = tpu.memref_slice %arg9[%dma_start3A_773, %dma_start3A_774] : memref<27x32xi32, #tpu.memory_space<vmem>> -> memref<1x32xi32, #tpu.memory_space<vmem>>
    %dma_start3A_776 = tpu.memref_squeeze %dma_start3A_775 : memref<1x32xi32, #tpu.memory_space<vmem>> -> memref<32xi32, #tpu.memory_space<vmem>>
    %dma_start3A_777 = arith.constant 0 : i32
    %dma_start3A_778 = arith.constant 0 : i32
    %dma_start3A_779 = tpu.memref_slice %arg3[%dma_start3A_777, %dma_start3A_778] : memref<36864x768xf32, #tpu.memory_space<hbm>> -> memref<36864x768xf32, #tpu.memory_space<hbm>>
    tpu.enqueue_indirect_dma source(%dma_start3A_779 : memref<36864x768xf32, #tpu.memory_space<hbm>>) target(%arg13 : memref<32x768xf32, #tpu.memory_space<vmem>>) offsets(%dma_start3A_776 : memref<32xi32, #tpu.memory_space<vmem>>) semaphore(%arg18 : memref<!tpu.dma_semaphore, #tpu.memory_space<semaphore_mem>>)
    %dma_wait3A_780 = arith.constant 17 : i32
    %dma_wait3A_781 = arith.constant 0 : i32
    %dma_wait3A_782 = tpu.memref_slice %arg9[%dma_wait3A_780, %dma_wait3A_781] : memref<27x32xi32, #tpu.memory_space<vmem>> -> memref<1x32xi32, #tpu.memory_space<vmem>>
    %dma_wait3A_783 = tpu.memref_squeeze %dma_wait3A_782 : memref<1x32xi32, #tpu.memory_space<vmem>> -> memref<32xi32, #tpu.memory_space<vmem>>
    %dma_wait3A_784 = arith.constant 0 : i32
    %dma_wait3A_785 = arith.constant 0 : i32
    %dma_wait3A_786 = tpu.memref_slice %arg3[%dma_wait3A_784, %dma_wait3A_785] : memref<36864x768xf32, #tpu.memory_space<hbm>> -> memref<36864x768xf32, #tpu.memory_space<hbm>>
    tpu.wait_indirect_dma semaphore(%arg16 : memref<!tpu.dma_semaphore, #tpu.memory_space<semaphore_mem>>) src(%dma_wait3A_786 : memref<36864x768xf32, #tpu.memory_space<hbm>>) dst(%arg11 : memref<32x768xf32, #tpu.memory_space<vmem>>)
    %mul3A_787 = arith.constant 32 : i32
    %mul3A_788 = arith.muli %add3A_108, %mul3A_787 : i32
    %dma_start3A_789 = arith.constant 0 : i32
    %dma_start3A_790 = tpu.memref_slice %arg7[%mul3A_788, %dma_start3A_789] : memref<27648x768xf32, #tpu.memory_space<hbm>> -> memref<32x768xf32, #tpu.memory_space<hbm>>
    %dma_start3A_791 = arith.constant 0 : i32
    %dma_start3A_792 = tpu.memref_slice %arg7[%mul3A_788, %dma_start3A_791] : memref<27648x768xf32, #tpu.memory_space<hbm>> -> memref<32x768xf32, #tpu.memory_space<hbm>>
    tpu.enqueue_dma source(%arg11 : memref<32x768xf32, #tpu.memory_space<vmem>>) target(%dma_start3A_792 : memref<32x768xf32, #tpu.memory_space<hbm>>) target_semaphore(%arg21 : memref<!tpu.dma_semaphore, #tpu.memory_space<semaphore_mem>>)
    %dma_wait3A_793 = arith.constant 0 : i32
    %dma_wait3A_794 = tpu.memref_slice %arg7[%mul3A_740, %dma_wait3A_793] : memref<27648x768xf32, #tpu.memory_space<hbm>> -> memref<32x768xf32, #tpu.memory_space<hbm>>
    %dma_wait3A_795 = arith.constant 0 : i32
    %dma_wait3A_796 = tpu.memref_slice %arg7[%mul3A_740, %dma_wait3A_795] : memref<27648x768xf32, #tpu.memory_space<hbm>> -> memref<32x768xf32, #tpu.memory_space<hbm>>
    tpu.wait_dma2 semaphore(%arg24 : memref<!tpu.dma_semaphore, #tpu.memory_space<semaphore_mem>>) src(%arg14 : memref<32x768xf32, #tpu.memory_space<vmem>>) dst(%dma_wait3A_796 : memref<32x768xf32, #tpu.memory_space<hbm>>)
    %dma_start3A_797 = arith.constant 20 : i32
    %dma_start3A_798 = arith.constant 0 : i32
    %dma_start3A_799 = tpu.memref_slice %arg9[%dma_start3A_797, %dma_start3A_798] : memref<27x32xi32, #tpu.memory_space<vmem>> -> memref<1x32xi32, #tpu.memory_space<vmem>>
    %dma_start3A_800 = tpu.memref_squeeze %dma_start3A_799 : memref<1x32xi32, #tpu.memory_space<vmem>> -> memref<32xi32, #tpu.memory_space<vmem>>
    %dma_start3A_801 = arith.constant 0 : i32
    %dma_start3A_802 = arith.constant 0 : i32
    %dma_start3A_803 = tpu.memref_slice %arg3[%dma_start3A_801, %dma_start3A_802] : memref<36864x768xf32, #tpu.memory_space<hbm>> -> memref<36864x768xf32, #tpu.memory_space<hbm>>
    tpu.enqueue_indirect_dma source(%dma_start3A_803 : memref<36864x768xf32, #tpu.memory_space<hbm>>) target(%arg14 : memref<32x768xf32, #tpu.memory_space<vmem>>) offsets(%dma_start3A_800 : memref<32xi32, #tpu.memory_space<vmem>>) semaphore(%arg19 : memref<!tpu.dma_semaphore, #tpu.memory_space<semaphore_mem>>)
    %dma_wait3A_804 = arith.constant 18 : i32
    %dma_wait3A_805 = arith.constant 0 : i32
    %dma_wait3A_806 = tpu.memref_slice %arg9[%dma_wait3A_804, %dma_wait3A_805] : memref<27x32xi32, #tpu.memory_space<vmem>> -> memref<1x32xi32, #tpu.memory_space<vmem>>
    %dma_wait3A_807 = tpu.memref_squeeze %dma_wait3A_806 : memref<1x32xi32, #tpu.memory_space<vmem>> -> memref<32xi32, #tpu.memory_space<vmem>>
    %dma_wait3A_808 = arith.constant 0 : i32
    %dma_wait3A_809 = arith.constant 0 : i32
    %dma_wait3A_810 = tpu.memref_slice %arg3[%dma_wait3A_808, %dma_wait3A_809] : memref<36864x768xf32, #tpu.memory_space<hbm>> -> memref<36864x768xf32, #tpu.memory_space<hbm>>
    tpu.wait_indirect_dma semaphore(%arg17 : memref<!tpu.dma_semaphore, #tpu.memory_space<semaphore_mem>>) src(%dma_wait3A_810 : memref<36864x768xf32, #tpu.memory_space<hbm>>) dst(%arg12 : memref<32x768xf32, #tpu.memory_space<vmem>>)
    %mul3A_811 = arith.constant 32 : i32
    %mul3A_812 = arith.muli %add3A_112, %mul3A_811 : i32
    %dma_start3A_813 = arith.constant 0 : i32
    %dma_start3A_814 = tpu.memref_slice %arg7[%mul3A_812, %dma_start3A_813] : memref<27648x768xf32, #tpu.memory_space<hbm>> -> memref<32x768xf32, #tpu.memory_space<hbm>>
    %dma_start3A_815 = arith.constant 0 : i32
    %dma_start3A_816 = tpu.memref_slice %arg7[%mul3A_812, %dma_start3A_815] : memref<27648x768xf32, #tpu.memory_space<hbm>> -> memref<32x768xf32, #tpu.memory_space<hbm>>
    tpu.enqueue_dma source(%arg12 : memref<32x768xf32, #tpu.memory_space<vmem>>) target(%dma_start3A_816 : memref<32x768xf32, #tpu.memory_space<hbm>>) target_semaphore(%arg22 : memref<!tpu.dma_semaphore, #tpu.memory_space<semaphore_mem>>)
    %dma_wait3A_817 = arith.constant 0 : i32
    %dma_wait3A_818 = tpu.memref_slice %arg7[%mul3A_764, %dma_wait3A_817] : memref<27648x768xf32, #tpu.memory_space<hbm>> -> memref<32x768xf32, #tpu.memory_space<hbm>>
    %dma_wait3A_819 = arith.constant 0 : i32
    %dma_wait3A_820 = tpu.memref_slice %arg7[%mul3A_764, %dma_wait3A_819] : memref<27648x768xf32, #tpu.memory_space<hbm>> -> memref<32x768xf32, #tpu.memory_space<hbm>>
    tpu.wait_dma2 semaphore(%arg20 : memref<!tpu.dma_semaphore, #tpu.memory_space<semaphore_mem>>) src(%arg10 : memref<32x768xf32, #tpu.memory_space<vmem>>) dst(%dma_wait3A_820 : memref<32x768xf32, #tpu.memory_space<hbm>>)
    %dma_start3A_821 = arith.constant 21 : i32
    %dma_start3A_822 = arith.constant 0 : i32
    %dma_start3A_823 = tpu.memref_slice %arg9[%dma_start3A_821, %dma_start3A_822] : memref<27x32xi32, #tpu.memory_space<vmem>> -> memref<1x32xi32, #tpu.memory_space<vmem>>
    %dma_start3A_824 = tpu.memref_squeeze %dma_start3A_823 : memref<1x32xi32, #tpu.memory_space<vmem>> -> memref<32xi32, #tpu.memory_space<vmem>>
    %dma_start3A_825 = arith.constant 0 : i32
    %dma_start3A_826 = arith.constant 0 : i32
    %dma_start3A_827 = tpu.memref_slice %arg3[%dma_start3A_825, %dma_start3A_826] : memref<36864x768xf32, #tpu.memory_space<hbm>> -> memref<36864x768xf32, #tpu.memory_space<hbm>>
    tpu.enqueue_indirect_dma source(%dma_start3A_827 : memref<36864x768xf32, #tpu.memory_space<hbm>>) target(%arg10 : memref<32x768xf32, #tpu.memory_space<vmem>>) offsets(%dma_start3A_824 : memref<32xi32, #tpu.memory_space<vmem>>) semaphore(%arg15 : memref<!tpu.dma_semaphore, #tpu.memory_space<semaphore_mem>>)
    %dma_wait3A_828 = arith.constant 19 : i32
    %dma_wait3A_829 = arith.constant 0 : i32
    %dma_wait3A_830 = tpu.memref_slice %arg9[%dma_wait3A_828, %dma_wait3A_829] : memref<27x32xi32, #tpu.memory_space<vmem>> -> memref<1x32xi32, #tpu.memory_space<vmem>>
    %dma_wait3A_831 = tpu.memref_squeeze %dma_wait3A_830 : memref<1x32xi32, #tpu.memory_space<vmem>> -> memref<32xi32, #tpu.memory_space<vmem>>
    %dma_wait3A_832 = arith.constant 0 : i32
    %dma_wait3A_833 = arith.constant 0 : i32
    %dma_wait3A_834 = tpu.memref_slice %arg3[%dma_wait3A_832, %dma_wait3A_833] : memref<36864x768xf32, #tpu.memory_space<hbm>> -> memref<36864x768xf32, #tpu.memory_space<hbm>>
    tpu.wait_indirect_dma semaphore(%arg18 : memref<!tpu.dma_semaphore, #tpu.memory_space<semaphore_mem>>) src(%dma_wait3A_834 : memref<36864x768xf32, #tpu.memory_space<hbm>>) dst(%arg13 : memref<32x768xf32, #tpu.memory_space<vmem>>)
    %mul3A_835 = arith.constant 32 : i32
    %mul3A_836 = arith.muli %add3A_116, %mul3A_835 : i32
    %dma_start3A_837 = arith.constant 0 : i32
    %dma_start3A_838 = tpu.memref_slice %arg7[%mul3A_836, %dma_start3A_837] : memref<27648x768xf32, #tpu.memory_space<hbm>> -> memref<32x768xf32, #tpu.memory_space<hbm>>
    %dma_start3A_839 = arith.constant 0 : i32
    %dma_start3A_840 = tpu.memref_slice %arg7[%mul3A_836, %dma_start3A_839] : memref<27648x768xf32, #tpu.memory_space<hbm>> -> memref<32x768xf32, #tpu.memory_space<hbm>>
    tpu.enqueue_dma source(%arg13 : memref<32x768xf32, #tpu.memory_space<vmem>>) target(%dma_start3A_840 : memref<32x768xf32, #tpu.memory_space<hbm>>) target_semaphore(%arg23 : memref<!tpu.dma_semaphore, #tpu.memory_space<semaphore_mem>>)
    %dma_wait3A_841 = arith.constant 0 : i32
    %dma_wait3A_842 = tpu.memref_slice %arg7[%mul3A_788, %dma_wait3A_841] : memref<27648x768xf32, #tpu.memory_space<hbm>> -> memref<32x768xf32, #tpu.memory_space<hbm>>
    %dma_wait3A_843 = arith.constant 0 : i32
    %dma_wait3A_844 = tpu.memref_slice %arg7[%mul3A_788, %dma_wait3A_843] : memref<27648x768xf32, #tpu.memory_space<hbm>> -> memref<32x768xf32, #tpu.memory_space<hbm>>
    tpu.wait_dma2 semaphore(%arg21 : memref<!tpu.dma_semaphore, #tpu.memory_space<semaphore_mem>>) src(%arg11 : memref<32x768xf32, #tpu.memory_space<vmem>>) dst(%dma_wait3A_844 : memref<32x768xf32, #tpu.memory_space<hbm>>)
    %dma_start3A_845 = arith.constant 22 : i32
    %dma_start3A_846 = arith.constant 0 : i32
    %dma_start3A_847 = tpu.memref_slice %arg9[%dma_start3A_845, %dma_start3A_846] : memref<27x32xi32, #tpu.memory_space<vmem>> -> memref<1x32xi32, #tpu.memory_space<vmem>>
    %dma_start3A_848 = tpu.memref_squeeze %dma_start3A_847 : memref<1x32xi32, #tpu.memory_space<vmem>> -> memref<32xi32, #tpu.memory_space<vmem>>
    %dma_start3A_849 = arith.constant 0 : i32
    %dma_start3A_850 = arith.constant 0 : i32
    %dma_start3A_851 = tpu.memref_slice %arg3[%dma_start3A_849, %dma_start3A_850] : memref<36864x768xf32, #tpu.memory_space<hbm>> -> memref<36864x768xf32, #tpu.memory_space<hbm>>
    tpu.enqueue_indirect_dma source(%dma_start3A_851 : memref<36864x768xf32, #tpu.memory_space<hbm>>) target(%arg11 : memref<32x768xf32, #tpu.memory_space<vmem>>) offsets(%dma_start3A_848 : memref<32xi32, #tpu.memory_space<vmem>>) semaphore(%arg16 : memref<!tpu.dma_semaphore, #tpu.memory_space<semaphore_mem>>)
    %dma_wait3A_852 = arith.constant 20 : i32
    %dma_wait3A_853 = arith.constant 0 : i32
    %dma_wait3A_854 = tpu.memref_slice %arg9[%dma_wait3A_852, %dma_wait3A_853] : memref<27x32xi32, #tpu.memory_space<vmem>> -> memref<1x32xi32, #tpu.memory_space<vmem>>
    %dma_wait3A_855 = tpu.memref_squeeze %dma_wait3A_854 : memref<1x32xi32, #tpu.memory_space<vmem>> -> memref<32xi32, #tpu.memory_space<vmem>>
    %dma_wait3A_856 = arith.constant 0 : i32
    %dma_wait3A_857 = arith.constant 0 : i32
    %dma_wait3A_858 = tpu.memref_slice %arg3[%dma_wait3A_856, %dma_wait3A_857] : memref<36864x768xf32, #tpu.memory_space<hbm>> -> memref<36864x768xf32, #tpu.memory_space<hbm>>
    tpu.wait_indirect_dma semaphore(%arg19 : memref<!tpu.dma_semaphore, #tpu.memory_space<semaphore_mem>>) src(%dma_wait3A_858 : memref<36864x768xf32, #tpu.memory_space<hbm>>) dst(%arg14 : memref<32x768xf32, #tpu.memory_space<vmem>>)
    %mul3A_859 = arith.constant 32 : i32
    %mul3A_860 = arith.muli %add3A_120, %mul3A_859 : i32
    %dma_start3A_861 = arith.constant 0 : i32
    %dma_start3A_862 = tpu.memref_slice %arg7[%mul3A_860, %dma_start3A_861] : memref<27648x768xf32, #tpu.memory_space<hbm>> -> memref<32x768xf32, #tpu.memory_space<hbm>>
    %dma_start3A_863 = arith.constant 0 : i32
    %dma_start3A_864 = tpu.memref_slice %arg7[%mul3A_860, %dma_start3A_863] : memref<27648x768xf32, #tpu.memory_space<hbm>> -> memref<32x768xf32, #tpu.memory_space<hbm>>
    tpu.enqueue_dma source(%arg14 : memref<32x768xf32, #tpu.memory_space<vmem>>) target(%dma_start3A_864 : memref<32x768xf32, #tpu.memory_space<hbm>>) target_semaphore(%arg24 : memref<!tpu.dma_semaphore, #tpu.memory_space<semaphore_mem>>)
    %dma_wait3A_865 = arith.constant 0 : i32
    %dma_wait3A_866 = tpu.memref_slice %arg7[%mul3A_812, %dma_wait3A_865] : memref<27648x768xf32, #tpu.memory_space<hbm>> -> memref<32x768xf32, #tpu.memory_space<hbm>>
    %dma_wait3A_867 = arith.constant 0 : i32
    %dma_wait3A_868 = tpu.memref_slice %arg7[%mul3A_812, %dma_wait3A_867] : memref<27648x768xf32, #tpu.memory_space<hbm>> -> memref<32x768xf32, #tpu.memory_space<hbm>>
    tpu.wait_dma2 semaphore(%arg22 : memref<!tpu.dma_semaphore, #tpu.memory_space<semaphore_mem>>) src(%arg12 : memref<32x768xf32, #tpu.memory_space<vmem>>) dst(%dma_wait3A_868 : memref<32x768xf32, #tpu.memory_space<hbm>>)
    %dma_start3A_869 = arith.constant 23 : i32
    %dma_start3A_870 = arith.constant 0 : i32
    %dma_start3A_871 = tpu.memref_slice %arg9[%dma_start3A_869, %dma_start3A_870] : memref<27x32xi32, #tpu.memory_space<vmem>> -> memref<1x32xi32, #tpu.memory_space<vmem>>
    %dma_start3A_872 = tpu.memref_squeeze %dma_start3A_871 : memref<1x32xi32, #tpu.memory_space<vmem>> -> memref<32xi32, #tpu.memory_space<vmem>>
    %dma_start3A_873 = arith.constant 0 : i32
    %dma_start3A_874 = arith.constant 0 : i32
    %dma_start3A_875 = tpu.memref_slice %arg3[%dma_start3A_873, %dma_start3A_874] : memref<36864x768xf32, #tpu.memory_space<hbm>> -> memref<36864x768xf32, #tpu.memory_space<hbm>>
    tpu.enqueue_indirect_dma source(%dma_start3A_875 : memref<36864x768xf32, #tpu.memory_space<hbm>>) target(%arg12 : memref<32x768xf32, #tpu.memory_space<vmem>>) offsets(%dma_start3A_872 : memref<32xi32, #tpu.memory_space<vmem>>) semaphore(%arg17 : memref<!tpu.dma_semaphore, #tpu.memory_space<semaphore_mem>>)
    %dma_wait3A_876 = arith.constant 21 : i32
    %dma_wait3A_877 = arith.constant 0 : i32
    %dma_wait3A_878 = tpu.memref_slice %arg9[%dma_wait3A_876, %dma_wait3A_877] : memref<27x32xi32, #tpu.memory_space<vmem>> -> memref<1x32xi32, #tpu.memory_space<vmem>>
    %dma_wait3A_879 = tpu.memref_squeeze %dma_wait3A_878 : memref<1x32xi32, #tpu.memory_space<vmem>> -> memref<32xi32, #tpu.memory_space<vmem>>
    %dma_wait3A_880 = arith.constant 0 : i32
    %dma_wait3A_881 = arith.constant 0 : i32
    %dma_wait3A_882 = tpu.memref_slice %arg3[%dma_wait3A_880, %dma_wait3A_881] : memref<36864x768xf32, #tpu.memory_space<hbm>> -> memref<36864x768xf32, #tpu.memory_space<hbm>>
    tpu.wait_indirect_dma semaphore(%arg15 : memref<!tpu.dma_semaphore, #tpu.memory_space<semaphore_mem>>) src(%dma_wait3A_882 : memref<36864x768xf32, #tpu.memory_space<hbm>>) dst(%arg10 : memref<32x768xf32, #tpu.memory_space<vmem>>)
    %mul3A_883 = arith.constant 32 : i32
    %mul3A_884 = arith.muli %add3A_124, %mul3A_883 : i32
    %dma_start3A_885 = arith.constant 0 : i32
    %dma_start3A_886 = tpu.memref_slice %arg7[%mul3A_884, %dma_start3A_885] : memref<27648x768xf32, #tpu.memory_space<hbm>> -> memref<32x768xf32, #tpu.memory_space<hbm>>
    %dma_start3A_887 = arith.constant 0 : i32
    %dma_start3A_888 = tpu.memref_slice %arg7[%mul3A_884, %dma_start3A_887] : memref<27648x768xf32, #tpu.memory_space<hbm>> -> memref<32x768xf32, #tpu.memory_space<hbm>>
    tpu.enqueue_dma source(%arg10 : memref<32x768xf32, #tpu.memory_space<vmem>>) target(%dma_start3A_888 : memref<32x768xf32, #tpu.memory_space<hbm>>) target_semaphore(%arg20 : memref<!tpu.dma_semaphore, #tpu.memory_space<semaphore_mem>>)
    %dma_wait3A_889 = arith.constant 0 : i32
    %dma_wait3A_890 = tpu.memref_slice %arg7[%mul3A_836, %dma_wait3A_889] : memref<27648x768xf32, #tpu.memory_space<hbm>> -> memref<32x768xf32, #tpu.memory_space<hbm>>
    %dma_wait3A_891 = arith.constant 0 : i32
    %dma_wait3A_892 = tpu.memref_slice %arg7[%mul3A_836, %dma_wait3A_891] : memref<27648x768xf32, #tpu.memory_space<hbm>> -> memref<32x768xf32, #tpu.memory_space<hbm>>
    tpu.wait_dma2 semaphore(%arg23 : memref<!tpu.dma_semaphore, #tpu.memory_space<semaphore_mem>>) src(%arg13 : memref<32x768xf32, #tpu.memory_space<vmem>>) dst(%dma_wait3A_892 : memref<32x768xf32, #tpu.memory_space<hbm>>)
    %dma_start3A_893 = arith.constant 24 : i32
    %dma_start3A_894 = arith.constant 0 : i32
    %dma_start3A_895 = tpu.memref_slice %arg9[%dma_start3A_893, %dma_start3A_894] : memref<27x32xi32, #tpu.memory_space<vmem>> -> memref<1x32xi32, #tpu.memory_space<vmem>>
    %dma_start3A_896 = tpu.memref_squeeze %dma_start3A_895 : memref<1x32xi32, #tpu.memory_space<vmem>> -> memref<32xi32, #tpu.memory_space<vmem>>
    %dma_start3A_897 = arith.constant 0 : i32
    %dma_start3A_898 = arith.constant 0 : i32
    %dma_start3A_899 = tpu.memref_slice %arg3[%dma_start3A_897, %dma_start3A_898] : memref<36864x768xf32, #tpu.memory_space<hbm>> -> memref<36864x768xf32, #tpu.memory_space<hbm>>
    tpu.enqueue_indirect_dma source(%dma_start3A_899 : memref<36864x768xf32, #tpu.memory_space<hbm>>) target(%arg13 : memref<32x768xf32, #tpu.memory_space<vmem>>) offsets(%dma_start3A_896 : memref<32xi32, #tpu.memory_space<vmem>>) semaphore(%arg18 : memref<!tpu.dma_semaphore, #tpu.memory_space<semaphore_mem>>)
    %dma_wait3A_900 = arith.constant 22 : i32
    %dma_wait3A_901 = arith.constant 0 : i32
    %dma_wait3A_902 = tpu.memref_slice %arg9[%dma_wait3A_900, %dma_wait3A_901] : memref<27x32xi32, #tpu.memory_space<vmem>> -> memref<1x32xi32, #tpu.memory_space<vmem>>
    %dma_wait3A_903 = tpu.memref_squeeze %dma_wait3A_902 : memref<1x32xi32, #tpu.memory_space<vmem>> -> memref<32xi32, #tpu.memory_space<vmem>>
    %dma_wait3A_904 = arith.constant 0 : i32
    %dma_wait3A_905 = arith.constant 0 : i32
    %dma_wait3A_906 = tpu.memref_slice %arg3[%dma_wait3A_904, %dma_wait3A_905] : memref<36864x768xf32, #tpu.memory_space<hbm>> -> memref<36864x768xf32, #tpu.memory_space<hbm>>
    tpu.wait_indirect_dma semaphore(%arg16 : memref<!tpu.dma_semaphore, #tpu.memory_space<semaphore_mem>>) src(%dma_wait3A_906 : memref<36864x768xf32, #tpu.memory_space<hbm>>) dst(%arg11 : memref<32x768xf32, #tpu.memory_space<vmem>>)
    %mul3A_907 = arith.constant 32 : i32
    %mul3A_908 = arith.muli %add3A_128, %mul3A_907 : i32
    %dma_start3A_909 = arith.constant 0 : i32
    %dma_start3A_910 = tpu.memref_slice %arg7[%mul3A_908, %dma_start3A_909] : memref<27648x768xf32, #tpu.memory_space<hbm>> -> memref<32x768xf32, #tpu.memory_space<hbm>>
    %dma_start3A_911 = arith.constant 0 : i32
    %dma_start3A_912 = tpu.memref_slice %arg7[%mul3A_908, %dma_start3A_911] : memref<27648x768xf32, #tpu.memory_space<hbm>> -> memref<32x768xf32, #tpu.memory_space<hbm>>
    tpu.enqueue_dma source(%arg11 : memref<32x768xf32, #tpu.memory_space<vmem>>) target(%dma_start3A_912 : memref<32x768xf32, #tpu.memory_space<hbm>>) target_semaphore(%arg21 : memref<!tpu.dma_semaphore, #tpu.memory_space<semaphore_mem>>)
    %dma_wait3A_913 = arith.constant 0 : i32
    %dma_wait3A_914 = tpu.memref_slice %arg7[%mul3A_860, %dma_wait3A_913] : memref<27648x768xf32, #tpu.memory_space<hbm>> -> memref<32x768xf32, #tpu.memory_space<hbm>>
    %dma_wait3A_915 = arith.constant 0 : i32
    %dma_wait3A_916 = tpu.memref_slice %arg7[%mul3A_860, %dma_wait3A_915] : memref<27648x768xf32, #tpu.memory_space<hbm>> -> memref<32x768xf32, #tpu.memory_space<hbm>>
    tpu.wait_dma2 semaphore(%arg24 : memref<!tpu.dma_semaphore, #tpu.memory_space<semaphore_mem>>) src(%arg14 : memref<32x768xf32, #tpu.memory_space<vmem>>) dst(%dma_wait3A_916 : memref<32x768xf32, #tpu.memory_space<hbm>>)
    %dma_start3A_917 = arith.constant 25 : i32
    %dma_start3A_918 = arith.constant 0 : i32
    %dma_start3A_919 = tpu.memref_slice %arg9[%dma_start3A_917, %dma_start3A_918] : memref<27x32xi32, #tpu.memory_space<vmem>> -> memref<1x32xi32, #tpu.memory_space<vmem>>
    %dma_start3A_920 = tpu.memref_squeeze %dma_start3A_919 : memref<1x32xi32, #tpu.memory_space<vmem>> -> memref<32xi32, #tpu.memory_space<vmem>>
    %dma_start3A_921 = arith.constant 0 : i32
    %dma_start3A_922 = arith.constant 0 : i32
    %dma_start3A_923 = tpu.memref_slice %arg3[%dma_start3A_921, %dma_start3A_922] : memref<36864x768xf32, #tpu.memory_space<hbm>> -> memref<36864x768xf32, #tpu.memory_space<hbm>>
    tpu.enqueue_indirect_dma source(%dma_start3A_923 : memref<36864x768xf32, #tpu.memory_space<hbm>>) target(%arg14 : memref<32x768xf32, #tpu.memory_space<vmem>>) offsets(%dma_start3A_920 : memref<32xi32, #tpu.memory_space<vmem>>) semaphore(%arg19 : memref<!tpu.dma_semaphore, #tpu.memory_space<semaphore_mem>>)
    %dma_wait3A_924 = arith.constant 23 : i32
    %dma_wait3A_925 = arith.constant 0 : i32
    %dma_wait3A_926 = tpu.memref_slice %arg9[%dma_wait3A_924, %dma_wait3A_925] : memref<27x32xi32, #tpu.memory_space<vmem>> -> memref<1x32xi32, #tpu.memory_space<vmem>>
    %dma_wait3A_927 = tpu.memref_squeeze %dma_wait3A_926 : memref<1x32xi32, #tpu.memory_space<vmem>> -> memref<32xi32, #tpu.memory_space<vmem>>
    %dma_wait3A_928 = arith.constant 0 : i32
    %dma_wait3A_929 = arith.constant 0 : i32
    %dma_wait3A_930 = tpu.memref_slice %arg3[%dma_wait3A_928, %dma_wait3A_929] : memref<36864x768xf32, #tpu.memory_space<hbm>> -> memref<36864x768xf32, #tpu.memory_space<hbm>>
    tpu.wait_indirect_dma semaphore(%arg17 : memref<!tpu.dma_semaphore, #tpu.memory_space<semaphore_mem>>) src(%dma_wait3A_930 : memref<36864x768xf32, #tpu.memory_space<hbm>>) dst(%arg12 : memref<32x768xf32, #tpu.memory_space<vmem>>)
    %mul3A_931 = arith.constant 32 : i32
    %mul3A_932 = arith.muli %add3A_132, %mul3A_931 : i32
    %dma_start3A_933 = arith.constant 0 : i32
    %dma_start3A_934 = tpu.memref_slice %arg7[%mul3A_932, %dma_start3A_933] : memref<27648x768xf32, #tpu.memory_space<hbm>> -> memref<32x768xf32, #tpu.memory_space<hbm>>
    %dma_start3A_935 = arith.constant 0 : i32
    %dma_start3A_936 = tpu.memref_slice %arg7[%mul3A_932, %dma_start3A_935] : memref<27648x768xf32, #tpu.memory_space<hbm>> -> memref<32x768xf32, #tpu.memory_space<hbm>>
    tpu.enqueue_dma source(%arg12 : memref<32x768xf32, #tpu.memory_space<vmem>>) target(%dma_start3A_936 : memref<32x768xf32, #tpu.memory_space<hbm>>) target_semaphore(%arg22 : memref<!tpu.dma_semaphore, #tpu.memory_space<semaphore_mem>>)
    %dma_wait3A_937 = arith.constant 0 : i32
    %dma_wait3A_938 = tpu.memref_slice %arg7[%mul3A_884, %dma_wait3A_937] : memref<27648x768xf32, #tpu.memory_space<hbm>> -> memref<32x768xf32, #tpu.memory_space<hbm>>
    %dma_wait3A_939 = arith.constant 0 : i32
    %dma_wait3A_940 = tpu.memref_slice %arg7[%mul3A_884, %dma_wait3A_939] : memref<27648x768xf32, #tpu.memory_space<hbm>> -> memref<32x768xf32, #tpu.memory_space<hbm>>
    tpu.wait_dma2 semaphore(%arg20 : memref<!tpu.dma_semaphore, #tpu.memory_space<semaphore_mem>>) src(%arg10 : memref<32x768xf32, #tpu.memory_space<vmem>>) dst(%dma_wait3A_940 : memref<32x768xf32, #tpu.memory_space<hbm>>)
    %dma_start3A_941 = arith.constant 26 : i32
    %dma_start3A_942 = arith.constant 0 : i32
    %dma_start3A_943 = tpu.memref_slice %arg9[%dma_start3A_941, %dma_start3A_942] : memref<27x32xi32, #tpu.memory_space<vmem>> -> memref<1x32xi32, #tpu.memory_space<vmem>>
    %dma_start3A_944 = tpu.memref_squeeze %dma_start3A_943 : memref<1x32xi32, #tpu.memory_space<vmem>> -> memref<32xi32, #tpu.memory_space<vmem>>
    %dma_start3A_945 = arith.constant 0 : i32
    %dma_start3A_946 = arith.constant 0 : i32
    %dma_start3A_947 = tpu.memref_slice %arg3[%dma_start3A_945, %dma_start3A_946] : memref<36864x768xf32, #tpu.memory_space<hbm>> -> memref<36864x768xf32, #tpu.memory_space<hbm>>
    tpu.enqueue_indirect_dma source(%dma_start3A_947 : memref<36864x768xf32, #tpu.memory_space<hbm>>) target(%arg10 : memref<32x768xf32, #tpu.memory_space<vmem>>) offsets(%dma_start3A_944 : memref<32xi32, #tpu.memory_space<vmem>>) semaphore(%arg15 : memref<!tpu.dma_semaphore, #tpu.memory_space<semaphore_mem>>)
    %dma_wait3A_948 = arith.constant 24 : i32
    %dma_wait3A_949 = arith.constant 0 : i32
    %dma_wait3A_950 = tpu.memref_slice %arg9[%dma_wait3A_948, %dma_wait3A_949] : memref<27x32xi32, #tpu.memory_space<vmem>> -> memref<1x32xi32, #tpu.memory_space<vmem>>
    %dma_wait3A_951 = tpu.memref_squeeze %dma_wait3A_950 : memref<1x32xi32, #tpu.memory_space<vmem>> -> memref<32xi32, #tpu.memory_space<vmem>>
    %dma_wait3A_952 = arith.constant 0 : i32
    %dma_wait3A_953 = arith.constant 0 : i32
    %dma_wait3A_954 = tpu.memref_slice %arg3[%dma_wait3A_952, %dma_wait3A_953] : memref<36864x768xf32, #tpu.memory_space<hbm>> -> memref<36864x768xf32, #tpu.memory_space<hbm>>
    tpu.wait_indirect_dma semaphore(%arg18 : memref<!tpu.dma_semaphore, #tpu.memory_space<semaphore_mem>>) src(%dma_wait3A_954 : memref<36864x768xf32, #tpu.memory_space<hbm>>) dst(%arg13 : memref<32x768xf32, #tpu.memory_space<vmem>>)
    %mul3A_955 = arith.constant 32 : i32
    %mul3A_956 = arith.muli %add3A_136, %mul3A_955 : i32
    %dma_start3A_957 = arith.constant 0 : i32
    %dma_start3A_958 = tpu.memref_slice %arg7[%mul3A_956, %dma_start3A_957] : memref<27648x768xf32, #tpu.memory_space<hbm>> -> memref<32x768xf32, #tpu.memory_space<hbm>>
    %dma_start3A_959 = arith.constant 0 : i32
    %dma_start3A_960 = tpu.memref_slice %arg7[%mul3A_956, %dma_start3A_959] : memref<27648x768xf32, #tpu.memory_space<hbm>> -> memref<32x768xf32, #tpu.memory_space<hbm>>
    tpu.enqueue_dma source(%arg13 : memref<32x768xf32, #tpu.memory_space<vmem>>) target(%dma_start3A_960 : memref<32x768xf32, #tpu.memory_space<hbm>>) target_semaphore(%arg23 : memref<!tpu.dma_semaphore, #tpu.memory_space<semaphore_mem>>)
    %dma_wait3A_961 = arith.constant 25 : i32
    %dma_wait3A_962 = arith.constant 0 : i32
    %dma_wait3A_963 = tpu.memref_slice %arg9[%dma_wait3A_961, %dma_wait3A_962] : memref<27x32xi32, #tpu.memory_space<vmem>> -> memref<1x32xi32, #tpu.memory_space<vmem>>
    %dma_wait3A_964 = tpu.memref_squeeze %dma_wait3A_963 : memref<1x32xi32, #tpu.memory_space<vmem>> -> memref<32xi32, #tpu.memory_space<vmem>>
    %dma_wait3A_965 = arith.constant 0 : i32
    %dma_wait3A_966 = arith.constant 0 : i32
    %dma_wait3A_967 = tpu.memref_slice %arg3[%dma_wait3A_965, %dma_wait3A_966] : memref<36864x768xf32, #tpu.memory_space<hbm>> -> memref<36864x768xf32, #tpu.memory_space<hbm>>
    tpu.wait_indirect_dma semaphore(%arg19 : memref<!tpu.dma_semaphore, #tpu.memory_space<semaphore_mem>>) src(%dma_wait3A_967 : memref<36864x768xf32, #tpu.memory_space<hbm>>) dst(%arg14 : memref<32x768xf32, #tpu.memory_space<vmem>>)
    %mul3A_968 = arith.constant 32 : i32
    %mul3A_969 = arith.muli %add3A_140, %mul3A_968 : i32
    %dma_start3A_970 = arith.constant 0 : i32
    %dma_start3A_971 = tpu.memref_slice %arg7[%mul3A_969, %dma_start3A_970] : memref<27648x768xf32, #tpu.memory_space<hbm>> -> memref<32x768xf32, #tpu.memory_space<hbm>>
    %dma_start3A_972 = arith.constant 0 : i32
    %dma_start3A_973 = tpu.memref_slice %arg7[%mul3A_969, %dma_start3A_972] : memref<27648x768xf32, #tpu.memory_space<hbm>> -> memref<32x768xf32, #tpu.memory_space<hbm>>
    tpu.enqueue_dma source(%arg14 : memref<32x768xf32, #tpu.memory_space<vmem>>) target(%dma_start3A_973 : memref<32x768xf32, #tpu.memory_space<hbm>>) target_semaphore(%arg24 : memref<!tpu.dma_semaphore, #tpu.memory_space<semaphore_mem>>)
    %dma_wait3A_974 = arith.constant 26 : i32
    %dma_wait3A_975 = arith.constant 0 : i32
    %dma_wait3A_976 = tpu.memref_slice %arg9[%dma_wait3A_974, %dma_wait3A_975] : memref<27x32xi32, #tpu.memory_space<vmem>> -> memref<1x32xi32, #tpu.memory_space<vmem>>
    %dma_wait3A_977 = tpu.memref_squeeze %dma_wait3A_976 : memref<1x32xi32, #tpu.memory_space<vmem>> -> memref<32xi32, #tpu.memory_space<vmem>>
    %dma_wait3A_978 = arith.constant 0 : i32
    %dma_wait3A_979 = arith.constant 0 : i32
    %dma_wait3A_980 = tpu.memref_slice %arg3[%dma_wait3A_978, %dma_wait3A_979] : memref<36864x768xf32, #tpu.memory_space<hbm>> -> memref<36864x768xf32, #tpu.memory_space<hbm>>
    tpu.wait_indirect_dma semaphore(%arg15 : memref<!tpu.dma_semaphore, #tpu.memory_space<semaphore_mem>>) src(%dma_wait3A_980 : memref<36864x768xf32, #tpu.memory_space<hbm>>) dst(%arg10 : memref<32x768xf32, #tpu.memory_space<vmem>>)
    %mul3A_981 = arith.constant 32 : i32
    %mul3A_982 = arith.muli %add3A_144, %mul3A_981 : i32
    %dma_start3A_983 = arith.constant 0 : i32
    %dma_start3A_984 = tpu.memref_slice %arg7[%mul3A_982, %dma_start3A_983] : memref<27648x768xf32, #tpu.memory_space<hbm>> -> memref<32x768xf32, #tpu.memory_space<hbm>>
    %dma_start3A_985 = arith.constant 0 : i32
    %dma_start3A_986 = tpu.memref_slice %arg7[%mul3A_982, %dma_start3A_985] : memref<27648x768xf32, #tpu.memory_space<hbm>> -> memref<32x768xf32, #tpu.memory_space<hbm>>
    tpu.enqueue_dma source(%arg10 : memref<32x768xf32, #tpu.memory_space<vmem>>) target(%dma_start3A_986 : memref<32x768xf32, #tpu.memory_space<hbm>>) target_semaphore(%arg20 : memref<!tpu.dma_semaphore, #tpu.memory_space<semaphore_mem>>)
    %dma_wait3A_987 = arith.constant 0 : i32
    %dma_wait3A_988 = tpu.memref_slice %arg7[%mul3A_908, %dma_wait3A_987] : memref<27648x768xf32, #tpu.memory_space<hbm>> -> memref<32x768xf32, #tpu.memory_space<hbm>>
    %dma_wait3A_989 = arith.constant 0 : i32
    %dma_wait3A_990 = tpu.memref_slice %arg7[%mul3A_908, %dma_wait3A_989] : memref<27648x768xf32, #tpu.memory_space<hbm>> -> memref<32x768xf32, #tpu.memory_space<hbm>>
    tpu.wait_dma2 semaphore(%arg21 : memref<!tpu.dma_semaphore, #tpu.memory_space<semaphore_mem>>) src(%arg11 : memref<32x768xf32, #tpu.memory_space<vmem>>) dst(%dma_wait3A_990 : memref<32x768xf32, #tpu.memory_space<hbm>>)
    %dma_wait3A_991 = arith.constant 0 : i32
    %dma_wait3A_992 = tpu.memref_slice %arg7[%mul3A_932, %dma_wait3A_991] : memref<27648x768xf32, #tpu.memory_space<hbm>> -> memref<32x768xf32, #tpu.memory_space<hbm>>
    %dma_wait3A_993 = arith.constant 0 : i32
    %dma_wait3A_994 = tpu.memref_slice %arg7[%mul3A_932, %dma_wait3A_993] : memref<27648x768xf32, #tpu.memory_space<hbm>> -> memref<32x768xf32, #tpu.memory_space<hbm>>
    tpu.wait_dma2 semaphore(%arg22 : memref<!tpu.dma_semaphore, #tpu.memory_space<semaphore_mem>>) src(%arg12 : memref<32x768xf32, #tpu.memory_space<vmem>>) dst(%dma_wait3A_994 : memref<32x768xf32, #tpu.memory_space<hbm>>)
    %dma_wait3A_995 = arith.constant 0 : i32
    %dma_wait3A_996 = tpu.memref_slice %arg7[%mul3A_956, %dma_wait3A_995] : memref<27648x768xf32, #tpu.memory_space<hbm>> -> memref<32x768xf32, #tpu.memory_space<hbm>>
    %dma_wait3A_997 = arith.constant 0 : i32
    %dma_wait3A_998 = tpu.memref_slice %arg7[%mul3A_956, %dma_wait3A_997] : memref<27648x768xf32, #tpu.memory_space<hbm>> -> memref<32x768xf32, #tpu.memory_space<hbm>>
    tpu.wait_dma2 semaphore(%arg23 : memref<!tpu.dma_semaphore, #tpu.memory_space<semaphore_mem>>) src(%arg13 : memref<32x768xf32, #tpu.memory_space<vmem>>) dst(%dma_wait3A_998 : memref<32x768xf32, #tpu.memory_space<hbm>>)
    %dma_wait3A_999 = arith.constant 0 : i32
    %dma_wait3A_1000 = tpu.memref_slice %arg7[%mul3A_969, %dma_wait3A_999] : memref<27648x768xf32, #tpu.memory_space<hbm>> -> memref<32x768xf32, #tpu.memory_space<hbm>>
    %dma_wait3A_1001 = arith.constant 0 : i32
    %dma_wait3A_1002 = tpu.memref_slice %arg7[%mul3A_969, %dma_wait3A_1001] : memref<27648x768xf32, #tpu.memory_space<hbm>> -> memref<32x768xf32, #tpu.memory_space<hbm>>
    tpu.wait_dma2 semaphore(%arg24 : memref<!tpu.dma_semaphore, #tpu.memory_space<semaphore_mem>>) src(%arg14 : memref<32x768xf32, #tpu.memory_space<vmem>>) dst(%dma_wait3A_1002 : memref<32x768xf32, #tpu.memory_space<hbm>>)
    %dma_wait3A_1003 = arith.constant 0 : i32
    %dma_wait3A_1004 = tpu.memref_slice %arg7[%mul3A_982, %dma_wait3A_1003] : memref<27648x768xf32, #tpu.memory_space<hbm>> -> memref<32x768xf32, #tpu.memory_space<hbm>>
    %dma_wait3A_1005 = arith.constant 0 : i32
    %dma_wait3A_1006 = tpu.memref_slice %arg7[%mul3A_982, %dma_wait3A_1005] : memref<27648x768xf32, #tpu.memory_space<hbm>> -> memref<32x768xf32, #tpu.memory_space<hbm>>
    tpu.wait_dma2 semaphore(%arg20 : memref<!tpu.dma_semaphore, #tpu.memory_space<semaphore_mem>>) src(%arg10 : memref<32x768xf32, #tpu.memory_space<vmem>>) dst(%dma_wait3A_1006 : memref<32x768xf32, #tpu.memory_space<hbm>>)
    return
  }
}

</mosaic_0001>

<sc_bundles>
// kernel: kernel.3.cloned.1.call-start
scs
__scs_entry_jumppad:
0x0: {  	(pc) =	sbr.rel $0x88, $3  }
0x1: {  	(tag) =	ssettag $0x0;
	lr =	simm.s32 $0x1  }
0x2: {  	[smem:$0x3F9F] =	sst lr;
	_ =	strace $0xD0000000  }
0x3: {  	_ = 	snop  }
0x4: {  	_ = 	snop  }
0x5: {  	_ = 	snop  }
0x6: {  	_ = 	snop  }
0x7: {  	_ = 	snop  }
__scs_overlays_trampoline_lowered:
0x8: {  	[smem:$0x3FAE] =	sst s0  }
0x9: {  	[smem:$0x3FAF] =	sst s1  }
0xa: {  	[smem:$0x3FB0] =	sst s2  }
0xb: {  	[smem:$0x3FB1] =	sst s3  }
0xc: {  	[smem:$0x3FB2] =	sst s4  }
0xd: {  	[smem:$0x3FB3] =	sst s5  }
0xe: {  	[smem:$0x3FB4] =	sst s6  }
0xf: {  	[smem:$0x3FB5] =	sst s7  }
0x10: {  	[smem:$0x3FB6] =	sst s8  }
0x11: {  	[smem:$0x3FB7] =	sst s9;
	s0 =	simm.s32 @!p0 $0x0  }
0x12: {  	s1 =	sld [smem:$0x3F9D];
	s0 =	simm.s32 @p0 $0x1  }
0x13: {  	[smem:$0x3FB8] =	sst s0;
	s0 =	simm.s32 @!p1 $0x0  }
0x14: {  	s2 =	sld [smem:$0x3F9C];
	s0 =	simm.s32 @p1 $0x1  }
0x15: {  	[smem:$0x3FB9] =	sst s0;
	s0 =	simm.s32 @!p2 $0x0  }
0x16: {  	s3 =	sld [smem:$0x3FDB];
	s0 =	simm.s32 @p2 $0x1  }
0x17: {  	s4 =	simm.s32 $0x1BF5;
	[smem:$0x3FBB] =	sst s0  }
0x18: {  	s0 =	sld [smem:$0x3F9E];
	_ =	swait.ge [sflag:s4], $0x0  }
0x19: {  	s7 =	sld [smem:$0x3F9F]  }
0x1a: {  	s8 =	sadd.s32 $0xFFFFE003, lr  }
0x1b: {  	s9 =	sadd.s32 $0xFFFFFEF7, lr;
	s5 =	simm.s32 $0xFFFFFFFF;
	p2 =	slt.u32 s8, $0xFFFFF086  }
0x1c: {  	p1 =	slt.u32 s9, $0xF7A;
	s5 =	simm.s32 @!p2 $0x0  }
0x1d: {  	s5 =	simm.s32 @p1 $0x1;
	p0 =	seq.s32 s7, s2  }
0x1e: {  	s7 =	smul.u32 @!p0 $0xF7A, s2;
	p2 =	seq.s32 @!p0 s5, $0x0  }
0x1f: {  	s9 =	smul.u32 $0xF7A, s1;
	s8 =	simm.s32 @!p0 $0x1BF5;
	p2 =	por !p2, p0  }
0x20: {  	[sflag:s8] =	ssyncset.s32 @!p0 $0xFFFFF086;
	s6 =	sadd.s32 @!p0 s3, s7;
	s7 =	simm.s32 @!p0 $0x108  }
0x21: {  	s3 =	sadd.s32 s3, s9;
	s6 =	sadd.s32 @!p0 $0x88, s6;
	s7 =	simm.s32 @p2 $0x1082  }
0x22: {  	[simem:s7], [sflag:s8] =	dma.local @!p0 [hbm:s6], $0xF7A  }
0x23: {  	s9 =	sor.u32 $0xD0000000, s2;
	s6 =	simm.s32 $0x108;
	_ =	swait.ge @!p0 [sflag:s8], $0x0  }
0x24: {  	s3 =	sadd.s32 $0x88, s3;
	s6 =	simm.s32 @!p1 $0x1082;
	[sflag:s4] =	ssyncset.s32 $0xFFFFF086  }
0x25: {  	[simem:s6], [sflag:s4] =	dma.local [hbm:s3], $0xF7A  }
0x26: {  	[smem:$0x3F9F] =	sst s1;
	(tag) =	ssettag s2;
	_ =	strace s9  }
0x27: {  	s1 =	sld [smem:$0x3FAF]  }
0x28: {  	s2 =	sld [smem:$0x3FB0]  }
0x29: {  	s4 =	sld [smem:$0x3FB2]  }
0x2a: {  	p0 =	seq.s32 s5, $0x0;
	s5 =	sld [smem:$0x3FB3]  }
0x2b: {  	s6 =	sld [smem:$0x3FB4]  }
0x2c: {  	s7 =	sld [smem:$0x3FB5]  }
0x2d: {  	s3 =	simm.s32 $0x108;
	s8 =	sld [smem:$0x3FB6]  }
0x2e: {  	s3 =	simm.s32 @!p0 $0x1082;
	s9 =	sld [smem:$0x3FB7]  }
0x2f: {  	lr =	sadd.s32 s0, s3;
	s0 =	sld [smem:$0x3FAE]  }
0x30: {  	s3 =	sld [smem:$0x3FB1]  }
0x31: {  	[smem:$0x3FBA] =	sst s10  }
0x32: {  	s10 =	sld [smem:$0x3FB8];
	_ =	sdelay $0x3  }
0x33: {  	p0 =	seq.s32 s10, $0x1;
	s10 =	sld [smem:$0x3FBA];
	_ =	sdelay $0x3  }
0x34: {  	[smem:$0x3FBA] =	sst s10  }
0x35: {  	s10 =	sld [smem:$0x3FB9];
	_ =	sdelay $0x3  }
0x36: {  	p1 =	seq.s32 s10, $0x1;
	s10 =	sld [smem:$0x3FBA];
	_ =	sdelay $0x3  }
0x37: {  	[smem:$0x3FBA] =	sst s10  }
0x38: {  	s10 =	sld [smem:$0x3FBB]  }
0x39: {  	_ = 	snop;
	(pc) =	sbr.ind lr, $3  }
0x3a: {  	_ = 	snop  }
0x3b: {  	_ = 	snop  }
0x3c: {  	p2 =	seq.s32 s10, $0x1;
	s10 =	sld [smem:$0x3FBA]  }
0x3d: {  	_ =	shalt  }
0x3e: {  	_ =	shalt  }
0x3f: {  	_ =	shalt  }
0x40: {  	_ =	shalt  }
0x41: {  	_ =	shalt  }
0x42: {  	_ =	shalt  }
0x43: {  	_ =	shalt  }
0x44: {  	_ =	shalt  }
0x45: {  	_ =	shalt  }
0x46: {  	_ =	shalt  }
0x47: {  	_ =	shalt  }
0x48: {  	_ =	shalt  }
0x49: {  	_ =	shalt  }
0x4a: {  	_ =	shalt  }
0x4b: {  	_ =	shalt  }
0x4c: {  	_ =	shalt  }
0x4d: {  	_ =	shalt  }
0x4e: {  	_ =	shalt  }
0x4f: {  	_ =	shalt  }
0x50: {  	_ =	shalt  }
0x51: {  	_ =	shalt  }
0x52: {  	_ =	shalt  }
0x53: {  	_ =	shalt  }
0x54: {  	_ =	shalt  }
0x55: {  	_ =	shalt  }
0x56: {  	_ =	shalt  }
0x57: {  	_ =	shalt  }
0x58: {  	_ =	shalt  }
0x59: {  	_ =	shalt  }
0x5a: {  	_ =	shalt  }
0x5b: {  	_ =	shalt  }
0x5c: {  	_ =	shalt  }
0x5d: {  	_ =	shalt  }
0x5e: {  	_ =	shalt  }
0x5f: {  	_ =	shalt  }
0x60: {  	_ =	shalt  }
0x61: {  	_ =	shalt  }
0x62: {  	_ =	shalt  }
0x63: {  	_ =	shalt  }
0x64: {  	_ =	shalt  }
0x65: {  	_ =	shalt  }
0x66: {  	_ =	shalt  }
0x67: {  	_ =	shalt  }
0x68: {  	_ =	shalt  }
0x69: {  	_ =	shalt  }
0x6a: {  	_ =	shalt  }
0x6b: {  	_ =	shalt  }
0x6c: {  	_ =	shalt  }
0x6d: {  	_ =	shalt  }
0x6e: {  	_ =	shalt  }
0x6f: {  	_ =	shalt  }
0x70: {  	_ =	shalt  }
0x71: {  	_ =	shalt  }
0x72: {  	_ =	shalt  }
0x73: {  	_ =	shalt  }
0x74: {  	_ =	shalt  }
0x75: {  	_ =	shalt  }
0x76: {  	_ =	shalt  }
0x77: {  	_ =	shalt  }
0x78: {  	_ =	shalt  }
0x79: {  	_ =	shalt  }
0x7a: {  	_ =	shalt  }
0x7b: {  	_ =	shalt  }
0x7c: {  	_ =	shalt  }
0x7d: {  	_ =	shalt  }
0x7e: {  	_ =	shalt  }
0x7f: {  	_ =	shalt  }
0x80: {  	_ =	shalt  }
0x81: {  	_ =	shalt  }
0x82: {  	_ =	shalt  }
0x83: {  	_ =	shalt  }
0x84: {  	_ =	shalt  }
0x85: {  	_ =	shalt  }
0x86: {  	_ =	shalt  }
0x87: {  	_ =	shalt  }
.Lfunc_end0:
.L_simem_size_0:
called_computation_lowered:
.L_overlay_start_0:
0x88: {  	s2 =	sld [smem:$0x3FD9]  }
0x89: {  	s3 =	sld [smem:$0x3FFE];
	_ =	sdelay $0x1  }
0x8a: {  	s1 =	srdreg.scid  }
0x8b: {  	s0 =	sand.u32 $0x1, s1  }
0x8c: {  	s14 =	sshll.u32 s0, $0xA;
	s2 =	sadd.s32 s3, s2  }
0x8d: {  	s2 =	sadd.s32 s2, s14  }
0x8e: {  	[smem:$0x3FC6] =	sst s2  }
0x8f: {  	_ = 	snop  }
0x90: {  	s2 =	sld [smem:$0x3FD0];
	_ =	sdelay $0x1  }
0x91: {  	s15 =	sld [smem:$0x3FC9]  }
0x92: {  	s5 =	simm.s32 $0xA;
	s6 =	simm.s32 $0x10;
	s4 =	sld [smem:$0x3FC8]  }
0x93: {  	[smem:s6], [sflag:s5] =	dma.local [hbm:s2], $0x1  }
0x94: {  	_ =	swait.eq [sflag:s5], $0x1  }
0x95: {  	[sflag:s5] =	ssyncset.done $0x0  }
0x96: {  	s16 =	sld [smem:$0x10];
	[sflag:s5] =	ssyncadd.s32 $0xFFFFFFFF  }
0x97: {  	s17 =	sld [smem:$0x11];
	(tm) =	ssettm $0x1  }
0x98: {  	s18 =	sld [smem:$0x3FFB];
	_ =	sdelay $0x3  }
0x99: {  	_ =	strace s18  }
0x9a: {  	s6 =	sld [smem:$0x3FFC];
	_ =	sdelay $0x3  }
0x9b: {  	_ =	strace s6  }
0x9c: {  	s6 =	sld [smem:$0x3FFD];
	_ =	sdelay $0x3  }
0x9d: {  	_ =	strace s6  }
0x9e: {  	_ =	strace $0x8FFFFFFF  }
0x9f: {  	s19 =	sld [smem:$0x3FDB];
	_ =	sdelay $0x1  }
0xa0: {  	s7 =	simm.s32 $_scs_section_size  }
0xa1: {  	s8 =	simm.s32 $_size__tile_overlayer_lowered;
	s9 =	simm.s32 $_tile_overlayer_lowered  }
0xa2: {  	s22 =	simm.s32 $0x1BFF;
	s21 =	sshll.u32 s9, $0x1;
	s6 =	sadd.s32 s7, s19  }
0xa3: {  	s10 =	simm.s32 $0x0;
	s20 =	sshll.u32 s8, $0x1;
	s8 =	sadd.s32 s21, s6  }
0xa4: {  	[timem:s10], [sflag:s22] =	dma.local [hbm:s8], s20  }
0xa5: {  	_ =	swait.ge [sflag:s22], s20  }
0xa6: {  	s7 =	ssub.s32 $0x0, s20;
	[sflag:s22] =	ssyncset.done $0x0  }
0xa7: {  	[sflag:s22] =	ssyncadd.s32 s7;
	_ =	sdelay $0x1  }
0xa8: {  	s23 =	simm.s32 $0x1B8B  }
0xa9: {  	_ =	swait.ge [sflag:s23], $0x1  }
0xaa: {  	[sflag:s23] =	ssyncset.done $0x0  }
0xab: {  	s25 =	simm.s32 $0x1B8E;
	s24 =	sld [smem:$0x3FFE];
	[sflag:s23] =	ssyncadd.s32 $0xFFFFFFFF  }
0xac: {  	s26 =	simm.s32 $execute0_lowered;
	[smem:$0x3FD2] =	sst s25  }
0xad: {  	s8 =	sshll.u32 s26, $0x1;
	_ =	strace $0x80000046;
	[dreg:$0x1] =	wrdreg $0xFFFFFFFF  }
0xae: {  	s28 =	simm.s32 $_size_execute0_lowered;
	s6 =	sadd.s32 s6, s8;
	[dreg:$0x0] =	wrdreg $0x0  }
0xaf: {  	s8 =	sshll.u32 s28, $0x1;
	[dreg:$0x2] =	wrdreg s6  }
0xb0: {  	[dreg:$0x3] =	wrdreg s8  }
0xb1: {  	[dreg:$0x4] =	wrdreg $0xC0  }
0xb2: {  	_ =	task [dreg:s10], $0x5FFFF  }
0xb3: {  	[dreg:$0x1] =	wrdreg $0xFFFFFFFF  }
0xb4: {  	[dreg:$0x0] =	wrdreg $0x60  }
0xb5: {  	[dreg:$0x2] =	wrdreg s15  }
0xb6: {  	[dreg:$0x3] =	wrdreg s4  }
0xb7: {  	[dreg:$0x4] =	wrdreg s24  }
0xb8: {  	[dreg:$0x5] =	wrdreg s16  }
0xb9: {  	[dreg:$0x6] =	wrdreg s17  }
0xba: {  	[dreg:$0x7] =	wrdreg $0x9  }
0xbb: {  	_ =	task.clear_ibuf [dreg:s10], $0x8FFFF;
	_ =	strace $0x90000046  }
0xbc: {  	s29 =	simm.s32 $0x9;
	_ =	strace $0x80000048  }
0xbd: {  	_ =	swait.ge [sflag:s29], $0x1  }
0xbe: {  	[sflag:s29] =	ssyncadd.s32 $0xFFFFFFFF  }
0xbf: {  	_ =	strace $0x90000048  }
0xc0: {  	_ =	sfence  }
0xc1: {  	s30 =	sld [smem:$0x0];
	_ =	sdelay $0x2  }
0xc2: {  	s31 =	sshll.u32 s1, $0xD;
	s1 =	sshrl.u32 s1, $0x2  }
0xc3: {  	s3 =	sand.u32 $0x4000, s31;
	s1 =	sadd.s32 s1, s30  }
0xc4: {  	s0 =	sor.u32 s3, s0;
	s1 =	sshll.u32 s1, $0x11  }
0xc5: {  	s0 =	sor.u32 s1, s0  }
0xc6: {  	s0 =	sadd.s32 $0x8F2B, s0  }
0xc7: {  	[sflag:s0] =	ssyncadd.remote.s32 $0x1  }
0xc8: {  	_ =	sfence.sel $0xFFFF  }
0xc9: {  	[dreg:$0x0] =	wrdreg $0xFFFFFFFF;
	(pc) =	sbr.abs _section_cstart, $3  }
0xca: {  	[dreg:$0x1] =	wrdreg $0xFFFFFFFF  }
0xcb: {  	_ =	task.clear_ibuf [dreg:s10], $0x2FFFF;
	_ =	strace $0x9FFFFFFF  }
0xcc: {  	(tm) =	ssettm $0x7FFFFFFF  }
0xcd: {  	_ =	shalt  }
tec
execute0_lowered:
.L_overlay_start_1:
0x0: {  	(tag) =	ssettag $0x1  }
0x1: {  	s0 =	rddreg [dreg:$0x0]  }
0x2: {  	s1 =	srdreg.scid;
	s4 =	stileid.u32  }
0x3: {  	s2 =	rddreg [dreg:$0x1];
	s1 =	sand.u32 $0x1, s1;
	s7 =	sshll.u32 s4, $0x1  }
0x4: {  	s3 =	rddreg [dreg:$0x2];
	s7 =	sor.u32 s1, s7  }
0x5: {  	s5 =	rddreg [dreg:$0x3];
	s4 =	simm.s32 $0x0;
	s8 =	smul.u32 $0x120, s7  }
0x6: {  	[smem:$0x7FF] =	sst s4;
	s10 =	smul.u32 $0x6C00, s7  }
0x7: {  	s6 =	rddreg [dreg:$0x4];
	_ =	strace $0x80000047;
	s19 =	smul.u32 $0x360, s7  }
0x8: {  	s9 =	sshll.u32 s7, $0x8;
	s11 =	sshll.u32 s7, $0x9;
	s7 =	smul.u32 $0x14400, s7  }
0x9: {  	s9 =	sadd.s32 s9, s3;
	s3 =	sadd.s32 s3, s11;
	s8 =	sshrl.u32 s8, $0x3  }
0xa: {  	s9 =	sadd.s32 $0x4000, s9;
	[dreg:$0x7] =	wrdreg s3;
	s8 =	smul.u32 $0x300, s8  }
0xb: {  	s13 =	sadd.s32 s5, s10;
	[dreg:$0x6] =	wrdreg s9  }
0xc: {  	s23 =	sadd.s32 s6, s7;
	[dreg:$0x8] =	wrdreg s13;
	s5 =	sadd.s32 s5, s8  }
0xd: {  	[dreg:$0x11] =	wrdreg s23;
	s14 =	sadd.s32 $0xC00, s5  }
0xe: {  	s15 =	sadd.s32 $0x1800, s5;
	[dreg:$0x9] =	wrdreg s14  }
0xf: {  	s16 =	sadd.s32 $0x2400, s5;
	[dreg:$0xa] =	wrdreg s15  }
0x10: {  	s17 =	sadd.s32 $0x3000, s5;
	[dreg:$0xb] =	wrdreg s16  }
0x11: {  	s8 =	sshrl.u32 s19, $0x3;
	s18 =	sadd.s32 $0x3C00, s5;
	[dreg:$0xc] =	wrdreg s17  }
0x12: {  	s20 =	sadd.s32 $0x4800, s5;
	s8 =	smul.u32 $0x300, s8;
	[dreg:$0xd] =	wrdreg s18  }
0x13: {  	s21 =	sadd.s32 $0x5400, s5;
	[dreg:$0xe] =	wrdreg s20  }
0x14: {  	s22 =	sadd.s32 $0x6000, s5;
	[dreg:$0xf] =	wrdreg s21;
	s9 =	sadd.s32 s6, s8  }
0x15: {  	[dreg:$0x10] =	wrdreg s22;
	s24 =	sadd.s32 $0xC00, s9  }
0x16: {  	s25 =	sadd.s32 $0x1800, s9;
	[dreg:$0x12] =	wrdreg s24  }
0x17: {  	s26 =	sadd.s32 $0x2400, s9;
	[dreg:$0x13] =	wrdreg s25  }
0x18: {  	s28 =	sadd.s32 $0x3000, s9;
	[dreg:$0x14] =	wrdreg s26  }
0x19: {  	s30 =	sadd.s32 $0x3C00, s9;
	[dreg:$0x15] =	wrdreg s28  }
0x1a: {  	s5 =	sadd.s32 $0x4800, s9;
	[dreg:$0x16] =	wrdreg s30  }
0x1b: {  	s6 =	sadd.s32 $0x5400, s9;
	[dreg:$0x17] =	wrdreg s5  }
0x1c: {  	s7 =	sadd.s32 $0x6000, s9;
	[dreg:$0x18] =	wrdreg s6  }
0x1d: {  	s8 =	sadd.s32 $0x6C00, s9;
	[dreg:$0x19] =	wrdreg s7  }
0x1e: {  	s10 =	sadd.s32 $0x7800, s9;
	[dreg:$0x1a] =	wrdreg s8  }
0x1f: {  	s11 =	sadd.s32 $0x8400, s9;
	[dreg:$0x1b] =	wrdreg s10  }
0x20: {  	s12 =	sadd.s32 $0x9000, s9;
	[dreg:$0x1c] =	wrdreg s11  }
0x21: {  	s13 =	sadd.s32 $0x9C00, s9;
	[dreg:$0x1d] =	wrdreg s12  }
0x22: {  	s14 =	sadd.s32 $0xA800, s9;
	[dreg:$0x1e] =	wrdreg s13  }
0x23: {  	s15 =	sadd.s32 $0xB400, s9;
	[dreg:$0x1f] =	wrdreg s14  }
0x24: {  	s16 =	sadd.s32 $0xC000, s9;
	[smem:$0x7F1] =	sst s15  }
0x25: {  	s17 =	sadd.s32 $0xCC00, s9;
	[smem:$0x7F2] =	sst s16  }
0x26: {  	s18 =	sadd.s32 $0xD800, s9;
	[smem:$0x7F3] =	sst s17  }
0x27: {  	s29 =	simm.s32 $0x1;
	s19 =	sadd.s32 $0xE400, s9;
	[smem:$0x7F4] =	sst s18  }
0x28: {  	s31 =	simm.s32 $0x2;
	s20 =	sadd.s32 $0xF000, s9;
	[smem:$0x7F5] =	sst s19  }
0x29: {  	s1 =	ssub.s32 $0x2, s1;
	s22 =	sadd.s32 $0xFC00, s9;
	[smem:$0x7F6] =	sst s20  }
0x2a: {  	s3 =	simm.s32 $0x6;
	s23 =	sadd.s32 $0x10800, s9;
	[smem:$0x7F7] =	sst s22  }
0x2b: {  	s21 =	sshrl.u32 s1, $0x1;
	[smem:$0x7F8] =	sst s23;
	s24 =	sadd.s32 $0x11400, s9  }
0x2c: {  	s1 =	ssub.s32 s1, s21;
	s25 =	sadd.s32 $0x12000, s9;
	[smem:$0x7F9] =	sst s24  }
0x2d: {  	s5 =	sadd.s32 $0x100, s0;
	s26 =	sadd.s32 $0x12C00, s9;
	[smem:$0x7FA] =	sst s25  }
0x2e: {  	v2 =	vlaneseq.u32;
	s6 =	sadd.s32 $0x200, s0;
	s28 =	sadd.s32 $0x13800, s9;
	[smem:$0x7FB] =	sst s26  }
0x2f: {  	vm0 =	vmmov $0xffff;
	v1 =	vshrl.u32 v2, $0x3;
	s7 =	sadd.s32 $0x100, s2;
	s30 =	simm.s32 $0x800;
	[smem:$0x7FC] =	sst s28  }
0x30: {  	v0 =	vand.u32 $0x7, v2;
	v2 =	vor.u32 $0x8, v2;
	v1 =	vmul.u32 $0x8, v1;
	s8 =	sadd.s32 $0x200, s2;
	s9 =	smax.u32 s1, $0x1;
	[smem:$0x7FD] =	sst s30  }
.LBB2_1:
0x31: {  	[smem:$0x7F0] =	sst s9  }
0x32: {  	s15 =	rddreg [dreg:$0x6];
	s17 =	simm.s32 $0xB  }
0x33: {  	[tilespmem:s4], [sflag:$0xB] =	stream.linear.gather [hbm4b:s15+s4], $0x480, $0x38;
	[tilespmem:$0x1F800] =	vst v63  }
0x34: {  	_ =	swait.ge [sflag:s17], $0x480  }
0x35: {  	s16 =	sld [smem:$0x7FD]  }
0x36: {  	[sflag:s17] =	ssyncset.done $0x0  }
0x37: {  	s14 =	rddreg [dreg:$0x7];
	[sflag:s17] =	ssyncadd.s32 $0xFFFFFB80  }
0x38: {  	[tilespmem:s16], [sflag:$0xB] =	stream.linear.gather [hbm4b:s14+s4], $0xD80, $0x38;
	[tilespmem:$0x1F800] =	vst v63  }
0x39: {  	_ =	swait.ge [sflag:s17], $0xD80  }
0x3a: {  	[sflag:s17] =	ssyncset.done $0x0  }
0x3b: {  	[sflag:s17] =	ssyncadd.s32 $0xFFFFF280  }
0x3c: {  	v3 =	vld [tilespmem:$0x0];
	_ =	sdelay $0x4  }
0x3d: {  	v4 =	vshrl.u32 v3, $0x3  }
0x3e: {  	v4 =	vmul.u32 $0x30, v4  }
0x3f: {  	v3 =	vand.u32 $0x7, v3  }
0x40: {  	v3 =	vor.u32 v3, v4  }
0x41: {  	v4 =	vperm.xlane v3, v0;
	_ =	sdelay $0x1  }
0x42: {  	v4 =	vadd.s32 v1, v4;
	_ =	sdelay $0x3  }
0x43: {  	s17 =	simm.s32 $0x1800;
	v3 =	vperm.xlane v3, v2  }
0x44: {  	[tilespmem:s17], [sflag:$0x1] =	stream.indirect_vreg.gather [hbm4b:s0+s4], $0x80, v4, vm0, $0xb8;
	[tilespmem:$0x1F800] =	vst v63  }
0x45: {  	s18 =	simm.s32 $0x2000;
	v3 =	vadd.s32 v1, v3  }
0x46: {  	[tilespmem:s18], [sflag:$0x1] =	stream.indirect_vreg.gather [hbm4b:s5+s4], $0x80, v4, vm0, $0xb8;
	[tilespmem:$0x1F800] =	vst v63  }
0x47: {  	s19 =	simm.s32 $0x2800  }
0x48: {  	[tilespmem:s19], [sflag:$0x1] =	stream.indirect_vreg.gather [hbm4b:s6+s4], $0x80, v4, vm0, $0xb8;
	[tilespmem:$0x1F800] =	vst v63  }
0x49: {  	s20 =	simm.s32 $0x3000  }
0x4a: {  	[tilespmem:s20], [sflag:$0x1] =	stream.indirect_vreg.gather [hbm4b:s0+s4], $0x80, v3, vm0, $0xb8;
	[tilespmem:$0x1F800] =	vst v63  }
0x4b: {  	s21 =	simm.s32 $0x3800  }
0x4c: {  	[tilespmem:s21], [sflag:$0x1] =	stream.indirect_vreg.gather [hbm4b:s5+s4], $0x80, v3, vm0, $0xb8;
	[tilespmem:$0x1F800] =	vst v63  }
0x4d: {  	s22 =	simm.s32 $0x4000  }
0x4e: {  	[tilespmem:s22], [sflag:$0x1] =	stream.indirect_vreg.gather [hbm4b:s6+s4], $0x80, v3, vm0, $0xb8;
	[tilespmem:$0x1F800] =	vst v63  }
0x4f: {  	v3 =	vld [tilespmem:$0x10];
	_ =	sdelay $0x4  }
0x50: {  	v49 =	vshrl.u32 v3, $0x3  }
0x51: {  	v4 =	vmul.u32 $0x30, v49  }
0x52: {  	v3 =	vand.u32 $0x7, v3  }
0x53: {  	v3 =	vor.u32 v3, v4  }
0x54: {  	v4 =	vperm.xlane v3, v0;
	_ =	sdelay $0x1  }
0x55: {  	v4 =	vadd.s32 v1, v4;
	_ =	sdelay $0x3  }
0x56: {  	s23 =	simm.s32 $0x4800;
	v3 =	vperm.xlane v3, v2  }
0x57: {  	[tilespmem:s23], [sflag:$0x1] =	stream.indirect_vreg.gather [hbm4b:s0+s4], $0x80, v4, vm0, $0xb8;
	[tilespmem:$0x1F800] =	vst v63  }
0x58: {  	s24 =	simm.s32 $0x5000;
	v3 =	vadd.s32 v1, v3  }
0x59: {  	[tilespmem:s24], [sflag:$0x1] =	stream.indirect_vreg.gather [hbm4b:s5+s4], $0x80, v4, vm0, $0xb8;
	[tilespmem:$0x1F800] =	vst v63  }
0x5a: {  	s25 =	simm.s32 $0x5800  }
0x5b: {  	[tilespmem:s25], [sflag:$0x1] =	stream.indirect_vreg.gather [hbm4b:s6+s4], $0x80, v4, vm0, $0xb8;
	[tilespmem:$0x1F800] =	vst v63  }
0x5c: {  	s30 =	simm.s32 $0x6000  }
0x5d: {  	[tilespmem:s30], [sflag:$0x1] =	stream.indirect_vreg.gather [hbm4b:s0+s4], $0x80, v3, vm0, $0xb8;
	[tilespmem:$0x1F800] =	vst v63  }
0x5e: {  	s1 =	simm.s32 $0x6800  }
0x5f: {  	[tilespmem:s1], [sflag:$0x1] =	stream.indirect_vreg.gather [hbm4b:s5+s4], $0x80, v3, vm0, $0xb8;
	[tilespmem:$0x1F800] =	vst v63  }
0x60: {  	s11 =	simm.s32 $0x7000  }
0x61: {  	[tilespmem:s11], [sflag:$0x1] =	stream.indirect_vreg.gather [hbm4b:s6+s4], $0x80, v3, vm0, $0xb8;
	[tilespmem:$0x1F800] =	vst v63  }
0x62: {  	v3 =	vld [tilespmem:$0x80];
	_ =	sdelay $0x4  }
0x63: {  	v50 =	vshrl.u32 v3, $0x3  }
0x64: {  	v4 =	vmul.u32 $0x30, v50  }
0x65: {  	v3 =	vand.u32 $0x7, v3  }
0x66: {  	v3 =	vor.u32 v3, v4  }
0x67: {  	v4 =	vperm.xlane v3, v0;
	_ =	sdelay $0x1  }
0x68: {  	v4 =	vadd.s32 v1, v4;
	_ =	sdelay $0x3  }
0x69: {  	s11 =	simm.s32 $0x7800;
	v3 =	vperm.xlane v3, v2  }
0x6a: {  	[tilespmem:s11], [sflag:$0x2] =	stream.indirect_vreg.gather [hbm4b:s0+s4], $0x80, v4, vm0, $0xb8;
	[tilespmem:$0x1F800] =	vst v63  }
0x6b: {  	s12 =	simm.s32 $0x8000;
	v3 =	vadd.s32 v1, v3  }
0x6c: {  	[tilespmem:s12], [sflag:$0x2] =	stream.indirect_vreg.gather [hbm4b:s5+s4], $0x80, v4, vm0, $0xb8;
	[tilespmem:$0x1F800] =	vst v63  }
0x6d: {  	s13 =	simm.s32 $0x8800  }
0x6e: {  	[tilespmem:s13], [sflag:$0x2] =	stream.indirect_vreg.gather [hbm4b:s6+s4], $0x80, v4, vm0, $0xb8;
	[tilespmem:$0x1F800] =	vst v63  }
0x6f: {  	s14 =	simm.s32 $0x9000  }
0x70: {  	[tilespmem:s14], [sflag:$0x2] =	stream.indirect_vreg.gather [hbm4b:s0+s4], $0x80, v3, vm0, $0xb8;
	[tilespmem:$0x1F800] =	vst v63  }
0x71: {  	s15 =	simm.s32 $0x9800  }
0x72: {  	[tilespmem:s15], [sflag:$0x2] =	stream.indirect_vreg.gather [hbm4b:s5+s4], $0x80, v3, vm0, $0xb8;
	[tilespmem:$0x1F800] =	vst v63  }
0x73: {  	s23 =	simm.s32 $0xA000  }
0x74: {  	[tilespmem:s23], [sflag:$0x2] =	stream.indirect_vreg.gather [hbm4b:s6+s4], $0x80, v3, vm0, $0xb8;
	[tilespmem:$0x1F800] =	vst v63  }
0x75: {  	v3 =	vld [tilespmem:$0x90];
	_ =	sdelay $0x4  }
0x76: {  	v51 =	vshrl.u32 v3, $0x3  }
0x77: {  	v4 =	vmul.u32 $0x30, v51  }
0x78: {  	v3 =	vand.u32 $0x7, v3  }
0x79: {  	v3 =	vor.u32 v3, v4  }
0x7a: {  	v4 =	vperm.xlane v3, v0;
	_ =	sdelay $0x1  }
0x7b: {  	v4 =	vadd.s32 v1, v4;
	_ =	sdelay $0x3  }
0x7c: {  	s24 =	simm.s32 $0xA800;
	v3 =	vperm.xlane v3, v2  }
0x7d: {  	[tilespmem:s24], [sflag:$0x2] =	stream.indirect_vreg.gather [hbm4b:s0+s4], $0x80, v4, vm0, $0xb8;
	[tilespmem:$0x1F800] =	vst v63  }
0x7e: {  	s25 =	simm.s32 $0xB000;
	v3 =	vadd.s32 v1, v3  }
0x7f: {  	[tilespmem:s25], [sflag:$0x2] =	stream.indirect_vreg.gather [hbm4b:s5+s4], $0x80, v4, vm0, $0xb8;
	[tilespmem:$0x1F800] =	vst v63  }
0x80: {  	s30 =	simm.s32 $0xB800  }
0x81: {  	[tilespmem:s30], [sflag:$0x2] =	stream.indirect_vreg.gather [hbm4b:s6+s4], $0x80, v4, vm0, $0xb8;
	[tilespmem:$0x1F800] =	vst v63  }
0x82: {  	s1 =	simm.s32 $0xC000  }
0x83: {  	[tilespmem:s1], [sflag:$0x2] =	stream.indirect_vreg.gather [hbm4b:s0+s4], $0x80, v3, vm0, $0xb8;
	[tilespmem:$0x1F800] =	vst v63  }
0x84: {  	s14 =	simm.s32 $0xC800  }
0x85: {  	[tilespmem:s14], [sflag:$0x2] =	stream.indirect_vreg.gather [hbm4b:s5+s4], $0x80, v3, vm0, $0xb8;
	[tilespmem:$0x1F800] =	vst v63  }
0x86: {  	s15 =	simm.s32 $0xD000  }
0x87: {  	[tilespmem:s15], [sflag:$0x2] =	stream.indirect_vreg.gather [hbm4b:s6+s4], $0x80, v3, vm0, $0xb8;
	[tilespmem:$0x1F800] =	vst v63  }
0x88: {  	v3 =	vld [tilespmem:$0x100];
	_ =	sdelay $0x4  }
0x89: {  	v52 =	vshrl.u32 v3, $0x3  }
0x8a: {  	v4 =	vmul.u32 $0x30, v52  }
0x8b: {  	v3 =	vand.u32 $0x7, v3  }
0x8c: {  	v3 =	vor.u32 v3, v4  }
0x8d: {  	v4 =	vperm.xlane v3, v0;
	_ =	sdelay $0x1  }
0x8e: {  	v4 =	vadd.s32 v1, v4;
	_ =	sdelay $0x3  }
0x8f: {  	s24 =	simm.s32 $0xD800;
	v3 =	vperm.xlane v3, v2  }
0x90: {  	[tilespmem:s24], [sflag:$0x3] =	stream.indirect_vreg.gather [hbm4b:s0+s4], $0x80, v4, vm0, $0xb8;
	[tilespmem:$0x1F800] =	vst v63  }
0x91: {  	s25 =	simm.s32 $0xE000;
	v3 =	vadd.s32 v1, v3  }
0x92: {  	[tilespmem:s25], [sflag:$0x3] =	stream.indirect_vreg.gather [hbm4b:s5+s4], $0x80, v4, vm0, $0xb8;
	[tilespmem:$0x1F800] =	vst v63  }
0x93: {  	s30 =	simm.s32 $0xE800  }
0x94: {  	[tilespmem:s30], [sflag:$0x3] =	stream.indirect_vreg.gather [hbm4b:s6+s4], $0x80, v4, vm0, $0xb8;
	[tilespmem:$0x1F800] =	vst v63  }
0x95: {  	s1 =	simm.s32 $0xF000  }
0x96: {  	[tilespmem:s1], [sflag:$0x3] =	stream.indirect_vreg.gather [hbm4b:s0+s4], $0x80, v3, vm0, $0xb8;
	[tilespmem:$0x1F800] =	vst v63  }
0x97: {  	s15 =	simm.s32 $0xF800  }
0x98: {  	[tilespmem:s15], [sflag:$0x3] =	stream.indirect_vreg.gather [hbm4b:s5+s4], $0x80, v3, vm0, $0xb8;
	[tilespmem:$0x1F800] =	vst v63  }
0x99: {  	s24 =	simm.s32 $0x10000  }
0x9a: {  	[tilespmem:s24], [sflag:$0x3] =	stream.indirect_vreg.gather [hbm4b:s6+s4], $0x80, v3, vm0, $0xb8;
	[tilespmem:$0x1F800] =	vst v63  }
0x9b: {  	v3 =	vld [tilespmem:$0x110];
	_ =	sdelay $0x4  }
0x9c: {  	v53 =	vshrl.u32 v3, $0x3  }
0x9d: {  	v4 =	vmul.u32 $0x30, v53  }
0x9e: {  	v3 =	vand.u32 $0x7, v3  }
0x9f: {  	v3 =	vor.u32 v3, v4  }
0xa0: {  	v4 =	vperm.xlane v3, v0;
	_ =	sdelay $0x1  }
0xa1: {  	v4 =	vadd.s32 v1, v4;
	_ =	sdelay $0x3  }
0xa2: {  	s30 =	simm.s32 $0x10800;
	v3 =	vperm.xlane v3, v2  }
0xa3: {  	[tilespmem:s30], [sflag:$0x3] =	stream.indirect_vreg.gather [hbm4b:s0+s4], $0x80, v4, vm0, $0xb8;
	[tilespmem:$0x1F800] =	vst v63  }
0xa4: {  	s1 =	simm.s32 $0x11000;
	v3 =	vadd.s32 v1, v3  }
0xa5: {  	[tilespmem:s1], [sflag:$0x3] =	stream.indirect_vreg.gather [hbm4b:s5+s4], $0x80, v4, vm0, $0xb8;
	[tilespmem:$0x1F800] =	vst v63  }
0xa6: {  	s15 =	simm.s32 $0x11800  }
0xa7: {  	[tilespmem:s15], [sflag:$0x3] =	stream.indirect_vreg.gather [hbm4b:s6+s4], $0x80, v4, vm0, $0xb8;
	[tilespmem:$0x1F800] =	vst v63  }
0xa8: {  	s24 =	simm.s32 $0x12000  }
0xa9: {  	[tilespmem:s24], [sflag:$0x3] =	stream.indirect_vreg.gather [hbm4b:s0+s4], $0x80, v3, vm0, $0xb8;
	[tilespmem:$0x1F800] =	vst v63  }
0xaa: {  	s30 =	simm.s32 $0x12800  }
0xab: {  	[tilespmem:s30], [sflag:$0x3] =	stream.indirect_vreg.gather [hbm4b:s5+s4], $0x80, v3, vm0, $0xb8;
	[tilespmem:$0x1F800] =	vst v63  }
0xac: {  	s1 =	simm.s32 $0x13000  }
0xad: {  	[tilespmem:s1], [sflag:$0x3] =	stream.indirect_vreg.gather [hbm4b:s6+s4], $0x80, v3, vm0, $0xb8;
	[tilespmem:$0x1F800] =	vst v63  }
0xae: {  	_ =	swait.ge [sflag:s29], $0x6000  }
0xaf: {  	[sflag:s29] =	ssyncset.done $0x0  }
0xb0: {  	s26 =	simm.s32 $0x1800;
	s11 =	rddreg [dreg:$0x8];
	[sflag:s29] =	ssyncadd.s32 $0xFFFFA000  }
0xb1: {  	[hbm4b:s11+s4] =	stream.linear.scatter [tilespmem:s26], [sflag:$0x6], $0x6000, $0x38;
	[tilespmem:$0x1F800] =	vst v63  }
0xb2: {  	v3 =	vld [tilespmem:$0x180];
	_ =	sdelay $0x4  }
0xb3: {  	v54 =	vshrl.u32 v3, $0x3  }
0xb4: {  	v4 =	vmul.u32 $0x30, v54  }
0xb5: {  	v3 =	vand.u32 $0x7, v3  }
0xb6: {  	v3 =	vor.u32 v3, v4  }
0xb7: {  	v4 =	vperm.xlane v3, v0;
	_ =	sdelay $0x1  }
0xb8: {  	v4 =	vadd.s32 v1, v4;
	_ =	sdelay $0x3  }
0xb9: {  	s24 =	simm.s32 $0x13800;
	v3 =	vperm.xlane v3, v2  }
0xba: {  	[tilespmem:s24], [sflag:$0x4] =	stream.indirect_vreg.gather [hbm4b:s0+s4], $0x80, v4, vm0, $0xb8;
	[tilespmem:$0x1F800] =	vst v63  }
0xbb: {  	s26 =	simm.s32 $0x14000;
	v3 =	vadd.s32 v1, v3  }
0xbc: {  	[tilespmem:s26], [sflag:$0x4] =	stream.indirect_vreg.gather [hbm4b:s5+s4], $0x80, v4, vm0, $0xb8;
	[tilespmem:$0x1F800] =	vst v63  }
0xbd: {  	s1 =	simm.s32 $0x14800  }
0xbe: {  	[tilespmem:s1], [sflag:$0x4] =	stream.indirect_vreg.gather [hbm4b:s6+s4], $0x80, v4, vm0, $0xb8;
	[tilespmem:$0x1F800] =	vst v63  }
0xbf: {  	s15 =	simm.s32 $0x15000  }
0xc0: {  	[tilespmem:s15], [sflag:$0x4] =	stream.indirect_vreg.gather [hbm4b:s0+s4], $0x80, v3, vm0, $0xb8;
	[tilespmem:$0x1F800] =	vst v63  }
0xc1: {  	s24 =	simm.s32 $0x15800  }
0xc2: {  	[tilespmem:s24], [sflag:$0x4] =	stream.indirect_vreg.gather [hbm4b:s5+s4], $0x80, v3, vm0, $0xb8;
	[tilespmem:$0x1F800] =	vst v63  }
0xc3: {  	s26 =	simm.s32 $0x16000  }
0xc4: {  	[tilespmem:s26], [sflag:$0x4] =	stream.indirect_vreg.gather [hbm4b:s6+s4], $0x80, v3, vm0, $0xb8;
	[tilespmem:$0x1F800] =	vst v63  }
0xc5: {  	v3 =	vld [tilespmem:$0x190];
	_ =	sdelay $0x4  }
0xc6: {  	v55 =	vshrl.u32 v3, $0x3  }
0xc7: {  	v4 =	vmul.u32 $0x30, v55  }
0xc8: {  	v3 =	vand.u32 $0x7, v3  }
0xc9: {  	v3 =	vor.u32 v3, v4  }
0xca: {  	v4 =	vperm.xlane v3, v0;
	_ =	sdelay $0x1  }
0xcb: {  	v4 =	vadd.s32 v1, v4;
	_ =	sdelay $0x3  }
0xcc: {  	s1 =	simm.s32 $0x16800;
	v3 =	vperm.xlane v3, v2  }
0xcd: {  	[tilespmem:s1], [sflag:$0x4] =	stream.indirect_vreg.gather [hbm4b:s0+s4], $0x80, v4, vm0, $0xb8;
	[tilespmem:$0x1F800] =	vst v63  }
0xce: {  	s15 =	simm.s32 $0x17000;
	v3 =	vadd.s32 v1, v3  }
0xcf: {  	[tilespmem:s15], [sflag:$0x4] =	stream.indirect_vreg.gather [hbm4b:s5+s4], $0x80, v4, vm0, $0xb8;
	[tilespmem:$0x1F800] =	vst v63  }
0xd0: {  	s24 =	simm.s32 $0x17800  }
0xd1: {  	[tilespmem:s24], [sflag:$0x4] =	stream.indirect_vreg.gather [hbm4b:s6+s4], $0x80, v4, vm0, $0xb8;
	[tilespmem:$0x1F800] =	vst v63  }
0xd2: {  	s26 =	simm.s32 $0x18000  }
0xd3: {  	[tilespmem:s26], [sflag:$0x4] =	stream.indirect_vreg.gather [hbm4b:s0+s4], $0x80, v3, vm0, $0xb8;
	[tilespmem:$0x1F800] =	vst v63  }
0xd4: {  	s1 =	simm.s32 $0x18800  }
0xd5: {  	[tilespmem:s1], [sflag:$0x4] =	stream.indirect_vreg.gather [hbm4b:s5+s4], $0x80, v3, vm0, $0xb8;
	[tilespmem:$0x1F800] =	vst v63  }
0xd6: {  	s15 =	simm.s32 $0x19000  }
0xd7: {  	[tilespmem:s15], [sflag:$0x4] =	stream.indirect_vreg.gather [hbm4b:s6+s4], $0x80, v3, vm0, $0xb8;
	[tilespmem:$0x1F800] =	vst v63  }
0xd8: {  	_ =	swait.ge [sflag:s31], $0x6000  }
0xd9: {  	[sflag:s31] =	ssyncset.done $0x0  }
0xda: {  	s16 =	simm.s32 $0x7800;
	s24 =	rddreg [dreg:$0x9];
	[sflag:s31] =	ssyncadd.s32 $0xFFFFA000  }
0xdb: {  	[hbm4b:s24+s4] =	stream.linear.scatter [tilespmem:s16], [sflag:$0x7], $0x6000, $0x38;
	[tilespmem:$0x1F800] =	vst v63  }
0xdc: {  	v3 =	vld [tilespmem:$0x200];
	_ =	sdelay $0x4  }
0xdd: {  	v56 =	vshrl.u32 v3, $0x3  }
0xde: {  	v4 =	vmul.u32 $0x30, v56  }
0xdf: {  	v3 =	vand.u32 $0x7, v3  }
0xe0: {  	v3 =	vor.u32 v3, v4  }
0xe1: {  	v4 =	vperm.xlane v3, v0;
	_ =	sdelay $0x1  }
0xe2: {  	v4 =	vadd.s32 v1, v4;
	_ =	sdelay $0x3  }
0xe3: {  	s26 =	simm.s32 $0x19800;
	v3 =	vperm.xlane v3, v2  }
0xe4: {  	[tilespmem:s26], [sflag:$0x5] =	stream.indirect_vreg.gather [hbm4b:s0+s4], $0x80, v4, vm0, $0xb8;
	[tilespmem:$0x1F800] =	vst v63  }
0xe5: {  	s1 =	simm.s32 $0x1A000;
	v3 =	vadd.s32 v1, v3  }
0xe6: {  	[tilespmem:s1], [sflag:$0x5] =	stream.indirect_vreg.gather [hbm4b:s5+s4], $0x80, v4, vm0, $0xb8;
	[tilespmem:$0x1F800] =	vst v63  }
0xe7: {  	s11 =	simm.s32 $0x1A800  }
0xe8: {  	[tilespmem:s11], [sflag:$0x5] =	stream.indirect_vreg.gather [hbm4b:s6+s4], $0x80, v4, vm0, $0xb8;
	[tilespmem:$0x1F800] =	vst v63  }
0xe9: {  	s24 =	simm.s32 $0x1B000  }
0xea: {  	[tilespmem:s24], [sflag:$0x5] =	stream.indirect_vreg.gather [hbm4b:s0+s4], $0x80, v3, vm0, $0xb8;
	[tilespmem:$0x1F800] =	vst v63  }
0xeb: {  	s1 =	simm.s32 $0x1B800  }
0xec: {  	[tilespmem:s1], [sflag:$0x5] =	stream.indirect_vreg.gather [hbm4b:s5+s4], $0x80, v3, vm0, $0xb8;
	[tilespmem:$0x1F800] =	vst v63  }
0xed: {  	s11 =	simm.s32 $0x1C000  }
0xee: {  	[tilespmem:s11], [sflag:$0x5] =	stream.indirect_vreg.gather [hbm4b:s6+s4], $0x80, v3, vm0, $0xb8;
	[tilespmem:$0x1F800] =	vst v63  }
0xef: {  	v3 =	vld [tilespmem:$0x210];
	_ =	sdelay $0x4  }
0xf0: {  	v57 =	vshrl.u32 v3, $0x3  }
0xf1: {  	v4 =	vmul.u32 $0x30, v57  }
0xf2: {  	v3 =	vand.u32 $0x7, v3  }
0xf3: {  	v3 =	vor.u32 v3, v4  }
0xf4: {  	v4 =	vperm.xlane v3, v0;
	_ =	sdelay $0x1  }
0xf5: {  	v4 =	vadd.s32 v1, v4;
	_ =	sdelay $0x3  }
0xf6: {  	s24 =	simm.s32 $0x1C800;
	v3 =	vperm.xlane v3, v2  }
0xf7: {  	[tilespmem:s24], [sflag:$0x5] =	stream.indirect_vreg.gather [hbm4b:s0+s4], $0x80, v4, vm0, $0xb8;
	[tilespmem:$0x1F800] =	vst v63  }
0xf8: {  	s1 =	simm.s32 $0x1D000;
	v3 =	vadd.s32 v1, v3  }
0xf9: {  	[tilespmem:s1], [sflag:$0x5] =	stream.indirect_vreg.gather [hbm4b:s5+s4], $0x80, v4, vm0, $0xb8;
	[tilespmem:$0x1F800] =	vst v63  }
0xfa: {  	s11 =	simm.s32 $0x1D800  }
0xfb: {  	[tilespmem:s11], [sflag:$0x5] =	stream.indirect_vreg.gather [hbm4b:s6+s4], $0x80, v4, vm0, $0xb8;
	[tilespmem:$0x1F800] =	vst v63  }
0xfc: {  	s24 =	simm.s32 $0x1E000  }
0xfd: {  	[tilespmem:s24], [sflag:$0x5] =	stream.indirect_vreg.gather [hbm4b:s0+s4], $0x80, v3, vm0, $0xb8;
	[tilespmem:$0x1F800] =	vst v63  }
0xfe: {  	s1 =	simm.s32 $0x1E800  }
0xff: {  	[tilespmem:s1], [sflag:$0x5] =	stream.indirect_vreg.gather [hbm4b:s5+s4], $0x80, v3, vm0, $0xb8;
	[tilespmem:$0x1F800] =	vst v63  }
0x100: {  	s11 =	simm.s32 $0x1F000;
	s1 =	simm.s32 $0x3  }
0x101: {  	[tilespmem:s11], [sflag:$0x5] =	stream.indirect_vreg.gather [hbm4b:s6+s4], $0x80, v3, vm0, $0xb8;
	[tilespmem:$0x1F800] =	vst v63  }
0x102: {  	_ =	swait.ge [sflag:s1], $0x6000  }
0x103: {  	[sflag:s1] =	ssyncset.done $0x0  }
0x104: {  	s11 =	simm.s32 $0xD800;
	s24 =	rddreg [dreg:$0xa];
	[sflag:s1] =	ssyncadd.s32 $0xFFFFA000  }
0x105: {  	[hbm4b:s24+s4] =	stream.linear.scatter [tilespmem:s11], [sflag:$0x8], $0x6000, $0x38;
	[tilespmem:$0x1F800] =	vst v63  }
0x106: {  	_ =	swait.ge [sflag:s3], $0x6000  }
0x107: {  	[sflag:s3] =	ssyncset.done $0x0  }
0x108: {  	[sflag:s3] =	ssyncadd.s32 $0xFFFFA000  }
0x109: {  	v3 =	vld [tilespmem:$0x280];
	_ =	sdelay $0x4  }
0x10a: {  	v58 =	vshrl.u32 v3, $0x3  }
0x10b: {  	v4 =	vmul.u32 $0x30, v58  }
0x10c: {  	v3 =	vand.u32 $0x7, v3  }
0x10d: {  	v3 =	vor.u32 v3, v4  }
0x10e: {  	v4 =	vperm.xlane v3, v0;
	_ =	sdelay $0x1  }
0x10f: {  	v4 =	vadd.s32 v1, v4;
	_ =	sdelay $0x3  }
0x110: {  	s30 =	simm.s32 $0x1800;
	v3 =	vperm.xlane v3, v2  }
0x111: {  	[tilespmem:s30], [sflag:$0x1] =	stream.indirect_vreg.gather [hbm4b:s0+s4], $0x80, v4, vm0, $0xb8;
	[tilespmem:$0x1F800] =	vst v63  }
0x112: {  	s10 =	simm.s32 $0x2000;
	v3 =	vadd.s32 v1, v3  }
0x113: {  	[tilespmem:s10], [sflag:$0x1] =	stream.indirect_vreg.gather [hbm4b:s5+s4], $0x80, v4, vm0, $0xb8;
	[tilespmem:$0x1F800] =	vst v63  }
0x114: {  	s28 =	simm.s32 $0x2800  }
0x115: {  	[tilespmem:s28], [sflag:$0x1] =	stream.indirect_vreg.gather [hbm4b:s6+s4], $0x80, v4, vm0, $0xb8;
	[tilespmem:$0x1F800] =	vst v63  }
0x116: {  	s30 =	simm.s32 $0x3000  }
0x117: {  	[tilespmem:s30], [sflag:$0x1] =	stream.indirect_vreg.gather [hbm4b:s0+s4], $0x80, v3, vm0, $0xb8;
	[tilespmem:$0x1F800] =	vst v63  }
0x118: {  	s15 =	simm.s32 $0x3800  }
0x119: {  	[tilespmem:s15], [sflag:$0x1] =	stream.indirect_vreg.gather [hbm4b:s5+s4], $0x80, v3, vm0, $0xb8;
	[tilespmem:$0x1F800] =	vst v63  }
0x11a: {  	s21 =	simm.s32 $0x4000  }
0x11b: {  	[tilespmem:s21], [sflag:$0x1] =	stream.indirect_vreg.gather [hbm4b:s6+s4], $0x80, v3, vm0, $0xb8;
	[tilespmem:$0x1F800] =	vst v63  }
0x11c: {  	v3 =	vld [tilespmem:$0x290];
	_ =	sdelay $0x4  }
0x11d: {  	v59 =	vshrl.u32 v3, $0x3  }
0x11e: {  	v4 =	vmul.u32 $0x30, v59  }
0x11f: {  	v3 =	vand.u32 $0x7, v3  }
0x120: {  	v3 =	vor.u32 v3, v4  }
0x121: {  	v4 =	vperm.xlane v3, v0;
	_ =	sdelay $0x1  }
0x122: {  	v4 =	vadd.s32 v1, v4;
	_ =	sdelay $0x3  }
0x123: {  	s9 =	simm.s32 $0x4800;
	v3 =	vperm.xlane v3, v2  }
0x124: {  	[tilespmem:s9], [sflag:$0x1] =	stream.indirect_vreg.gather [hbm4b:s0+s4], $0x80, v4, vm0, $0xb8;
	[tilespmem:$0x1F800] =	vst v63  }
0x125: {  	s17 =	simm.s32 $0x5000;
	v3 =	vadd.s32 v1, v3  }
0x126: {  	[tilespmem:s17], [sflag:$0x1] =	stream.indirect_vreg.gather [hbm4b:s5+s4], $0x80, v4, vm0, $0xb8;
	[tilespmem:$0x1F800] =	vst v63  }
0x127: {  	s18 =	simm.s32 $0x5800  }
0x128: {  	[tilespmem:s18], [sflag:$0x1] =	stream.indirect_vreg.gather [hbm4b:s6+s4], $0x80, v4, vm0, $0xb8;
	[tilespmem:$0x1F800] =	vst v63  }
0x129: {  	s19 =	simm.s32 $0x6000  }
0x12a: {  	[tilespmem:s19], [sflag:$0x1] =	stream.indirect_vreg.gather [hbm4b:s0+s4], $0x80, v3, vm0, $0xb8;
	[tilespmem:$0x1F800] =	vst v63  }
0x12b: {  	s20 =	simm.s32 $0x6800  }
0x12c: {  	[tilespmem:s20], [sflag:$0x1] =	stream.indirect_vreg.gather [hbm4b:s5+s4], $0x80, v3, vm0, $0xb8;
	[tilespmem:$0x1F800] =	vst v63  }
0x12d: {  	s22 =	simm.s32 $0x7000;
	s10 =	simm.s32 $0x4  }
0x12e: {  	[tilespmem:s22], [sflag:$0x1] =	stream.indirect_vreg.gather [hbm4b:s6+s4], $0x80, v3, vm0, $0xb8;
	[tilespmem:$0x1F800] =	vst v63  }
0x12f: {  	_ =	swait.ge [sflag:s10], $0x6000  }
0x130: {  	s28 =	simm.s32 $0x7;
	[sflag:s10] =	ssyncset.done $0x0  }
0x131: {  	s9 =	simm.s32 $0x13800;
	s17 =	rddreg [dreg:$0xb];
	[sflag:s10] =	ssyncadd.s32 $0xFFFFA000  }
0x132: {  	[hbm4b:s17+s4] =	stream.linear.scatter [tilespmem:s9], [sflag:$0x9], $0x6000, $0x38;
	[tilespmem:$0x1F800] =	vst v63  }
0x133: {  	_ =	swait.ge [sflag:s28], $0x6000  }
0x134: {  	[sflag:s28] =	ssyncset.done $0x0  }
0x135: {  	[sflag:s28] =	ssyncadd.s32 $0xFFFFA000  }
0x136: {  	v3 =	vld [tilespmem:$0x300];
	_ =	sdelay $0x4  }
0x137: {  	v60 =	vshrl.u32 v3, $0x3  }
0x138: {  	v4 =	vmul.u32 $0x30, v60  }
0x139: {  	v3 =	vand.u32 $0x7, v3  }
0x13a: {  	v3 =	vor.u32 v3, v4  }
0x13b: {  	v4 =	vperm.xlane v3, v0;
	_ =	sdelay $0x1  }
0x13c: {  	v4 =	vadd.s32 v1, v4;
	_ =	sdelay $0x3  }
0x13d: {  	s16 =	simm.s32 $0x7800;
	v3 =	vperm.xlane v3, v2  }
0x13e: {  	[tilespmem:s16], [sflag:$0x2] =	stream.indirect_vreg.gather [hbm4b:s0+s4], $0x80, v4, vm0, $0xb8;
	[tilespmem:$0x1F800] =	vst v63  }
0x13f: {  	s12 =	simm.s32 $0x8000;
	v3 =	vadd.s32 v1, v3  }
0x140: {  	[tilespmem:s12], [sflag:$0x2] =	stream.indirect_vreg.gather [hbm4b:s5+s4], $0x80, v4, vm0, $0xb8;
	[tilespmem:$0x1F800] =	vst v63  }
0x141: {  	s13 =	simm.s32 $0x8800  }
0x142: {  	[tilespmem:s13], [sflag:$0x2] =	stream.indirect_vreg.gather [hbm4b:s6+s4], $0x80, v4, vm0, $0xb8;
	[tilespmem:$0x1F800] =	vst v63  }
0x143: {  	s18 =	simm.s32 $0x9000  }
0x144: {  	[tilespmem:s18], [sflag:$0x2] =	stream.indirect_vreg.gather [hbm4b:s0+s4], $0x80, v3, vm0, $0xb8;
	[tilespmem:$0x1F800] =	vst v63  }
0x145: {  	s19 =	simm.s32 $0x9800  }
0x146: {  	[tilespmem:s19], [sflag:$0x2] =	stream.indirect_vreg.gather [hbm4b:s5+s4], $0x80, v3, vm0, $0xb8;
	[tilespmem:$0x1F800] =	vst v63  }
0x147: {  	s23 =	simm.s32 $0xA000  }
0x148: {  	[tilespmem:s23], [sflag:$0x2] =	stream.indirect_vreg.gather [hbm4b:s6+s4], $0x80, v3, vm0, $0xb8;
	[tilespmem:$0x1F800] =	vst v63  }
0x149: {  	v3 =	vld [tilespmem:$0x310];
	_ =	sdelay $0x4  }
0x14a: {  	v61 =	vshrl.u32 v3, $0x3  }
0x14b: {  	v4 =	vmul.u32 $0x30, v61  }
0x14c: {  	v3 =	vand.u32 $0x7, v3  }
0x14d: {  	v3 =	vor.u32 v3, v4  }
0x14e: {  	v4 =	vperm.xlane v3, v0;
	_ =	sdelay $0x1  }
0x14f: {  	v4 =	vadd.s32 v1, v4;
	_ =	sdelay $0x3  }
0x150: {  	s20 =	simm.s32 $0xA800;
	v3 =	vperm.xlane v3, v2  }
0x151: {  	[tilespmem:s20], [sflag:$0x2] =	stream.indirect_vreg.gather [hbm4b:s0+s4], $0x80, v4, vm0, $0xb8;
	[tilespmem:$0x1F800] =	vst v63  }
0x152: {  	s21 =	simm.s32 $0xB000;
	v3 =	vadd.s32 v1, v3  }
0x153: {  	[tilespmem:s21], [sflag:$0x2] =	stream.indirect_vreg.gather [hbm4b:s5+s4], $0x80, v4, vm0, $0xb8;
	[tilespmem:$0x1F800] =	vst v63  }
0x154: {  	s23 =	simm.s32 $0xB800  }
0x155: {  	[tilespmem:s23], [sflag:$0x2] =	stream.indirect_vreg.gather [hbm4b:s6+s4], $0x80, v4, vm0, $0xb8;
	[tilespmem:$0x1F800] =	vst v63  }
0x156: {  	s30 =	simm.s32 $0xC000  }
0x157: {  	[tilespmem:s30], [sflag:$0x2] =	stream.indirect_vreg.gather [hbm4b:s0+s4], $0x80, v3, vm0, $0xb8;
	[tilespmem:$0x1F800] =	vst v63  }
0x158: {  	s13 =	simm.s32 $0xC800  }
0x159: {  	[tilespmem:s13], [sflag:$0x2] =	stream.indirect_vreg.gather [hbm4b:s5+s4], $0x80, v3, vm0, $0xb8;
	[tilespmem:$0x1F800] =	vst v63  }
0x15a: {  	s15 =	simm.s32 $0xD000;
	s12 =	simm.s32 $0x5  }
0x15b: {  	[tilespmem:s15], [sflag:$0x2] =	stream.indirect_vreg.gather [hbm4b:s6+s4], $0x80, v3, vm0, $0xb8;
	[tilespmem:$0x1F800] =	vst v63  }
0x15c: {  	_ =	swait.ge [sflag:s12], $0x6000  }
0x15d: {  	s26 =	simm.s32 $0x19800;
	[sflag:s12] =	ssyncset.done $0x0  }
0x15e: {  	s13 =	simm.s32 $0x8;
	s16 =	rddreg [dreg:$0xc];
	[sflag:s12] =	ssyncadd.s32 $0xFFFFA000  }
0x15f: {  	[hbm4b:s16+s4] =	stream.linear.scatter [tilespmem:s26], [sflag:$0xA], $0x6000, $0x38;
	[tilespmem:$0x1F800] =	vst v63  }
0x160: {  	_ =	swait.ge [sflag:s13], $0x6000  }
0x161: {  	[sflag:s13] =	ssyncset.done $0x0  }
0x162: {  	[sflag:s13] =	ssyncadd.s32 $0xFFFFA000  }
0x163: {  	v3 =	vld [tilespmem:$0x380];
	_ =	sdelay $0x4  }
0x164: {  	v62 =	vshrl.u32 v3, $0x3  }
0x165: {  	v4 =	vmul.u32 $0x30, v62  }
0x166: {  	v3 =	vand.u32 $0x7, v3  }
0x167: {  	v3 =	vor.u32 v3, v4  }
0x168: {  	v4 =	vperm.xlane v3, v0;
	_ =	sdelay $0x1  }
0x169: {  	v4 =	vadd.s32 v1, v4;
	_ =	sdelay $0x3  }
0x16a: {  	v3 =	vperm.xlane v3, v2  }
0x16b: {  	[tilespmem:s11], [sflag:$0x3] =	stream.indirect_vreg.gather [hbm4b:s0+s4], $0x80, v4, vm0, $0xb8;
	[tilespmem:$0x1F800] =	vst v63  }
0x16c: {  	s14 =	simm.s32 $0xE000;
	v3 =	vadd.s32 v1, v3  }
0x16d: {  	[tilespmem:s14], [sflag:$0x3] =	stream.indirect_vreg.gather [hbm4b:s5+s4], $0x80, v4, vm0, $0xb8;
	[tilespmem:$0x1F800] =	vst v63  }
0x16e: {  	s25 =	simm.s32 $0xE800  }
0x16f: {  	[tilespmem:s25], [sflag:$0x3] =	stream.indirect_vreg.gather [hbm4b:s6+s4], $0x80, v4, vm0, $0xb8;
	[tilespmem:$0x1F800] =	vst v63  }
0x170: {  	s11 =	simm.s32 $0xF000  }
0x171: {  	[tilespmem:s11], [sflag:$0x3] =	stream.indirect_vreg.gather [hbm4b:s0+s4], $0x80, v3, vm0, $0xb8;
	[tilespmem:$0x1F800] =	vst v63  }
0x172: {  	s30 =	simm.s32 $0xF800  }
0x173: {  	[tilespmem:s30], [sflag:$0x3] =	stream.indirect_vreg.gather [hbm4b:s5+s4], $0x80, v3, vm0, $0xb8;
	[tilespmem:$0x1F800] =	vst v63  }
0x174: {  	s17 =	simm.s32 $0x10000  }
0x175: {  	[tilespmem:s17], [sflag:$0x3] =	stream.indirect_vreg.gather [hbm4b:s6+s4], $0x80, v3, vm0, $0xb8;
	[tilespmem:$0x1F800] =	vst v63  }
0x176: {  	v3 =	vld [tilespmem:$0x390];
	_ =	sdelay $0x4  }
0x177: {  	v63 =	vshrl.u32 v3, $0x3  }
0x178: {  	v4 =	vmul.u32 $0x30, v63  }
0x179: {  	v3 =	vand.u32 $0x7, v3  }
0x17a: {  	v3 =	vor.u32 v3, v4  }
0x17b: {  	v4 =	vperm.xlane v3, v0;
	_ =	sdelay $0x1  }
0x17c: {  	v4 =	vadd.s32 v1, v4;
	_ =	sdelay $0x3  }
0x17d: {  	s19 =	simm.s32 $0x10800;
	v3 =	vperm.xlane v3, v2  }
0x17e: {  	[tilespmem:s19], [sflag:$0x3] =	stream.indirect_vreg.gather [hbm4b:s0+s4], $0x80, v4, vm0, $0xb8;
	[tilespmem:$0x1F800] =	vst v63  }
0x17f: {  	s20 =	simm.s32 $0x11000;
	v3 =	vadd.s32 v1, v3  }
0x180: {  	[tilespmem:s20], [sflag:$0x3] =	stream.indirect_vreg.gather [hbm4b:s5+s4], $0x80, v4, vm0, $0xb8;
	[tilespmem:$0x1F800] =	vst v63  }
0x181: {  	s23 =	simm.s32 $0x11800  }
0x182: {  	[tilespmem:s23], [sflag:$0x3] =	stream.indirect_vreg.gather [hbm4b:s6+s4], $0x80, v4, vm0, $0xb8;
	[tilespmem:$0x1F800] =	vst v63  }
0x183: {  	s25 =	simm.s32 $0x12000  }
0x184: {  	[tilespmem:s25], [sflag:$0x3] =	stream.indirect_vreg.gather [hbm4b:s0+s4], $0x80, v3, vm0, $0xb8;
	[tilespmem:$0x1F800] =	vst v63  }
0x185: {  	s26 =	simm.s32 $0x12800  }
0x186: {  	[tilespmem:s26], [sflag:$0x3] =	stream.indirect_vreg.gather [hbm4b:s5+s4], $0x80, v3, vm0, $0xb8;
	[tilespmem:$0x1F800] =	vst v63  }
0x187: {  	s15 =	simm.s32 $0x13000  }
0x188: {  	[tilespmem:s15], [sflag:$0x3] =	stream.indirect_vreg.gather [hbm4b:s6+s4], $0x80, v3, vm0, $0xb8;
	[tilespmem:$0x1F800] =	vst v63  }
0x189: {  	_ =	swait.ge [sflag:s29], $0x6000  }
0x18a: {  	s24 =	simm.s32 $0x1800;
	[sflag:s29] =	ssyncset.done $0x0  }
0x18b: {  	s14 =	simm.s32 $0x9;
	s16 =	rddreg [dreg:$0xd];
	[sflag:s29] =	ssyncadd.s32 $0xFFFFA000  }
0x18c: {  	[hbm4b:s16+s4] =	stream.linear.scatter [tilespmem:s24], [sflag:$0x6], $0x6000, $0x38;
	[tilespmem:$0x1F800] =	vst v63  }
0x18d: {  	_ =	swait.ge [sflag:s14], $0x6000  }
0x18e: {  	[sflag:s14] =	ssyncset.done $0x0  }
0x18f: {  	[sflag:s14] =	ssyncadd.s32 $0xFFFFA000  }
0x190: {  	v3 =	vld [tilespmem:$0x400];
	_ =	sdelay $0x4  }
0x191: {  	v8 =	vshrl.u32 v3, $0x3  }
0x192: {  	v4 =	vmul.u32 $0x30, v8  }
0x193: {  	v3 =	vand.u32 $0x7, v3  }
0x194: {  	v3 =	vor.u32 v3, v4  }
0x195: {  	v4 =	vperm.xlane v3, v0;
	_ =	sdelay $0x1  }
0x196: {  	v4 =	vadd.s32 v1, v4;
	_ =	sdelay $0x3  }
0x197: {  	v3 =	vperm.xlane v3, v2  }
0x198: {  	[tilespmem:s9], [sflag:$0x4] =	stream.indirect_vreg.gather [hbm4b:s0+s4], $0x80, v4, vm0, $0xb8;
	[tilespmem:$0x1F800] =	vst v63  }
0x199: {  	s17 =	simm.s32 $0x14000;
	v3 =	vadd.s32 v1, v3  }
0x19a: {  	[tilespmem:s17], [sflag:$0x4] =	stream.indirect_vreg.gather [hbm4b:s5+s4], $0x80, v4, vm0, $0xb8;
	[tilespmem:$0x1F800] =	vst v63  }
0x19b: {  	s24 =	simm.s32 $0x14800  }
0x19c: {  	[tilespmem:s24], [sflag:$0x4] =	stream.indirect_vreg.gather [hbm4b:s6+s4], $0x80, v4, vm0, $0xb8;
	[tilespmem:$0x1F800] =	vst v63  }
0x19d: {  	s20 =	simm.s32 $0x15000  }
0x19e: {  	[tilespmem:s20], [sflag:$0x4] =	stream.indirect_vreg.gather [hbm4b:s0+s4], $0x80, v3, vm0, $0xb8;
	[tilespmem:$0x1F800] =	vst v63  }
0x19f: {  	s25 =	simm.s32 $0x15800  }
0x1a0: {  	[tilespmem:s25], [sflag:$0x4] =	stream.indirect_vreg.gather [hbm4b:s5+s4], $0x80, v3, vm0, $0xb8;
	[tilespmem:$0x1F800] =	vst v63  }
0x1a1: {  	s16 =	simm.s32 $0x16000  }
0x1a2: {  	[tilespmem:s16], [sflag:$0x4] =	stream.indirect_vreg.gather [hbm4b:s6+s4], $0x80, v3, vm0, $0xb8;
	[tilespmem:$0x1F800] =	vst v63  }
0x1a3: {  	v3 =	vld [tilespmem:$0x410];
	_ =	sdelay $0x4  }
0x1a4: {  	v9 =	vshrl.u32 v3, $0x3  }
0x1a5: {  	v4 =	vmul.u32 $0x30, v9  }
0x1a6: {  	v3 =	vand.u32 $0x7, v3  }
0x1a7: {  	v3 =	vor.u32 v3, v4  }
0x1a8: {  	v4 =	vperm.xlane v3, v0;
	_ =	sdelay $0x1  }
0x1a9: {  	v4 =	vadd.s32 v1, v4;
	_ =	sdelay $0x3  }
0x1aa: {  	s17 =	simm.s32 $0x16800;
	v3 =	vperm.xlane v3, v2  }
0x1ab: {  	[tilespmem:s17], [sflag:$0x4] =	stream.indirect_vreg.gather [hbm4b:s0+s4], $0x80, v4, vm0, $0xb8;
	[tilespmem:$0x1F800] =	vst v63  }
0x1ac: {  	s26 =	simm.s32 $0x17000;
	v3 =	vadd.s32 v1, v3  }
0x1ad: {  	[tilespmem:s26], [sflag:$0x4] =	stream.indirect_vreg.gather [hbm4b:s5+s4], $0x80, v4, vm0, $0xb8;
	[tilespmem:$0x1F800] =	vst v63  }
0x1ae: {  	s15 =	simm.s32 $0x17800  }
0x1af: {  	[tilespmem:s15], [sflag:$0x4] =	stream.indirect_vreg.gather [hbm4b:s6+s4], $0x80, v4, vm0, $0xb8;
	[tilespmem:$0x1F800] =	vst v63  }
0x1b0: {  	s20 =	simm.s32 $0x18000  }
0x1b1: {  	[tilespmem:s20], [sflag:$0x4] =	stream.indirect_vreg.gather [hbm4b:s0+s4], $0x80, v3, vm0, $0xb8;
	[tilespmem:$0x1F800] =	vst v63  }
0x1b2: {  	s26 =	simm.s32 $0x18800  }
0x1b3: {  	[tilespmem:s26], [sflag:$0x4] =	stream.indirect_vreg.gather [hbm4b:s5+s4], $0x80, v3, vm0, $0xb8;
	[tilespmem:$0x1F800] =	vst v63  }
0x1b4: {  	s25 =	simm.s32 $0x19000  }
0x1b5: {  	[tilespmem:s25], [sflag:$0x4] =	stream.indirect_vreg.gather [hbm4b:s6+s4], $0x80, v3, vm0, $0xb8;
	[tilespmem:$0x1F800] =	vst v63  }
0x1b6: {  	_ =	swait.ge [sflag:s31], $0x6000  }
0x1b7: {  	s22 =	simm.s32 $0x7800;
	[sflag:s31] =	ssyncset.done $0x0  }
0x1b8: {  	s20 =	simm.s32 $0xA;
	s9 =	rddreg [dreg:$0xe];
	[sflag:s31] =	ssyncadd.s32 $0xFFFFA000  }
0x1b9: {  	[hbm4b:s9+s4] =	stream.linear.scatter [tilespmem:s22], [sflag:$0x7], $0x6000, $0x38;
	[tilespmem:$0x1F800] =	vst v63  }
0x1ba: {  	_ =	swait.ge [sflag:s20], $0x6000  }
0x1bb: {  	[sflag:s20] =	ssyncset.done $0x0  }
0x1bc: {  	[sflag:s20] =	ssyncadd.s32 $0xFFFFA000  }
0x1bd: {  	v3 =	vld [tilespmem:$0x800];
	_ =	sdelay $0x4  }
0x1be: {  	v10 =	vshrl.u32 v3, $0x3  }
0x1bf: {  	v4 =	vmul.u32 $0x30, v10  }
0x1c0: {  	v3 =	vand.u32 $0x7, v3  }
0x1c1: {  	v3 =	vor.u32 v3, v4  }
0x1c2: {  	v4 =	vperm.xlane v3, v0;
	_ =	sdelay $0x1  }
0x1c3: {  	v4 =	vadd.s32 v1, v4;
	_ =	sdelay $0x3  }
0x1c4: {  	s18 =	simm.s32 $0x19800;
	v3 =	vperm.xlane v3, v2  }
0x1c5: {  	[tilespmem:s18], [sflag:$0x5] =	stream.indirect_vreg.gather [hbm4b:s2+s4], $0x80, v4, vm0, $0xb8;
	[tilespmem:$0x1F800] =	vst v63  }
0x1c6: {  	s15 =	simm.s32 $0x1A000;
	v3 =	vadd.s32 v1, v3  }
0x1c7: {  	[tilespmem:s15], [sflag:$0x5] =	stream.indirect_vreg.gather [hbm4b:s7+s4], $0x80, v4, vm0, $0xb8;
	[tilespmem:$0x1F800] =	vst v63  }
0x1c8: {  	s18 =	simm.s32 $0x1A800  }
0x1c9: {  	[tilespmem:s18], [sflag:$0x5] =	stream.indirect_vreg.gather [hbm4b:s8+s4], $0x80, v4, vm0, $0xb8;
	[tilespmem:$0x1F800] =	vst v63  }
0x1ca: {  	s15 =	simm.s32 $0x1B000  }
0x1cb: {  	[tilespmem:s15], [sflag:$0x5] =	stream.indirect_vreg.gather [hbm4b:s2+s4], $0x80, v3, vm0, $0xb8;
	[tilespmem:$0x1F800] =	vst v63  }
0x1cc: {  	s18 =	simm.s32 $0x1B800  }
0x1cd: {  	[tilespmem:s18], [sflag:$0x5] =	stream.indirect_vreg.gather [hbm4b:s7+s4], $0x80, v3, vm0, $0xb8;
	[tilespmem:$0x1F800] =	vst v63  }
0x1ce: {  	s15 =	simm.s32 $0x1C000  }
0x1cf: {  	[tilespmem:s15], [sflag:$0x5] =	stream.indirect_vreg.gather [hbm4b:s8+s4], $0x80, v3, vm0, $0xb8;
	[tilespmem:$0x1F800] =	vst v63  }
0x1d0: {  	v3 =	vld [tilespmem:$0x810];
	_ =	sdelay $0x4  }
0x1d1: {  	v11 =	vshrl.u32 v3, $0x3  }
0x1d2: {  	v4 =	vmul.u32 $0x30, v11  }
0x1d3: {  	v3 =	vand.u32 $0x7, v3  }
0x1d4: {  	v3 =	vor.u32 v3, v4  }
0x1d5: {  	v4 =	vperm.xlane v3, v0;
	_ =	sdelay $0x1  }
0x1d6: {  	v4 =	vadd.s32 v1, v4;
	_ =	sdelay $0x3  }
0x1d7: {  	s18 =	simm.s32 $0x1C800;
	v3 =	vperm.xlane v3, v2  }
0x1d8: {  	[tilespmem:s18], [sflag:$0x5] =	stream.indirect_vreg.gather [hbm4b:s2+s4], $0x80, v4, vm0, $0xb8;
	[tilespmem:$0x1F800] =	vst v63  }
0x1d9: {  	s15 =	simm.s32 $0x1D000;
	v3 =	vadd.s32 v1, v3  }
0x1da: {  	[tilespmem:s15], [sflag:$0x5] =	stream.indirect_vreg.gather [hbm4b:s7+s4], $0x80, v4, vm0, $0xb8;
	[tilespmem:$0x1F800] =	vst v63  }
0x1db: {  	s18 =	simm.s32 $0x1D800  }
0x1dc: {  	[tilespmem:s18], [sflag:$0x5] =	stream.indirect_vreg.gather [hbm4b:s8+s4], $0x80, v4, vm0, $0xb8;
	[tilespmem:$0x1F800] =	vst v63  }
0x1dd: {  	s15 =	simm.s32 $0x1E000  }
0x1de: {  	[tilespmem:s15], [sflag:$0x5] =	stream.indirect_vreg.gather [hbm4b:s2+s4], $0x80, v3, vm0, $0xb8;
	[tilespmem:$0x1F800] =	vst v63  }
0x1df: {  	s18 =	simm.s32 $0x1E800  }
0x1e0: {  	[tilespmem:s18], [sflag:$0x5] =	stream.indirect_vreg.gather [hbm4b:s7+s4], $0x80, v3, vm0, $0xb8;
	[tilespmem:$0x1F800] =	vst v63  }
0x1e1: {  	s15 =	simm.s32 $0x1F000  }
0x1e2: {  	[tilespmem:s15], [sflag:$0x5] =	stream.indirect_vreg.gather [hbm4b:s8+s4], $0x80, v3, vm0, $0xb8;
	[tilespmem:$0x1F800] =	vst v63  }
0x1e3: {  	_ =	swait.ge [sflag:s1], $0x6000  }
0x1e4: {  	[sflag:s1] =	ssyncset.done $0x0  }
0x1e5: {  	s21 =	simm.s32 $0xD800;
	s18 =	rddreg [dreg:$0xf];
	[sflag:s1] =	ssyncadd.s32 $0xFFFFA000  }
0x1e6: {  	[hbm4b:s18+s4] =	stream.linear.scatter [tilespmem:s21], [sflag:$0x8], $0x6000, $0x38;
	[tilespmem:$0x1F800] =	vst v63  }
0x1e7: {  	_ =	swait.ge [sflag:s3], $0x6000  }
0x1e8: {  	[sflag:s3] =	ssyncset.done $0x0  }
0x1e9: {  	[sflag:s3] =	ssyncadd.s32 $0xFFFFA000  }
0x1ea: {  	v3 =	vld [tilespmem:$0x880];
	_ =	sdelay $0x4  }
0x1eb: {  	v12 =	vshrl.u32 v3, $0x3  }
0x1ec: {  	v4 =	vmul.u32 $0x30, v12  }
0x1ed: {  	v3 =	vand.u32 $0x7, v3  }
0x1ee: {  	v3 =	vor.u32 v3, v4  }
0x1ef: {  	v4 =	vperm.xlane v3, v0;
	_ =	sdelay $0x1  }
0x1f0: {  	v4 =	vadd.s32 v1, v4;
	_ =	sdelay $0x3  }
0x1f1: {  	s19 =	simm.s32 $0x1800;
	v3 =	vperm.xlane v3, v2  }
0x1f2: {  	[tilespmem:s19], [sflag:$0x1] =	stream.indirect_vreg.gather [hbm4b:s2+s4], $0x80, v4, vm0, $0xb8;
	[tilespmem:$0x1F800] =	vst v63  }
0x1f3: {  	v3 =	vadd.s32 v1, v3;
	s19 =	simm.s32 $0x2000  }
0x1f4: {  	[tilespmem:s19], [sflag:$0x1] =	stream.indirect_vreg.gather [hbm4b:s7+s4], $0x80, v4, vm0, $0xb8;
	[tilespmem:$0x1F800] =	vst v63  }
0x1f5: {  	s15 =	simm.s32 $0x2800  }
0x1f6: {  	[tilespmem:s15], [sflag:$0x1] =	stream.indirect_vreg.gather [hbm4b:s8+s4], $0x80, v4, vm0, $0xb8;
	[tilespmem:$0x1F800] =	vst v63  }
0x1f7: {  	s19 =	simm.s32 $0x3000  }
0x1f8: {  	[tilespmem:s19], [sflag:$0x1] =	stream.indirect_vreg.gather [hbm4b:s2+s4], $0x80, v3, vm0, $0xb8;
	[tilespmem:$0x1F800] =	vst v63  }
0x1f9: {  	s15 =	simm.s32 $0x3800  }
0x1fa: {  	[tilespmem:s15], [sflag:$0x1] =	stream.indirect_vreg.gather [hbm4b:s7+s4], $0x80, v3, vm0, $0xb8;
	[tilespmem:$0x1F800] =	vst v63  }
0x1fb: {  	s19 =	simm.s32 $0x4000  }
0x1fc: {  	[tilespmem:s19], [sflag:$0x1] =	stream.indirect_vreg.gather [hbm4b:s8+s4], $0x80, v3, vm0, $0xb8;
	[tilespmem:$0x1F800] =	vst v63  }
0x1fd: {  	v3 =	vld [tilespmem:$0x890];
	_ =	sdelay $0x4  }
0x1fe: {  	v13 =	vshrl.u32 v3, $0x3  }
0x1ff: {  	v4 =	vmul.u32 $0x30, v13  }
0x200: {  	v3 =	vand.u32 $0x7, v3  }
0x201: {  	v3 =	vor.u32 v3, v4  }
0x202: {  	v4 =	vperm.xlane v3, v0;
	_ =	sdelay $0x1  }
0x203: {  	v4 =	vadd.s32 v1, v4;
	_ =	sdelay $0x3  }
0x204: {  	s15 =	simm.s32 $0x4800;
	v3 =	vperm.xlane v3, v2  }
0x205: {  	[tilespmem:s15], [sflag:$0x1] =	stream.indirect_vreg.gather [hbm4b:s2+s4], $0x80, v4, vm0, $0xb8;
	[tilespmem:$0x1F800] =	vst v63  }
0x206: {  	s19 =	simm.s32 $0x5000;
	v3 =	vadd.s32 v1, v3  }
0x207: {  	[tilespmem:s19], [sflag:$0x1] =	stream.indirect_vreg.gather [hbm4b:s7+s4], $0x80, v4, vm0, $0xb8;
	[tilespmem:$0x1F800] =	vst v63  }
0x208: {  	s15 =	simm.s32 $0x5800  }
0x209: {  	[tilespmem:s15], [sflag:$0x1] =	stream.indirect_vreg.gather [hbm4b:s8+s4], $0x80, v4, vm0, $0xb8;
	[tilespmem:$0x1F800] =	vst v63  }
0x20a: {  	s19 =	simm.s32 $0x6000  }
0x20b: {  	[tilespmem:s19], [sflag:$0x1] =	stream.indirect_vreg.gather [hbm4b:s2+s4], $0x80, v3, vm0, $0xb8;
	[tilespmem:$0x1F800] =	vst v63  }
0x20c: {  	s15 =	simm.s32 $0x6800  }
0x20d: {  	[tilespmem:s15], [sflag:$0x1] =	stream.indirect_vreg.gather [hbm4b:s7+s4], $0x80, v3, vm0, $0xb8;
	[tilespmem:$0x1F800] =	vst v63  }
0x20e: {  	s19 =	simm.s32 $0x7000  }
0x20f: {  	[tilespmem:s19], [sflag:$0x1] =	stream.indirect_vreg.gather [hbm4b:s8+s4], $0x80, v3, vm0, $0xb8;
	[tilespmem:$0x1F800] =	vst v63  }
0x210: {  	_ =	swait.ge [sflag:s10], $0x6000  }
0x211: {  	[sflag:s10] =	ssyncset.done $0x0  }
0x212: {  	s23 =	simm.s32 $0x13800;
	s9 =	rddreg [dreg:$0x10];
	[sflag:s10] =	ssyncadd.s32 $0xFFFFA000  }
0x213: {  	[hbm4b:s9+s4] =	stream.linear.scatter [tilespmem:s23], [sflag:$0x9], $0x6000, $0x38;
	[tilespmem:$0x1F800] =	vst v63  }
0x214: {  	_ =	swait.ge [sflag:s28], $0x6000  }
0x215: {  	[sflag:s28] =	ssyncset.done $0x0  }
0x216: {  	[sflag:s28] =	ssyncadd.s32 $0xFFFFA000  }
0x217: {  	v3 =	vld [tilespmem:$0x900];
	_ =	sdelay $0x4  }
0x218: {  	v14 =	vshrl.u32 v3, $0x3  }
0x219: {  	v4 =	vmul.u32 $0x30, v14  }
0x21a: {  	v3 =	vand.u32 $0x7, v3  }
0x21b: {  	v3 =	vor.u32 v3, v4  }
0x21c: {  	v4 =	vperm.xlane v3, v0;
	_ =	sdelay $0x1  }
0x21d: {  	v4 =	vadd.s32 v1, v4;
	_ =	sdelay $0x3  }
0x21e: {  	s25 =	simm.s32 $0x7800;
	v3 =	vperm.xlane v3, v2  }
0x21f: {  	[tilespmem:s25], [sflag:$0x2] =	stream.indirect_vreg.gather [hbm4b:s2+s4], $0x80, v4, vm0, $0xb8;
	[tilespmem:$0x1F800] =	vst v63  }
0x220: {  	s19 =	simm.s32 $0x8000;
	v3 =	vadd.s32 v1, v3  }
0x221: {  	[tilespmem:s19], [sflag:$0x2] =	stream.indirect_vreg.gather [hbm4b:s7+s4], $0x80, v4, vm0, $0xb8;
	[tilespmem:$0x1F800] =	vst v63  }
0x222: {  	s25 =	simm.s32 $0x8800  }
0x223: {  	[tilespmem:s25], [sflag:$0x2] =	stream.indirect_vreg.gather [hbm4b:s8+s4], $0x80, v4, vm0, $0xb8;
	[tilespmem:$0x1F800] =	vst v63  }
0x224: {  	s19 =	simm.s32 $0x9000  }
0x225: {  	[tilespmem:s19], [sflag:$0x2] =	stream.indirect_vreg.gather [hbm4b:s2+s4], $0x80, v3, vm0, $0xb8;
	[tilespmem:$0x1F800] =	vst v63  }
0x226: {  	s25 =	simm.s32 $0x9800  }
0x227: {  	[tilespmem:s25], [sflag:$0x2] =	stream.indirect_vreg.gather [hbm4b:s7+s4], $0x80, v3, vm0, $0xb8;
	[tilespmem:$0x1F800] =	vst v63  }
0x228: {  	s19 =	simm.s32 $0xA000  }
0x229: {  	[tilespmem:s19], [sflag:$0x2] =	stream.indirect_vreg.gather [hbm4b:s8+s4], $0x80, v3, vm0, $0xb8;
	[tilespmem:$0x1F800] =	vst v63  }
0x22a: {  	v3 =	vld [tilespmem:$0x910];
	_ =	sdelay $0x4  }
0x22b: {  	v15 =	vshrl.u32 v3, $0x3  }
0x22c: {  	v4 =	vmul.u32 $0x30, v15  }
0x22d: {  	v3 =	vand.u32 $0x7, v3  }
0x22e: {  	v3 =	vor.u32 v3, v4  }
0x22f: {  	v4 =	vperm.xlane v3, v0;
	_ =	sdelay $0x1  }
0x230: {  	v4 =	vadd.s32 v1, v4;
	_ =	sdelay $0x3  }
0x231: {  	s25 =	simm.s32 $0xA800;
	v3 =	vperm.xlane v3, v2  }
0x232: {  	[tilespmem:s25], [sflag:$0x2] =	stream.indirect_vreg.gather [hbm4b:s2+s4], $0x80, v4, vm0, $0xb8;
	[tilespmem:$0x1F800] =	vst v63  }
0x233: {  	s19 =	simm.s32 $0xB000;
	v3 =	vadd.s32 v1, v3  }
0x234: {  	[tilespmem:s19], [sflag:$0x2] =	stream.indirect_vreg.gather [hbm4b:s7+s4], $0x80, v4, vm0, $0xb8;
	[tilespmem:$0x1F800] =	vst v63  }
0x235: {  	s25 =	simm.s32 $0xB800  }
0x236: {  	[tilespmem:s25], [sflag:$0x2] =	stream.indirect_vreg.gather [hbm4b:s8+s4], $0x80, v4, vm0, $0xb8;
	[tilespmem:$0x1F800] =	vst v63  }
0x237: {  	s19 =	simm.s32 $0xC000  }
0x238: {  	[tilespmem:s19], [sflag:$0x2] =	stream.indirect_vreg.gather [hbm4b:s2+s4], $0x80, v3, vm0, $0xb8;
	[tilespmem:$0x1F800] =	vst v63  }
0x239: {  	s25 =	simm.s32 $0xC800  }
0x23a: {  	[tilespmem:s25], [sflag:$0x2] =	stream.indirect_vreg.gather [hbm4b:s7+s4], $0x80, v3, vm0, $0xb8;
	[tilespmem:$0x1F800] =	vst v63  }
0x23b: {  	s19 =	simm.s32 $0xD000  }
0x23c: {  	[tilespmem:s19], [sflag:$0x2] =	stream.indirect_vreg.gather [hbm4b:s8+s4], $0x80, v3, vm0, $0xb8;
	[tilespmem:$0x1F800] =	vst v63  }
0x23d: {  	_ =	swait.ge [sflag:s12], $0x6000  }
0x23e: {  	[sflag:s12] =	ssyncset.done $0x0  }
0x23f: {  	s22 =	simm.s32 $0x19800;
	s25 =	rddreg [dreg:$0x11];
	[sflag:s12] =	ssyncadd.s32 $0xFFFFA000  }
0x240: {  	[hbm4b:s25+s4] =	stream.linear.scatter [tilespmem:s22], [sflag:$0xA], $0x6000, $0x38;
	[tilespmem:$0x1F800] =	vst v63  }
0x241: {  	_ =	swait.ge [sflag:s13], $0x6000  }
0x242: {  	[sflag:s13] =	ssyncset.done $0x0  }
0x243: {  	[sflag:s13] =	ssyncadd.s32 $0xFFFFA000  }
0x244: {  	v3 =	vld [tilespmem:$0x980];
	_ =	sdelay $0x4  }
0x245: {  	v16 =	vshrl.u32 v3, $0x3  }
0x246: {  	v4 =	vmul.u32 $0x30, v16  }
0x247: {  	v3 =	vand.u32 $0x7, v3  }
0x248: {  	v3 =	vor.u32 v3, v4  }
0x249: {  	v4 =	vperm.xlane v3, v0;
	_ =	sdelay $0x1  }
0x24a: {  	v4 =	vadd.s32 v1, v4;
	_ =	sdelay $0x3  }
0x24b: {  	s18 =	simm.s32 $0xD800;
	v3 =	vperm.xlane v3, v2  }
0x24c: {  	[tilespmem:s18], [sflag:$0x3] =	stream.indirect_vreg.gather [hbm4b:s2+s4], $0x80, v4, vm0, $0xb8;
	[tilespmem:$0x1F800] =	vst v63  }
0x24d: {  	v3 =	vadd.s32 v1, v3;
	s18 =	simm.s32 $0xE000  }
0x24e: {  	[tilespmem:s18], [sflag:$0x3] =	stream.indirect_vreg.gather [hbm4b:s7+s4], $0x80, v4, vm0, $0xb8;
	[tilespmem:$0x1F800] =	vst v63  }
0x24f: {  	s19 =	simm.s32 $0xE800  }
0x250: {  	[tilespmem:s19], [sflag:$0x3] =	stream.indirect_vreg.gather [hbm4b:s8+s4], $0x80, v4, vm0, $0xb8;
	[tilespmem:$0x1F800] =	vst v63  }
0x251: {  	_ = 	snop  }
0x252: {  	[tilespmem:s11], [sflag:$0x3] =	stream.indirect_vreg.gather [hbm4b:s2+s4], $0x80, v3, vm0, $0xb8;
	[tilespmem:$0x1F800] =	vst v63  }
0x253: {  	_ = 	snop  }
0x254: {  	[tilespmem:s30], [sflag:$0x3] =	stream.indirect_vreg.gather [hbm4b:s7+s4], $0x80, v3, vm0, $0xb8;
	[tilespmem:$0x1F800] =	vst v63  }
0x255: {  	s30 =	simm.s32 $0x10000  }
0x256: {  	[tilespmem:s30], [sflag:$0x3] =	stream.indirect_vreg.gather [hbm4b:s8+s4], $0x80, v3, vm0, $0xb8;
	[tilespmem:$0x1F800] =	vst v63  }
0x257: {  	v3 =	vld [tilespmem:$0x990];
	_ =	sdelay $0x4  }
0x258: {  	v17 =	vshrl.u32 v3, $0x3  }
0x259: {  	v4 =	vmul.u32 $0x30, v17  }
0x25a: {  	v3 =	vand.u32 $0x7, v3  }
0x25b: {  	v3 =	vor.u32 v3, v4  }
0x25c: {  	v4 =	vperm.xlane v3, v0;
	_ =	sdelay $0x1  }
0x25d: {  	v4 =	vadd.s32 v1, v4;
	_ =	sdelay $0x3  }
0x25e: {  	s15 =	simm.s32 $0x10800;
	v3 =	vperm.xlane v3, v2  }
0x25f: {  	[tilespmem:s15], [sflag:$0x3] =	stream.indirect_vreg.gather [hbm4b:s2+s4], $0x80, v4, vm0, $0xb8;
	[tilespmem:$0x1F800] =	vst v63  }
0x260: {  	s30 =	simm.s32 $0x11000;
	v3 =	vadd.s32 v1, v3  }
0x261: {  	[tilespmem:s30], [sflag:$0x3] =	stream.indirect_vreg.gather [hbm4b:s7+s4], $0x80, v4, vm0, $0xb8;
	[tilespmem:$0x1F800] =	vst v63  }
0x262: {  	s15 =	simm.s32 $0x11800  }
0x263: {  	[tilespmem:s15], [sflag:$0x3] =	stream.indirect_vreg.gather [hbm4b:s8+s4], $0x80, v4, vm0, $0xb8;
	[tilespmem:$0x1F800] =	vst v63  }
0x264: {  	s30 =	simm.s32 $0x12000  }
0x265: {  	[tilespmem:s30], [sflag:$0x3] =	stream.indirect_vreg.gather [hbm4b:s2+s4], $0x80, v3, vm0, $0xb8;
	[tilespmem:$0x1F800] =	vst v63  }
0x266: {  	s15 =	simm.s32 $0x12800  }
0x267: {  	[tilespmem:s15], [sflag:$0x3] =	stream.indirect_vreg.gather [hbm4b:s7+s4], $0x80, v3, vm0, $0xb8;
	[tilespmem:$0x1F800] =	vst v63  }
0x268: {  	s30 =	simm.s32 $0x13000  }
0x269: {  	[tilespmem:s30], [sflag:$0x3] =	stream.indirect_vreg.gather [hbm4b:s8+s4], $0x80, v3, vm0, $0xb8;
	[tilespmem:$0x1F800] =	vst v63  }
0x26a: {  	_ =	swait.ge [sflag:s29], $0x6000  }
0x26b: {  	[sflag:s29] =	ssyncset.done $0x0  }
0x26c: {  	s21 =	simm.s32 $0x1800;
	s11 =	rddreg [dreg:$0x12];
	[sflag:s29] =	ssyncadd.s32 $0xFFFFA000  }
0x26d: {  	[hbm4b:s11+s4] =	stream.linear.scatter [tilespmem:s21], [sflag:$0x6], $0x6000, $0x38;
	[tilespmem:$0x1F800] =	vst v63  }
0x26e: {  	_ =	swait.ge [sflag:s14], $0x6000  }
0x26f: {  	[sflag:s14] =	ssyncset.done $0x0  }
0x270: {  	[sflag:s14] =	ssyncadd.s32 $0xFFFFA000  }
0x271: {  	v3 =	vld [tilespmem:$0xA00];
	_ =	sdelay $0x4  }
0x272: {  	v18 =	vshrl.u32 v3, $0x3  }
0x273: {  	v4 =	vmul.u32 $0x30, v18  }
0x274: {  	v3 =	vand.u32 $0x7, v3  }
0x275: {  	v3 =	vor.u32 v3, v4  }
0x276: {  	v4 =	vperm.xlane v3, v0;
	_ =	sdelay $0x1  }
0x277: {  	v4 =	vadd.s32 v1, v4;
	_ =	sdelay $0x3  }
0x278: {  	s23 =	simm.s32 $0x13800;
	v3 =	vperm.xlane v3, v2  }
0x279: {  	[tilespmem:s23], [sflag:$0x4] =	stream.indirect_vreg.gather [hbm4b:s2+s4], $0x80, v4, vm0, $0xb8;
	[tilespmem:$0x1F800] =	vst v63  }
0x27a: {  	s15 =	simm.s32 $0x14000;
	v3 =	vadd.s32 v1, v3  }
0x27b: {  	[tilespmem:s15], [sflag:$0x4] =	stream.indirect_vreg.gather [hbm4b:s7+s4], $0x80, v4, vm0, $0xb8;
	[tilespmem:$0x1F800] =	vst v63  }
0x27c: {  	_ = 	snop  }
0x27d: {  	[tilespmem:s24], [sflag:$0x4] =	stream.indirect_vreg.gather [hbm4b:s8+s4], $0x80, v4, vm0, $0xb8;
	[tilespmem:$0x1F800] =	vst v63  }
0x27e: {  	s30 =	simm.s32 $0x15000  }
0x27f: {  	[tilespmem:s30], [sflag:$0x4] =	stream.indirect_vreg.gather [hbm4b:s2+s4], $0x80, v3, vm0, $0xb8;
	[tilespmem:$0x1F800] =	vst v63  }
0x280: {  	s15 =	simm.s32 $0x15800  }
0x281: {  	[tilespmem:s15], [sflag:$0x4] =	stream.indirect_vreg.gather [hbm4b:s7+s4], $0x80, v3, vm0, $0xb8;
	[tilespmem:$0x1F800] =	vst v63  }
0x282: {  	_ = 	snop  }
0x283: {  	[tilespmem:s16], [sflag:$0x4] =	stream.indirect_vreg.gather [hbm4b:s8+s4], $0x80, v3, vm0, $0xb8;
	[tilespmem:$0x1F800] =	vst v63  }
0x284: {  	v3 =	vld [tilespmem:$0xA10];
	_ =	sdelay $0x4  }
0x285: {  	v19 =	vshrl.u32 v3, $0x3  }
0x286: {  	v4 =	vmul.u32 $0x30, v19  }
0x287: {  	v3 =	vand.u32 $0x7, v3  }
0x288: {  	v3 =	vor.u32 v3, v4  }
0x289: {  	v4 =	vperm.xlane v3, v0;
	_ =	sdelay $0x1  }
0x28a: {  	v4 =	vadd.s32 v1, v4;
	_ =	sdelay $0x3  }
0x28b: {  	v3 =	vperm.xlane v3, v2  }
0x28c: {  	[tilespmem:s17], [sflag:$0x4] =	stream.indirect_vreg.gather [hbm4b:s2+s4], $0x80, v4, vm0, $0xb8;
	[tilespmem:$0x1F800] =	vst v63  }
0x28d: {  	s16 =	simm.s32 $0x17000;
	v3 =	vadd.s32 v1, v3  }
0x28e: {  	[tilespmem:s16], [sflag:$0x4] =	stream.indirect_vreg.gather [hbm4b:s7+s4], $0x80, v4, vm0, $0xb8;
	[tilespmem:$0x1F800] =	vst v63  }
0x28f: {  	s17 =	simm.s32 $0x17800  }
0x290: {  	[tilespmem:s17], [sflag:$0x4] =	stream.indirect_vreg.gather [hbm4b:s8+s4], $0x80, v4, vm0, $0xb8;
	[tilespmem:$0x1F800] =	vst v63  }
0x291: {  	s15 =	simm.s32 $0x18000  }
0x292: {  	[tilespmem:s15], [sflag:$0x4] =	stream.indirect_vreg.gather [hbm4b:s2+s4], $0x80, v3, vm0, $0xb8;
	[tilespmem:$0x1F800] =	vst v63  }
0x293: {  	_ = 	snop  }
0x294: {  	[tilespmem:s26], [sflag:$0x4] =	stream.indirect_vreg.gather [hbm4b:s7+s4], $0x80, v3, vm0, $0xb8;
	[tilespmem:$0x1F800] =	vst v63  }
0x295: {  	s15 =	simm.s32 $0x19000  }
0x296: {  	[tilespmem:s15], [sflag:$0x4] =	stream.indirect_vreg.gather [hbm4b:s8+s4], $0x80, v3, vm0, $0xb8;
	[tilespmem:$0x1F800] =	vst v63  }
0x297: {  	_ =	swait.ge [sflag:s31], $0x6000  }
0x298: {  	[sflag:s31] =	ssyncset.done $0x0  }
0x299: {  	s9 =	simm.s32 $0x7800;
	s11 =	rddreg [dreg:$0x13];
	[sflag:s31] =	ssyncadd.s32 $0xFFFFA000  }
0x29a: {  	[hbm4b:s11+s4] =	stream.linear.scatter [tilespmem:s9], [sflag:$0x7], $0x6000, $0x38;
	[tilespmem:$0x1F800] =	vst v63  }
0x29b: {  	_ =	swait.ge [sflag:s20], $0x6000  }
0x29c: {  	[sflag:s20] =	ssyncset.done $0x0  }
0x29d: {  	[sflag:s20] =	ssyncadd.s32 $0xFFFFA000  }
0x29e: {  	v3 =	vld [tilespmem:$0xA80];
	_ =	sdelay $0x4  }
0x29f: {  	v20 =	vshrl.u32 v3, $0x3  }
0x2a0: {  	v4 =	vmul.u32 $0x30, v20  }
0x2a1: {  	v3 =	vand.u32 $0x7, v3  }
0x2a2: {  	v3 =	vor.u32 v3, v4  }
0x2a3: {  	v4 =	vperm.xlane v3, v0;
	_ =	sdelay $0x1  }
0x2a4: {  	v4 =	vadd.s32 v1, v4;
	_ =	sdelay $0x3  }
0x2a5: {  	s25 =	simm.s32 $0x19800;
	v3 =	vperm.xlane v3, v2  }
0x2a6: {  	[tilespmem:s25], [sflag:$0x5] =	stream.indirect_vreg.gather [hbm4b:s2+s4], $0x80, v4, vm0, $0xb8;
	[tilespmem:$0x1F800] =	vst v63  }
0x2a7: {  	s15 =	simm.s32 $0x1A000;
	v3 =	vadd.s32 v1, v3  }
0x2a8: {  	[tilespmem:s15], [sflag:$0x5] =	stream.indirect_vreg.gather [hbm4b:s7+s4], $0x80, v4, vm0, $0xb8;
	[tilespmem:$0x1F800] =	vst v63  }
0x2a9: {  	s15 =	simm.s32 $0x1A800  }
0x2aa: {  	[tilespmem:s15], [sflag:$0x5] =	stream.indirect_vreg.gather [hbm4b:s8+s4], $0x80, v4, vm0, $0xb8;
	[tilespmem:$0x1F800] =	vst v63  }
0x2ab: {  	s15 =	simm.s32 $0x1B000  }
0x2ac: {  	[tilespmem:s15], [sflag:$0x5] =	stream.indirect_vreg.gather [hbm4b:s2+s4], $0x80, v3, vm0, $0xb8;
	[tilespmem:$0x1F800] =	vst v63  }
0x2ad: {  	s15 =	simm.s32 $0x1B800  }
0x2ae: {  	[tilespmem:s15], [sflag:$0x5] =	stream.indirect_vreg.gather [hbm4b:s7+s4], $0x80, v3, vm0, $0xb8;
	[tilespmem:$0x1F800] =	vst v63  }
0x2af: {  	s15 =	simm.s32 $0x1C000  }
0x2b0: {  	[tilespmem:s15], [sflag:$0x5] =	stream.indirect_vreg.gather [hbm4b:s8+s4], $0x80, v3, vm0, $0xb8;
	[tilespmem:$0x1F800] =	vst v63  }
0x2b1: {  	v3 =	vld [tilespmem:$0xA90];
	_ =	sdelay $0x4  }
0x2b2: {  	v21 =	vshrl.u32 v3, $0x3  }
0x2b3: {  	v4 =	vmul.u32 $0x30, v21  }
0x2b4: {  	v3 =	vand.u32 $0x7, v3  }
0x2b5: {  	v3 =	vor.u32 v3, v4  }
0x2b6: {  	v4 =	vperm.xlane v3, v0;
	_ =	sdelay $0x1  }
0x2b7: {  	v4 =	vadd.s32 v1, v4;
	_ =	sdelay $0x3  }
0x2b8: {  	s15 =	simm.s32 $0x1C800;
	v3 =	vperm.xlane v3, v2  }
0x2b9: {  	[tilespmem:s15], [sflag:$0x5] =	stream.indirect_vreg.gather [hbm4b:s2+s4], $0x80, v4, vm0, $0xb8;
	[tilespmem:$0x1F800] =	vst v63  }
0x2ba: {  	v3 =	vadd.s32 v1, v3;
	s15 =	simm.s32 $0x1D000  }
0x2bb: {  	[tilespmem:s15], [sflag:$0x5] =	stream.indirect_vreg.gather [hbm4b:s7+s4], $0x80, v4, vm0, $0xb8;
	[tilespmem:$0x1F800] =	vst v63  }
0x2bc: {  	s15 =	simm.s32 $0x1D800  }
0x2bd: {  	[tilespmem:s15], [sflag:$0x5] =	stream.indirect_vreg.gather [hbm4b:s8+s4], $0x80, v4, vm0, $0xb8;
	[tilespmem:$0x1F800] =	vst v63  }
0x2be: {  	s15 =	simm.s32 $0x1E000  }
0x2bf: {  	[tilespmem:s15], [sflag:$0x5] =	stream.indirect_vreg.gather [hbm4b:s2+s4], $0x80, v3, vm0, $0xb8;
	[tilespmem:$0x1F800] =	vst v63  }
0x2c0: {  	s15 =	simm.s32 $0x1E800  }
0x2c1: {  	[tilespmem:s15], [sflag:$0x5] =	stream.indirect_vreg.gather [hbm4b:s7+s4], $0x80, v3, vm0, $0xb8;
	[tilespmem:$0x1F800] =	vst v63  }
0x2c2: {  	s15 =	simm.s32 $0x1F000  }
0x2c3: {  	[tilespmem:s15], [sflag:$0x5] =	stream.indirect_vreg.gather [hbm4b:s8+s4], $0x80, v3, vm0, $0xb8;
	[tilespmem:$0x1F800] =	vst v63  }
0x2c4: {  	_ =	swait.ge [sflag:s1], $0x6000  }
0x2c5: {  	[sflag:s1] =	ssyncset.done $0x0  }
0x2c6: {  	s22 =	simm.s32 $0xD800;
	s9 =	rddreg [dreg:$0x14];
	[sflag:s1] =	ssyncadd.s32 $0xFFFFA000  }
0x2c7: {  	[hbm4b:s9+s4] =	stream.linear.scatter [tilespmem:s22], [sflag:$0x8], $0x6000, $0x38;
	[tilespmem:$0x1F800] =	vst v63  }
0x2c8: {  	_ =	swait.ge [sflag:s3], $0x6000  }
0x2c9: {  	[sflag:s3] =	ssyncset.done $0x0  }
0x2ca: {  	[sflag:s3] =	ssyncadd.s32 $0xFFFFA000  }
0x2cb: {  	v3 =	vld [tilespmem:$0xB00];
	_ =	sdelay $0x4  }
0x2cc: {  	v22 =	vshrl.u32 v3, $0x3  }
0x2cd: {  	v4 =	vmul.u32 $0x30, v22  }
0x2ce: {  	v3 =	vand.u32 $0x7, v3  }
0x2cf: {  	v3 =	vor.u32 v3, v4  }
0x2d0: {  	v4 =	vperm.xlane v3, v0;
	_ =	sdelay $0x1  }
0x2d1: {  	v4 =	vadd.s32 v1, v4;
	_ =	sdelay $0x3  }
0x2d2: {  	v3 =	vperm.xlane v3, v2  }
0x2d3: {  	[tilespmem:s21], [sflag:$0x1] =	stream.indirect_vreg.gather [hbm4b:s2+s4], $0x80, v4, vm0, $0xb8;
	[tilespmem:$0x1F800] =	vst v63  }
0x2d4: {  	s15 =	simm.s32 $0x2000;
	v3 =	vadd.s32 v1, v3  }
0x2d5: {  	[tilespmem:s15], [sflag:$0x1] =	stream.indirect_vreg.gather [hbm4b:s7+s4], $0x80, v4, vm0, $0xb8;
	[tilespmem:$0x1F800] =	vst v63  }
0x2d6: {  	s15 =	simm.s32 $0x2800  }
0x2d7: {  	[tilespmem:s15], [sflag:$0x1] =	stream.indirect_vreg.gather [hbm4b:s8+s4], $0x80, v4, vm0, $0xb8;
	[tilespmem:$0x1F800] =	vst v63  }
0x2d8: {  	s15 =	simm.s32 $0x3000  }
0x2d9: {  	[tilespmem:s15], [sflag:$0x1] =	stream.indirect_vreg.gather [hbm4b:s2+s4], $0x80, v3, vm0, $0xb8;
	[tilespmem:$0x1F800] =	vst v63  }
0x2da: {  	s15 =	simm.s32 $0x3800  }
0x2db: {  	[tilespmem:s15], [sflag:$0x1] =	stream.indirect_vreg.gather [hbm4b:s7+s4], $0x80, v3, vm0, $0xb8;
	[tilespmem:$0x1F800] =	vst v63  }
0x2dc: {  	s15 =	simm.s32 $0x4000  }
0x2dd: {  	[tilespmem:s15], [sflag:$0x1] =	stream.indirect_vreg.gather [hbm4b:s8+s4], $0x80, v3, vm0, $0xb8;
	[tilespmem:$0x1F800] =	vst v63  }
0x2de: {  	v3 =	vld [tilespmem:$0xB10];
	_ =	sdelay $0x4  }
0x2df: {  	v23 =	vshrl.u32 v3, $0x3  }
0x2e0: {  	v4 =	vmul.u32 $0x30, v23  }
0x2e1: {  	v3 =	vand.u32 $0x7, v3  }
0x2e2: {  	v3 =	vor.u32 v3, v4  }
0x2e3: {  	v4 =	vperm.xlane v3, v0;
	_ =	sdelay $0x1  }
0x2e4: {  	v4 =	vadd.s32 v1, v4;
	_ =	sdelay $0x3  }
0x2e5: {  	s15 =	simm.s32 $0x4800;
	v3 =	vperm.xlane v3, v2  }
0x2e6: {  	[tilespmem:s15], [sflag:$0x1] =	stream.indirect_vreg.gather [hbm4b:s2+s4], $0x80, v4, vm0, $0xb8;
	[tilespmem:$0x1F800] =	vst v63  }
0x2e7: {  	v3 =	vadd.s32 v1, v3;
	s15 =	simm.s32 $0x5000  }
0x2e8: {  	[tilespmem:s15], [sflag:$0x1] =	stream.indirect_vreg.gather [hbm4b:s7+s4], $0x80, v4, vm0, $0xb8;
	[tilespmem:$0x1F800] =	vst v63  }
0x2e9: {  	s15 =	simm.s32 $0x5800  }
0x2ea: {  	[tilespmem:s15], [sflag:$0x1] =	stream.indirect_vreg.gather [hbm4b:s8+s4], $0x80, v4, vm0, $0xb8;
	[tilespmem:$0x1F800] =	vst v63  }
0x2eb: {  	s15 =	simm.s32 $0x6000  }
0x2ec: {  	[tilespmem:s15], [sflag:$0x1] =	stream.indirect_vreg.gather [hbm4b:s2+s4], $0x80, v3, vm0, $0xb8;
	[tilespmem:$0x1F800] =	vst v63  }
0x2ed: {  	s15 =	simm.s32 $0x6800  }
0x2ee: {  	[tilespmem:s15], [sflag:$0x1] =	stream.indirect_vreg.gather [hbm4b:s7+s4], $0x80, v3, vm0, $0xb8;
	[tilespmem:$0x1F800] =	vst v63  }
0x2ef: {  	s15 =	simm.s32 $0x7000  }
0x2f0: {  	[tilespmem:s15], [sflag:$0x1] =	stream.indirect_vreg.gather [hbm4b:s8+s4], $0x80, v3, vm0, $0xb8;
	[tilespmem:$0x1F800] =	vst v63  }
0x2f1: {  	_ =	swait.ge [sflag:s10], $0x6000  }
0x2f2: {  	[sflag:s10] =	ssyncset.done $0x0  }
0x2f3: {  	s23 =	simm.s32 $0x13800;
	s9 =	rddreg [dreg:$0x15];
	[sflag:s10] =	ssyncadd.s32 $0xFFFFA000  }
0x2f4: {  	[hbm4b:s9+s4] =	stream.linear.scatter [tilespmem:s23], [sflag:$0x9], $0x6000, $0x38;
	[tilespmem:$0x1F800] =	vst v63  }
0x2f5: {  	_ =	swait.ge [sflag:s28], $0x6000  }
0x2f6: {  	[sflag:s28] =	ssyncset.done $0x0  }
0x2f7: {  	[sflag:s28] =	ssyncadd.s32 $0xFFFFA000  }
0x2f8: {  	v3 =	vld [tilespmem:$0xB80];
	_ =	sdelay $0x4  }
0x2f9: {  	v24 =	vshrl.u32 v3, $0x3  }
0x2fa: {  	v4 =	vmul.u32 $0x30, v24  }
0x2fb: {  	v3 =	vand.u32 $0x7, v3  }
0x2fc: {  	v3 =	vor.u32 v3, v4  }
0x2fd: {  	v4 =	vperm.xlane v3, v0;
	_ =	sdelay $0x1  }
0x2fe: {  	v4 =	vadd.s32 v1, v4;
	_ =	sdelay $0x3  }
0x2ff: {  	s11 =	simm.s32 $0x7800;
	v3 =	vperm.xlane v3, v2  }
0x300: {  	[tilespmem:s11], [sflag:$0x2] =	stream.indirect_vreg.gather [hbm4b:s2+s4], $0x80, v4, vm0, $0xb8;
	[tilespmem:$0x1F800] =	vst v63  }
0x301: {  	s15 =	simm.s32 $0x8000;
	v3 =	vadd.s32 v1, v3  }
0x302: {  	[tilespmem:s15], [sflag:$0x2] =	stream.indirect_vreg.gather [hbm4b:s7+s4], $0x80, v4, vm0, $0xb8;
	[tilespmem:$0x1F800] =	vst v63  }
0x303: {  	s15 =	simm.s32 $0x8800  }
0x304: {  	[tilespmem:s15], [sflag:$0x2] =	stream.indirect_vreg.gather [hbm4b:s8+s4], $0x80, v4, vm0, $0xb8;
	[tilespmem:$0x1F800] =	vst v63  }
0x305: {  	s15 =	simm.s32 $0x9000  }
0x306: {  	[tilespmem:s15], [sflag:$0x2] =	stream.indirect_vreg.gather [hbm4b:s2+s4], $0x80, v3, vm0, $0xb8;
	[tilespmem:$0x1F800] =	vst v63  }
0x307: {  	s15 =	simm.s32 $0x9800  }
0x308: {  	[tilespmem:s15], [sflag:$0x2] =	stream.indirect_vreg.gather [hbm4b:s7+s4], $0x80, v3, vm0, $0xb8;
	[tilespmem:$0x1F800] =	vst v63  }
0x309: {  	s15 =	simm.s32 $0xA000  }
0x30a: {  	[tilespmem:s15], [sflag:$0x2] =	stream.indirect_vreg.gather [hbm4b:s8+s4], $0x80, v3, vm0, $0xb8;
	[tilespmem:$0x1F800] =	vst v63  }
0x30b: {  	v3 =	vld [tilespmem:$0xB90];
	_ =	sdelay $0x4  }
0x30c: {  	v25 =	vshrl.u32 v3, $0x3  }
0x30d: {  	v4 =	vmul.u32 $0x30, v25  }
0x30e: {  	v3 =	vand.u32 $0x7, v3  }
0x30f: {  	v3 =	vor.u32 v3, v4  }
0x310: {  	v4 =	vperm.xlane v3, v0;
	_ =	sdelay $0x1  }
0x311: {  	v4 =	vadd.s32 v1, v4;
	_ =	sdelay $0x3  }
0x312: {  	s15 =	simm.s32 $0xA800;
	v3 =	vperm.xlane v3, v2  }
0x313: {  	[tilespmem:s15], [sflag:$0x2] =	stream.indirect_vreg.gather [hbm4b:s2+s4], $0x80, v4, vm0, $0xb8;
	[tilespmem:$0x1F800] =	vst v63  }
0x314: {  	v3 =	vadd.s32 v1, v3;
	s15 =	simm.s32 $0xB000  }
0x315: {  	[tilespmem:s15], [sflag:$0x2] =	stream.indirect_vreg.gather [hbm4b:s7+s4], $0x80, v4, vm0, $0xb8;
	[tilespmem:$0x1F800] =	vst v63  }
0x316: {  	s15 =	simm.s32 $0xB800  }
0x317: {  	[tilespmem:s15], [sflag:$0x2] =	stream.indirect_vreg.gather [hbm4b:s8+s4], $0x80, v4, vm0, $0xb8;
	[tilespmem:$0x1F800] =	vst v63  }
0x318: {  	s15 =	simm.s32 $0xC000  }
0x319: {  	[tilespmem:s15], [sflag:$0x2] =	stream.indirect_vreg.gather [hbm4b:s2+s4], $0x80, v3, vm0, $0xb8;
	[tilespmem:$0x1F800] =	vst v63  }
0x31a: {  	s15 =	simm.s32 $0xC800  }
0x31b: {  	[tilespmem:s15], [sflag:$0x2] =	stream.indirect_vreg.gather [hbm4b:s7+s4], $0x80, v3, vm0, $0xb8;
	[tilespmem:$0x1F800] =	vst v63  }
0x31c: {  	s15 =	simm.s32 $0xD000  }
0x31d: {  	[tilespmem:s15], [sflag:$0x2] =	stream.indirect_vreg.gather [hbm4b:s8+s4], $0x80, v3, vm0, $0xb8;
	[tilespmem:$0x1F800] =	vst v63  }
0x31e: {  	_ =	swait.ge [sflag:s12], $0x6000  }
0x31f: {  	[sflag:s12] =	ssyncset.done $0x0  }
0x320: {  	s9 =	rddreg [dreg:$0x16];
	[sflag:s12] =	ssyncadd.s32 $0xFFFFA000  }
0x321: {  	[hbm4b:s9+s4] =	stream.linear.scatter [tilespmem:s25], [sflag:$0xA], $0x6000, $0x38;
	[tilespmem:$0x1F800] =	vst v63  }
0x322: {  	_ =	swait.ge [sflag:s13], $0x6000  }
0x323: {  	[sflag:s13] =	ssyncset.done $0x0  }
0x324: {  	[sflag:s13] =	ssyncadd.s32 $0xFFFFA000  }
0x325: {  	v3 =	vld [tilespmem:$0xC00];
	_ =	sdelay $0x4  }
0x326: {  	v26 =	vshrl.u32 v3, $0x3  }
0x327: {  	v4 =	vmul.u32 $0x30, v26  }
0x328: {  	v3 =	vand.u32 $0x7, v3  }
0x329: {  	v3 =	vor.u32 v3, v4  }
0x32a: {  	v4 =	vperm.xlane v3, v0;
	_ =	sdelay $0x1  }
0x32b: {  	v4 =	vadd.s32 v1, v4;
	_ =	sdelay $0x3  }
0x32c: {  	v3 =	vperm.xlane v3, v2  }
0x32d: {  	[tilespmem:s22], [sflag:$0x3] =	stream.indirect_vreg.gather [hbm4b:s2+s4], $0x80, v4, vm0, $0xb8;
	[tilespmem:$0x1F800] =	vst v63  }
0x32e: {  	v3 =	vadd.s32 v1, v3  }
0x32f: {  	[tilespmem:s18], [sflag:$0x3] =	stream.indirect_vreg.gather [hbm4b:s7+s4], $0x80, v4, vm0, $0xb8;
	[tilespmem:$0x1F800] =	vst v63  }
0x330: {  	_ = 	snop  }
0x331: {  	[tilespmem:s19], [sflag:$0x3] =	stream.indirect_vreg.gather [hbm4b:s8+s4], $0x80, v4, vm0, $0xb8;
	[tilespmem:$0x1F800] =	vst v63  }
0x332: {  	s9 =	simm.s32 $0xF000  }
0x333: {  	[tilespmem:s9], [sflag:$0x3] =	stream.indirect_vreg.gather [hbm4b:s2+s4], $0x80, v3, vm0, $0xb8;
	[tilespmem:$0x1F800] =	vst v63  }
0x334: {  	s15 =	simm.s32 $0xF800  }
0x335: {  	[tilespmem:s15], [sflag:$0x3] =	stream.indirect_vreg.gather [hbm4b:s7+s4], $0x80, v3, vm0, $0xb8;
	[tilespmem:$0x1F800] =	vst v63  }
0x336: {  	s15 =	simm.s32 $0x10000  }
0x337: {  	[tilespmem:s15], [sflag:$0x3] =	stream.indirect_vreg.gather [hbm4b:s8+s4], $0x80, v3, vm0, $0xb8;
	[tilespmem:$0x1F800] =	vst v63  }
0x338: {  	v3 =	vld [tilespmem:$0xC10];
	_ =	sdelay $0x4  }
0x339: {  	v27 =	vshrl.u32 v3, $0x3  }
0x33a: {  	v4 =	vmul.u32 $0x30, v27  }
0x33b: {  	v3 =	vand.u32 $0x7, v3  }
0x33c: {  	v3 =	vor.u32 v3, v4  }
0x33d: {  	v4 =	vperm.xlane v3, v0;
	_ =	sdelay $0x1  }
0x33e: {  	v4 =	vadd.s32 v1, v4;
	_ =	sdelay $0x3  }
0x33f: {  	s15 =	simm.s32 $0x10800;
	v3 =	vperm.xlane v3, v2  }
0x340: {  	[tilespmem:s15], [sflag:$0x3] =	stream.indirect_vreg.gather [hbm4b:s2+s4], $0x80, v4, vm0, $0xb8;
	[tilespmem:$0x1F800] =	vst v63  }
0x341: {  	v3 =	vadd.s32 v1, v3;
	s15 =	simm.s32 $0x11000  }
0x342: {  	[tilespmem:s15], [sflag:$0x3] =	stream.indirect_vreg.gather [hbm4b:s7+s4], $0x80, v4, vm0, $0xb8;
	[tilespmem:$0x1F800] =	vst v63  }
0x343: {  	s15 =	simm.s32 $0x11800  }
0x344: {  	[tilespmem:s15], [sflag:$0x3] =	stream.indirect_vreg.gather [hbm4b:s8+s4], $0x80, v4, vm0, $0xb8;
	[tilespmem:$0x1F800] =	vst v63  }
0x345: {  	s15 =	simm.s32 $0x12000  }
0x346: {  	[tilespmem:s15], [sflag:$0x3] =	stream.indirect_vreg.gather [hbm4b:s2+s4], $0x80, v3, vm0, $0xb8;
	[tilespmem:$0x1F800] =	vst v63  }
0x347: {  	s15 =	simm.s32 $0x12800  }
0x348: {  	[tilespmem:s15], [sflag:$0x3] =	stream.indirect_vreg.gather [hbm4b:s7+s4], $0x80, v3, vm0, $0xb8;
	[tilespmem:$0x1F800] =	vst v63  }
0x349: {  	s15 =	simm.s32 $0x13000  }
0x34a: {  	[tilespmem:s15], [sflag:$0x3] =	stream.indirect_vreg.gather [hbm4b:s8+s4], $0x80, v3, vm0, $0xb8;
	[tilespmem:$0x1F800] =	vst v63  }
0x34b: {  	_ =	swait.ge [sflag:s29], $0x6000  }
0x34c: {  	[sflag:s29] =	ssyncset.done $0x0  }
0x34d: {  	s15 =	rddreg [dreg:$0x17];
	[sflag:s29] =	ssyncadd.s32 $0xFFFFA000  }
0x34e: {  	[hbm4b:s15+s4] =	stream.linear.scatter [tilespmem:s21], [sflag:$0x6], $0x6000, $0x38;
	[tilespmem:$0x1F800] =	vst v63  }
0x34f: {  	_ =	swait.ge [sflag:s14], $0x6000  }
0x350: {  	[sflag:s14] =	ssyncset.done $0x0  }
0x351: {  	[sflag:s14] =	ssyncadd.s32 $0xFFFFA000  }
0x352: {  	v3 =	vld [tilespmem:$0xC80];
	_ =	sdelay $0x4  }
0x353: {  	v28 =	vshrl.u32 v3, $0x3  }
0x354: {  	v4 =	vmul.u32 $0x30, v28  }
0x355: {  	v3 =	vand.u32 $0x7, v3  }
0x356: {  	v3 =	vor.u32 v3, v4  }
0x357: {  	v4 =	vperm.xlane v3, v0;
	_ =	sdelay $0x1  }
0x358: {  	v4 =	vadd.s32 v1, v4;
	_ =	sdelay $0x3  }
0x359: {  	v3 =	vperm.xlane v3, v2  }
0x35a: {  	[tilespmem:s23], [sflag:$0x4] =	stream.indirect_vreg.gather [hbm4b:s2+s4], $0x80, v4, vm0, $0xb8;
	[tilespmem:$0x1F800] =	vst v63  }
0x35b: {  	s15 =	simm.s32 $0x14000;
	v3 =	vadd.s32 v1, v3  }
0x35c: {  	[tilespmem:s15], [sflag:$0x4] =	stream.indirect_vreg.gather [hbm4b:s7+s4], $0x80, v4, vm0, $0xb8;
	[tilespmem:$0x1F800] =	vst v63  }
0x35d: {  	s24 =	simm.s32 $0x14800  }
0x35e: {  	[tilespmem:s24], [sflag:$0x4] =	stream.indirect_vreg.gather [hbm4b:s8+s4], $0x80, v4, vm0, $0xb8;
	[tilespmem:$0x1F800] =	vst v63  }
0x35f: {  	s30 =	simm.s32 $0x15000  }
0x360: {  	[tilespmem:s30], [sflag:$0x4] =	stream.indirect_vreg.gather [hbm4b:s2+s4], $0x80, v3, vm0, $0xb8;
	[tilespmem:$0x1F800] =	vst v63  }
0x361: {  	s15 =	simm.s32 $0x15800  }
0x362: {  	[tilespmem:s15], [sflag:$0x4] =	stream.indirect_vreg.gather [hbm4b:s7+s4], $0x80, v3, vm0, $0xb8;
	[tilespmem:$0x1F800] =	vst v63  }
0x363: {  	s15 =	simm.s32 $0x16000  }
0x364: {  	[tilespmem:s15], [sflag:$0x4] =	stream.indirect_vreg.gather [hbm4b:s8+s4], $0x80, v3, vm0, $0xb8;
	[tilespmem:$0x1F800] =	vst v63  }
0x365: {  	v3 =	vld [tilespmem:$0xC90];
	_ =	sdelay $0x4  }
0x366: {  	v29 =	vshrl.u32 v3, $0x3  }
0x367: {  	v4 =	vmul.u32 $0x30, v29  }
0x368: {  	v3 =	vand.u32 $0x7, v3  }
0x369: {  	v3 =	vor.u32 v3, v4  }
0x36a: {  	v4 =	vperm.xlane v3, v0;
	_ =	sdelay $0x1  }
0x36b: {  	v4 =	vadd.s32 v1, v4;
	_ =	sdelay $0x3  }
0x36c: {  	s15 =	simm.s32 $0x16800;
	v3 =	vperm.xlane v3, v2  }
0x36d: {  	[tilespmem:s15], [sflag:$0x4] =	stream.indirect_vreg.gather [hbm4b:s2+s4], $0x80, v4, vm0, $0xb8;
	[tilespmem:$0x1F800] =	vst v63  }
0x36e: {  	s16 =	simm.s32 $0x17000;
	v3 =	vadd.s32 v1, v3  }
0x36f: {  	[tilespmem:s16], [sflag:$0x4] =	stream.indirect_vreg.gather [hbm4b:s7+s4], $0x80, v4, vm0, $0xb8;
	[tilespmem:$0x1F800] =	vst v63  }
0x370: {  	s17 =	simm.s32 $0x17800  }
0x371: {  	[tilespmem:s17], [sflag:$0x4] =	stream.indirect_vreg.gather [hbm4b:s8+s4], $0x80, v4, vm0, $0xb8;
	[tilespmem:$0x1F800] =	vst v63  }
0x372: {  	s15 =	simm.s32 $0x18000  }
0x373: {  	[tilespmem:s15], [sflag:$0x4] =	stream.indirect_vreg.gather [hbm4b:s2+s4], $0x80, v3, vm0, $0xb8;
	[tilespmem:$0x1F800] =	vst v63  }
0x374: {  	s26 =	simm.s32 $0x18800  }
0x375: {  	[tilespmem:s26], [sflag:$0x4] =	stream.indirect_vreg.gather [hbm4b:s7+s4], $0x80, v3, vm0, $0xb8;
	[tilespmem:$0x1F800] =	vst v63  }
0x376: {  	s15 =	simm.s32 $0x19000  }
0x377: {  	[tilespmem:s15], [sflag:$0x4] =	stream.indirect_vreg.gather [hbm4b:s8+s4], $0x80, v3, vm0, $0xb8;
	[tilespmem:$0x1F800] =	vst v63  }
0x378: {  	_ =	swait.ge [sflag:s31], $0x6000  }
0x379: {  	[sflag:s31] =	ssyncset.done $0x0  }
0x37a: {  	s15 =	rddreg [dreg:$0x18];
	[sflag:s31] =	ssyncadd.s32 $0xFFFFA000  }
0x37b: {  	[hbm4b:s15+s4] =	stream.linear.scatter [tilespmem:s11], [sflag:$0x7], $0x6000, $0x38;
	[tilespmem:$0x1F800] =	vst v63  }
0x37c: {  	_ =	swait.ge [sflag:s20], $0x6000  }
0x37d: {  	[sflag:s20] =	ssyncset.done $0x0  }
0x37e: {  	[sflag:s20] =	ssyncadd.s32 $0xFFFFA000  }
0x37f: {  	v3 =	vld [tilespmem:$0xD00];
	_ =	sdelay $0x4  }
0x380: {  	v30 =	vshrl.u32 v3, $0x3  }
0x381: {  	v4 =	vmul.u32 $0x30, v30  }
0x382: {  	v3 =	vand.u32 $0x7, v3  }
0x383: {  	v3 =	vor.u32 v3, v4  }
0x384: {  	v4 =	vperm.xlane v3, v0;
	_ =	sdelay $0x1  }
0x385: {  	v4 =	vadd.s32 v1, v4;
	_ =	sdelay $0x3  }
0x386: {  	v3 =	vperm.xlane v3, v2  }
0x387: {  	[tilespmem:s25], [sflag:$0x5] =	stream.indirect_vreg.gather [hbm4b:s2+s4], $0x80, v4, vm0, $0xb8;
	[tilespmem:$0x1F800] =	vst v63  }
0x388: {  	s15 =	simm.s32 $0x1A000;
	v3 =	vadd.s32 v1, v3  }
0x389: {  	[tilespmem:s15], [sflag:$0x5] =	stream.indirect_vreg.gather [hbm4b:s7+s4], $0x80, v4, vm0, $0xb8;
	[tilespmem:$0x1F800] =	vst v63  }
0x38a: {  	s15 =	simm.s32 $0x1A800  }
0x38b: {  	[tilespmem:s15], [sflag:$0x5] =	stream.indirect_vreg.gather [hbm4b:s8+s4], $0x80, v4, vm0, $0xb8;
	[tilespmem:$0x1F800] =	vst v63  }
0x38c: {  	s15 =	simm.s32 $0x1B000  }
0x38d: {  	[tilespmem:s15], [sflag:$0x5] =	stream.indirect_vreg.gather [hbm4b:s2+s4], $0x80, v3, vm0, $0xb8;
	[tilespmem:$0x1F800] =	vst v63  }
0x38e: {  	s15 =	simm.s32 $0x1B800  }
0x38f: {  	[tilespmem:s15], [sflag:$0x5] =	stream.indirect_vreg.gather [hbm4b:s7+s4], $0x80, v3, vm0, $0xb8;
	[tilespmem:$0x1F800] =	vst v63  }
0x390: {  	s15 =	simm.s32 $0x1C000  }
0x391: {  	[tilespmem:s15], [sflag:$0x5] =	stream.indirect_vreg.gather [hbm4b:s8+s4], $0x80, v3, vm0, $0xb8;
	[tilespmem:$0x1F800] =	vst v63  }
0x392: {  	v3 =	vld [tilespmem:$0xD10];
	_ =	sdelay $0x4  }
0x393: {  	v31 =	vshrl.u32 v3, $0x3  }
0x394: {  	v4 =	vmul.u32 $0x30, v31  }
0x395: {  	v3 =	vand.u32 $0x7, v3  }
0x396: {  	v3 =	vor.u32 v3, v4  }
0x397: {  	v4 =	vperm.xlane v3, v0;
	_ =	sdelay $0x1  }
0x398: {  	v4 =	vadd.s32 v1, v4;
	_ =	sdelay $0x3  }
0x399: {  	s15 =	simm.s32 $0x1C800;
	v3 =	vperm.xlane v3, v2  }
0x39a: {  	[tilespmem:s15], [sflag:$0x5] =	stream.indirect_vreg.gather [hbm4b:s2+s4], $0x80, v4, vm0, $0xb8;
	[tilespmem:$0x1F800] =	vst v63  }
0x39b: {  	v3 =	vadd.s32 v1, v3;
	s15 =	simm.s32 $0x1D000  }
0x39c: {  	[tilespmem:s15], [sflag:$0x5] =	stream.indirect_vreg.gather [hbm4b:s7+s4], $0x80, v4, vm0, $0xb8;
	[tilespmem:$0x1F800] =	vst v63  }
0x39d: {  	s15 =	simm.s32 $0x1D800  }
0x39e: {  	[tilespmem:s15], [sflag:$0x5] =	stream.indirect_vreg.gather [hbm4b:s8+s4], $0x80, v4, vm0, $0xb8;
	[tilespmem:$0x1F800] =	vst v63  }
0x39f: {  	s15 =	simm.s32 $0x1E000  }
0x3a0: {  	[tilespmem:s15], [sflag:$0x5] =	stream.indirect_vreg.gather [hbm4b:s2+s4], $0x80, v3, vm0, $0xb8;
	[tilespmem:$0x1F800] =	vst v63  }
0x3a1: {  	s15 =	simm.s32 $0x1E800  }
0x3a2: {  	[tilespmem:s15], [sflag:$0x5] =	stream.indirect_vreg.gather [hbm4b:s7+s4], $0x80, v3, vm0, $0xb8;
	[tilespmem:$0x1F800] =	vst v63  }
0x3a3: {  	s15 =	simm.s32 $0x1F000  }
0x3a4: {  	[tilespmem:s15], [sflag:$0x5] =	stream.indirect_vreg.gather [hbm4b:s8+s4], $0x80, v3, vm0, $0xb8;
	[tilespmem:$0x1F800] =	vst v63  }
0x3a5: {  	_ =	swait.ge [sflag:s1], $0x6000  }
0x3a6: {  	[sflag:s1] =	ssyncset.done $0x0  }
0x3a7: {  	s15 =	rddreg [dreg:$0x19];
	[sflag:s1] =	ssyncadd.s32 $0xFFFFA000  }
0x3a8: {  	[hbm4b:s15+s4] =	stream.linear.scatter [tilespmem:s22], [sflag:$0x8], $0x6000, $0x38;
	[tilespmem:$0x1F800] =	vst v63  }
0x3a9: {  	_ =	swait.ge [sflag:s3], $0x6000  }
0x3aa: {  	[sflag:s3] =	ssyncset.done $0x0  }
0x3ab: {  	[sflag:s3] =	ssyncadd.s32 $0xFFFFA000  }
0x3ac: {  	v3 =	vld [tilespmem:$0xD80];
	_ =	sdelay $0x4  }
0x3ad: {  	v32 =	vshrl.u32 v3, $0x3  }
0x3ae: {  	v4 =	vmul.u32 $0x30, v32  }
0x3af: {  	v3 =	vand.u32 $0x7, v3  }
0x3b0: {  	v3 =	vor.u32 v3, v4  }
0x3b1: {  	v4 =	vperm.xlane v3, v0;
	_ =	sdelay $0x1  }
0x3b2: {  	v4 =	vadd.s32 v1, v4;
	_ =	sdelay $0x3  }
0x3b3: {  	v3 =	vperm.xlane v3, v2  }
0x3b4: {  	[tilespmem:s21], [sflag:$0x1] =	stream.indirect_vreg.gather [hbm4b:s2+s4], $0x80, v4, vm0, $0xb8;
	[tilespmem:$0x1F800] =	vst v63  }
0x3b5: {  	s15 =	simm.s32 $0x2000;
	v3 =	vadd.s32 v1, v3  }
0x3b6: {  	[tilespmem:s15], [sflag:$0x1] =	stream.indirect_vreg.gather [hbm4b:s7+s4], $0x80, v4, vm0, $0xb8;
	[tilespmem:$0x1F800] =	vst v63  }
0x3b7: {  	s15 =	simm.s32 $0x2800  }
0x3b8: {  	[tilespmem:s15], [sflag:$0x1] =	stream.indirect_vreg.gather [hbm4b:s8+s4], $0x80, v4, vm0, $0xb8;
	[tilespmem:$0x1F800] =	vst v63  }
0x3b9: {  	s15 =	simm.s32 $0x3000  }
0x3ba: {  	[tilespmem:s15], [sflag:$0x1] =	stream.indirect_vreg.gather [hbm4b:s2+s4], $0x80, v3, vm0, $0xb8;
	[tilespmem:$0x1F800] =	vst v63  }
0x3bb: {  	s15 =	simm.s32 $0x3800  }
0x3bc: {  	[tilespmem:s15], [sflag:$0x1] =	stream.indirect_vreg.gather [hbm4b:s7+s4], $0x80, v3, vm0, $0xb8;
	[tilespmem:$0x1F800] =	vst v63  }
0x3bd: {  	s15 =	simm.s32 $0x4000  }
0x3be: {  	[tilespmem:s15], [sflag:$0x1] =	stream.indirect_vreg.gather [hbm4b:s8+s4], $0x80, v3, vm0, $0xb8;
	[tilespmem:$0x1F800] =	vst v63  }
0x3bf: {  	v3 =	vld [tilespmem:$0xD90];
	_ =	sdelay $0x4  }
0x3c0: {  	v33 =	vshrl.u32 v3, $0x3  }
0x3c1: {  	v4 =	vmul.u32 $0x30, v33  }
0x3c2: {  	v3 =	vand.u32 $0x7, v3  }
0x3c3: {  	v3 =	vor.u32 v3, v4  }
0x3c4: {  	v4 =	vperm.xlane v3, v0;
	_ =	sdelay $0x1  }
0x3c5: {  	v4 =	vadd.s32 v1, v4;
	_ =	sdelay $0x3  }
0x3c6: {  	s15 =	simm.s32 $0x4800;
	v3 =	vperm.xlane v3, v2  }
0x3c7: {  	[tilespmem:s15], [sflag:$0x1] =	stream.indirect_vreg.gather [hbm4b:s2+s4], $0x80, v4, vm0, $0xb8;
	[tilespmem:$0x1F800] =	vst v63  }
0x3c8: {  	v3 =	vadd.s32 v1, v3;
	s15 =	simm.s32 $0x5000  }
0x3c9: {  	[tilespmem:s15], [sflag:$0x1] =	stream.indirect_vreg.gather [hbm4b:s7+s4], $0x80, v4, vm0, $0xb8;
	[tilespmem:$0x1F800] =	vst v63  }
0x3ca: {  	s15 =	simm.s32 $0x5800  }
0x3cb: {  	[tilespmem:s15], [sflag:$0x1] =	stream.indirect_vreg.gather [hbm4b:s8+s4], $0x80, v4, vm0, $0xb8;
	[tilespmem:$0x1F800] =	vst v63  }
0x3cc: {  	s15 =	simm.s32 $0x6000  }
0x3cd: {  	[tilespmem:s15], [sflag:$0x1] =	stream.indirect_vreg.gather [hbm4b:s2+s4], $0x80, v3, vm0, $0xb8;
	[tilespmem:$0x1F800] =	vst v63  }
0x3ce: {  	s15 =	simm.s32 $0x6800  }
0x3cf: {  	[tilespmem:s15], [sflag:$0x1] =	stream.indirect_vreg.gather [hbm4b:s7+s4], $0x80, v3, vm0, $0xb8;
	[tilespmem:$0x1F800] =	vst v63  }
0x3d0: {  	s15 =	simm.s32 $0x7000  }
0x3d1: {  	[tilespmem:s15], [sflag:$0x1] =	stream.indirect_vreg.gather [hbm4b:s8+s4], $0x80, v3, vm0, $0xb8;
	[tilespmem:$0x1F800] =	vst v63  }
0x3d2: {  	_ =	swait.ge [sflag:s10], $0x6000  }
0x3d3: {  	[sflag:s10] =	ssyncset.done $0x0  }
0x3d4: {  	s15 =	rddreg [dreg:$0x1a];
	[sflag:s10] =	ssyncadd.s32 $0xFFFFA000  }
0x3d5: {  	[hbm4b:s15+s4] =	stream.linear.scatter [tilespmem:s23], [sflag:$0x9], $0x6000, $0x38;
	[tilespmem:$0x1F800] =	vst v63  }
0x3d6: {  	_ =	swait.ge [sflag:s28], $0x6000  }
0x3d7: {  	[sflag:s28] =	ssyncset.done $0x0  }
0x3d8: {  	[sflag:s28] =	ssyncadd.s32 $0xFFFFA000  }
0x3d9: {  	v3 =	vld [tilespmem:$0xE00];
	_ =	sdelay $0x4  }
0x3da: {  	v34 =	vshrl.u32 v3, $0x3  }
0x3db: {  	v4 =	vmul.u32 $0x30, v34  }
0x3dc: {  	v3 =	vand.u32 $0x7, v3  }
0x3dd: {  	v3 =	vor.u32 v3, v4  }
0x3de: {  	v4 =	vperm.xlane v3, v0;
	_ =	sdelay $0x1  }
0x3df: {  	v4 =	vadd.s32 v1, v4;
	_ =	sdelay $0x3  }
0x3e0: {  	v3 =	vperm.xlane v3, v2  }
0x3e1: {  	[tilespmem:s11], [sflag:$0x2] =	stream.indirect_vreg.gather [hbm4b:s2+s4], $0x80, v4, vm0, $0xb8;
	[tilespmem:$0x1F800] =	vst v63  }
0x3e2: {  	s15 =	simm.s32 $0x8000;
	v3 =	vadd.s32 v1, v3  }
0x3e3: {  	[tilespmem:s15], [sflag:$0x2] =	stream.indirect_vreg.gather [hbm4b:s7+s4], $0x80, v4, vm0, $0xb8;
	[tilespmem:$0x1F800] =	vst v63  }
0x3e4: {  	s15 =	simm.s32 $0x8800  }
0x3e5: {  	[tilespmem:s15], [sflag:$0x2] =	stream.indirect_vreg.gather [hbm4b:s8+s4], $0x80, v4, vm0, $0xb8;
	[tilespmem:$0x1F800] =	vst v63  }
0x3e6: {  	s15 =	simm.s32 $0x9000  }
0x3e7: {  	[tilespmem:s15], [sflag:$0x2] =	stream.indirect_vreg.gather [hbm4b:s2+s4], $0x80, v3, vm0, $0xb8;
	[tilespmem:$0x1F800] =	vst v63  }
0x3e8: {  	s15 =	simm.s32 $0x9800  }
0x3e9: {  	[tilespmem:s15], [sflag:$0x2] =	stream.indirect_vreg.gather [hbm4b:s7+s4], $0x80, v3, vm0, $0xb8;
	[tilespmem:$0x1F800] =	vst v63  }
0x3ea: {  	s15 =	simm.s32 $0xA000  }
0x3eb: {  	[tilespmem:s15], [sflag:$0x2] =	stream.indirect_vreg.gather [hbm4b:s8+s4], $0x80, v3, vm0, $0xb8;
	[tilespmem:$0x1F800] =	vst v63  }
0x3ec: {  	v3 =	vld [tilespmem:$0xE10];
	_ =	sdelay $0x4  }
0x3ed: {  	v35 =	vshrl.u32 v3, $0x3  }
0x3ee: {  	v4 =	vmul.u32 $0x30, v35  }
0x3ef: {  	v3 =	vand.u32 $0x7, v3  }
0x3f0: {  	v3 =	vor.u32 v3, v4  }
0x3f1: {  	v4 =	vperm.xlane v3, v0;
	_ =	sdelay $0x1  }
0x3f2: {  	v4 =	vadd.s32 v1, v4;
	_ =	sdelay $0x3  }
0x3f3: {  	s15 =	simm.s32 $0xA800;
	v3 =	vperm.xlane v3, v2  }
0x3f4: {  	[tilespmem:s15], [sflag:$0x2] =	stream.indirect_vreg.gather [hbm4b:s2+s4], $0x80, v4, vm0, $0xb8;
	[tilespmem:$0x1F800] =	vst v63  }
0x3f5: {  	v3 =	vadd.s32 v1, v3;
	s15 =	simm.s32 $0xB000  }
0x3f6: {  	[tilespmem:s15], [sflag:$0x2] =	stream.indirect_vreg.gather [hbm4b:s7+s4], $0x80, v4, vm0, $0xb8;
	[tilespmem:$0x1F800] =	vst v63  }
0x3f7: {  	s15 =	simm.s32 $0xB800  }
0x3f8: {  	[tilespmem:s15], [sflag:$0x2] =	stream.indirect_vreg.gather [hbm4b:s8+s4], $0x80, v4, vm0, $0xb8;
	[tilespmem:$0x1F800] =	vst v63  }
0x3f9: {  	s15 =	simm.s32 $0xC000  }
0x3fa: {  	[tilespmem:s15], [sflag:$0x2] =	stream.indirect_vreg.gather [hbm4b:s2+s4], $0x80, v3, vm0, $0xb8;
	[tilespmem:$0x1F800] =	vst v63  }
0x3fb: {  	s15 =	simm.s32 $0xC800  }
0x3fc: {  	[tilespmem:s15], [sflag:$0x2] =	stream.indirect_vreg.gather [hbm4b:s7+s4], $0x80, v3, vm0, $0xb8;
	[tilespmem:$0x1F800] =	vst v63  }
0x3fd: {  	s15 =	simm.s32 $0xD000  }
0x3fe: {  	[tilespmem:s15], [sflag:$0x2] =	stream.indirect_vreg.gather [hbm4b:s8+s4], $0x80, v3, vm0, $0xb8;
	[tilespmem:$0x1F800] =	vst v63  }
0x3ff: {  	_ =	swait.ge [sflag:s12], $0x6000  }
0x400: {  	[sflag:s12] =	ssyncset.done $0x0  }
0x401: {  	s15 =	rddreg [dreg:$0x1b];
	[sflag:s12] =	ssyncadd.s32 $0xFFFFA000  }
0x402: {  	[hbm4b:s15+s4] =	stream.linear.scatter [tilespmem:s25], [sflag:$0xA], $0x6000, $0x38;
	[tilespmem:$0x1F800] =	vst v63  }
0x403: {  	_ =	swait.ge [sflag:s13], $0x6000  }
0x404: {  	[sflag:s13] =	ssyncset.done $0x0  }
0x405: {  	[sflag:s13] =	ssyncadd.s32 $0xFFFFA000  }
0x406: {  	v3 =	vld [tilespmem:$0xE80];
	_ =	sdelay $0x4  }
0x407: {  	v36 =	vshrl.u32 v3, $0x3  }
0x408: {  	v4 =	vmul.u32 $0x30, v36  }
0x409: {  	v3 =	vand.u32 $0x7, v3  }
0x40a: {  	v3 =	vor.u32 v3, v4  }
0x40b: {  	v4 =	vperm.xlane v3, v0;
	_ =	sdelay $0x1  }
0x40c: {  	v4 =	vadd.s32 v1, v4;
	_ =	sdelay $0x3  }
0x40d: {  	v3 =	vperm.xlane v3, v2  }
0x40e: {  	[tilespmem:s22], [sflag:$0x3] =	stream.indirect_vreg.gather [hbm4b:s2+s4], $0x80, v4, vm0, $0xb8;
	[tilespmem:$0x1F800] =	vst v63  }
0x40f: {  	s18 =	simm.s32 $0xE000;
	v3 =	vadd.s32 v1, v3  }
0x410: {  	[tilespmem:s18], [sflag:$0x3] =	stream.indirect_vreg.gather [hbm4b:s7+s4], $0x80, v4, vm0, $0xb8;
	[tilespmem:$0x1F800] =	vst v63  }
0x411: {  	s19 =	simm.s32 $0xE800  }
0x412: {  	[tilespmem:s19], [sflag:$0x3] =	stream.indirect_vreg.gather [hbm4b:s8+s4], $0x80, v4, vm0, $0xb8;
	[tilespmem:$0x1F800] =	vst v63  }
0x413: {  	_ = 	snop  }
0x414: {  	[tilespmem:s9], [sflag:$0x3] =	stream.indirect_vreg.gather [hbm4b:s2+s4], $0x80, v3, vm0, $0xb8;
	[tilespmem:$0x1F800] =	vst v63  }
0x415: {  	s19 =	simm.s32 $0xF800  }
0x416: {  	[tilespmem:s19], [sflag:$0x3] =	stream.indirect_vreg.gather [hbm4b:s7+s4], $0x80, v3, vm0, $0xb8;
	[tilespmem:$0x1F800] =	vst v63  }
0x417: {  	s18 =	simm.s32 $0x10000  }
0x418: {  	[tilespmem:s18], [sflag:$0x3] =	stream.indirect_vreg.gather [hbm4b:s8+s4], $0x80, v3, vm0, $0xb8;
	[tilespmem:$0x1F800] =	vst v63  }
0x419: {  	v3 =	vld [tilespmem:$0xE90];
	_ =	sdelay $0x4  }
0x41a: {  	v37 =	vshrl.u32 v3, $0x3  }
0x41b: {  	v4 =	vmul.u32 $0x30, v37  }
0x41c: {  	v3 =	vand.u32 $0x7, v3  }
0x41d: {  	v3 =	vor.u32 v3, v4  }
0x41e: {  	v4 =	vperm.xlane v3, v0;
	_ =	sdelay $0x1  }
0x41f: {  	v4 =	vadd.s32 v1, v4;
	_ =	sdelay $0x3  }
0x420: {  	s19 =	simm.s32 $0x10800;
	v3 =	vperm.xlane v3, v2  }
0x421: {  	[tilespmem:s19], [sflag:$0x3] =	stream.indirect_vreg.gather [hbm4b:s2+s4], $0x80, v4, vm0, $0xb8;
	[tilespmem:$0x1F800] =	vst v63  }
0x422: {  	s18 =	simm.s32 $0x11000;
	v3 =	vadd.s32 v1, v3  }
0x423: {  	[tilespmem:s18], [sflag:$0x3] =	stream.indirect_vreg.gather [hbm4b:s7+s4], $0x80, v4, vm0, $0xb8;
	[tilespmem:$0x1F800] =	vst v63  }
0x424: {  	s19 =	simm.s32 $0x11800  }
0x425: {  	[tilespmem:s19], [sflag:$0x3] =	stream.indirect_vreg.gather [hbm4b:s8+s4], $0x80, v4, vm0, $0xb8;
	[tilespmem:$0x1F800] =	vst v63  }
0x426: {  	s18 =	simm.s32 $0x12000  }
0x427: {  	[tilespmem:s18], [sflag:$0x3] =	stream.indirect_vreg.gather [hbm4b:s2+s4], $0x80, v3, vm0, $0xb8;
	[tilespmem:$0x1F800] =	vst v63  }
0x428: {  	s19 =	simm.s32 $0x12800  }
0x429: {  	[tilespmem:s19], [sflag:$0x3] =	stream.indirect_vreg.gather [hbm4b:s7+s4], $0x80, v3, vm0, $0xb8;
	[tilespmem:$0x1F800] =	vst v63  }
0x42a: {  	s18 =	simm.s32 $0x13000  }
0x42b: {  	[tilespmem:s18], [sflag:$0x3] =	stream.indirect_vreg.gather [hbm4b:s8+s4], $0x80, v3, vm0, $0xb8;
	[tilespmem:$0x1F800] =	vst v63  }
0x42c: {  	_ =	swait.ge [sflag:s29], $0x6000  }
0x42d: {  	[sflag:s29] =	ssyncset.done $0x0  }
0x42e: {  	s19 =	rddreg [dreg:$0x1c];
	[sflag:s29] =	ssyncadd.s32 $0xFFFFA000  }
0x42f: {  	[hbm4b:s19+s4] =	stream.linear.scatter [tilespmem:s21], [sflag:$0x6], $0x6000, $0x38;
	[tilespmem:$0x1F800] =	vst v63  }
0x430: {  	_ =	swait.ge [sflag:s14], $0x6000  }
0x431: {  	[sflag:s14] =	ssyncset.done $0x0  }
0x432: {  	[sflag:s14] =	ssyncadd.s32 $0xFFFFA000  }
0x433: {  	v3 =	vld [tilespmem:$0xF00];
	_ =	sdelay $0x4  }
0x434: {  	v38 =	vshrl.u32 v3, $0x3  }
0x435: {  	v4 =	vmul.u32 $0x30, v38  }
0x436: {  	v3 =	vand.u32 $0x7, v3  }
0x437: {  	v3 =	vor.u32 v3, v4  }
0x438: {  	v4 =	vperm.xlane v3, v0;
	_ =	sdelay $0x1  }
0x439: {  	v4 =	vadd.s32 v1, v4;
	_ =	sdelay $0x3  }
0x43a: {  	v3 =	vperm.xlane v3, v2  }
0x43b: {  	[tilespmem:s23], [sflag:$0x4] =	stream.indirect_vreg.gather [hbm4b:s2+s4], $0x80, v4, vm0, $0xb8;
	[tilespmem:$0x1F800] =	vst v63  }
0x43c: {  	s18 =	simm.s32 $0x14000;
	v3 =	vadd.s32 v1, v3  }
0x43d: {  	[tilespmem:s18], [sflag:$0x4] =	stream.indirect_vreg.gather [hbm4b:s7+s4], $0x80, v4, vm0, $0xb8;
	[tilespmem:$0x1F800] =	vst v63  }
0x43e: {  	s24 =	simm.s32 $0x14800  }
0x43f: {  	[tilespmem:s24], [sflag:$0x4] =	stream.indirect_vreg.gather [hbm4b:s8+s4], $0x80, v4, vm0, $0xb8;
	[tilespmem:$0x1F800] =	vst v63  }
0x440: {  	s30 =	simm.s32 $0x15000  }
0x441: {  	[tilespmem:s30], [sflag:$0x4] =	stream.indirect_vreg.gather [hbm4b:s2+s4], $0x80, v3, vm0, $0xb8;
	[tilespmem:$0x1F800] =	vst v63  }
0x442: {  	s19 =	simm.s32 $0x15800  }
0x443: {  	[tilespmem:s19], [sflag:$0x4] =	stream.indirect_vreg.gather [hbm4b:s7+s4], $0x80, v3, vm0, $0xb8;
	[tilespmem:$0x1F800] =	vst v63  }
0x444: {  	s24 =	simm.s32 $0x16000  }
0x445: {  	[tilespmem:s24], [sflag:$0x4] =	stream.indirect_vreg.gather [hbm4b:s8+s4], $0x80, v3, vm0, $0xb8;
	[tilespmem:$0x1F800] =	vst v63  }
0x446: {  	v3 =	vld [tilespmem:$0xF10];
	_ =	sdelay $0x4  }
0x447: {  	v39 =	vshrl.u32 v3, $0x3  }
0x448: {  	v4 =	vmul.u32 $0x30, v39  }
0x449: {  	v3 =	vand.u32 $0x7, v3  }
0x44a: {  	v3 =	vor.u32 v3, v4  }
0x44b: {  	v4 =	vperm.xlane v3, v0;
	_ =	sdelay $0x1  }
0x44c: {  	v4 =	vadd.s32 v1, v4;
	_ =	sdelay $0x3  }
0x44d: {  	s30 =	simm.s32 $0x16800;
	v3 =	vperm.xlane v3, v2  }
0x44e: {  	[tilespmem:s30], [sflag:$0x4] =	stream.indirect_vreg.gather [hbm4b:s2+s4], $0x80, v4, vm0, $0xb8;
	[tilespmem:$0x1F800] =	vst v63  }
0x44f: {  	s16 =	simm.s32 $0x17000;
	v3 =	vadd.s32 v1, v3  }
0x450: {  	[tilespmem:s16], [sflag:$0x4] =	stream.indirect_vreg.gather [hbm4b:s7+s4], $0x80, v4, vm0, $0xb8;
	[tilespmem:$0x1F800] =	vst v63  }
0x451: {  	s17 =	simm.s32 $0x17800  }
0x452: {  	[tilespmem:s17], [sflag:$0x4] =	stream.indirect_vreg.gather [hbm4b:s8+s4], $0x80, v4, vm0, $0xb8;
	[tilespmem:$0x1F800] =	vst v63  }
0x453: {  	s18 =	simm.s32 $0x18000  }
0x454: {  	[tilespmem:s18], [sflag:$0x4] =	stream.indirect_vreg.gather [hbm4b:s2+s4], $0x80, v3, vm0, $0xb8;
	[tilespmem:$0x1F800] =	vst v63  }
0x455: {  	s26 =	simm.s32 $0x18800  }
0x456: {  	[tilespmem:s26], [sflag:$0x4] =	stream.indirect_vreg.gather [hbm4b:s7+s4], $0x80, v3, vm0, $0xb8;
	[tilespmem:$0x1F800] =	vst v63  }
0x457: {  	s19 =	simm.s32 $0x19000  }
0x458: {  	[tilespmem:s19], [sflag:$0x4] =	stream.indirect_vreg.gather [hbm4b:s8+s4], $0x80, v3, vm0, $0xb8;
	[tilespmem:$0x1F800] =	vst v63  }
0x459: {  	_ =	swait.ge [sflag:s31], $0x6000  }
0x45a: {  	[sflag:s31] =	ssyncset.done $0x0  }
0x45b: {  	s24 =	rddreg [dreg:$0x1d];
	[sflag:s31] =	ssyncadd.s32 $0xFFFFA000  }
0x45c: {  	[hbm4b:s24+s4] =	stream.linear.scatter [tilespmem:s11], [sflag:$0x7], $0x6000, $0x38;
	[tilespmem:$0x1F800] =	vst v63  }
0x45d: {  	_ =	swait.ge [sflag:s20], $0x6000  }
0x45e: {  	[sflag:s20] =	ssyncset.done $0x0  }
0x45f: {  	[sflag:s20] =	ssyncadd.s32 $0xFFFFA000  }
0x460: {  	v3 =	vld [tilespmem:$0xF80];
	_ =	sdelay $0x4  }
0x461: {  	v40 =	vshrl.u32 v3, $0x3  }
0x462: {  	v4 =	vmul.u32 $0x30, v40  }
0x463: {  	v3 =	vand.u32 $0x7, v3  }
0x464: {  	v3 =	vor.u32 v3, v4  }
0x465: {  	v4 =	vperm.xlane v3, v0;
	_ =	sdelay $0x1  }
0x466: {  	v4 =	vadd.s32 v1, v4;
	_ =	sdelay $0x3  }
0x467: {  	v3 =	vperm.xlane v3, v2  }
0x468: {  	[tilespmem:s25], [sflag:$0x5] =	stream.indirect_vreg.gather [hbm4b:s2+s4], $0x80, v4, vm0, $0xb8;
	[tilespmem:$0x1F800] =	vst v63  }
0x469: {  	s26 =	simm.s32 $0x1A000;
	v3 =	vadd.s32 v1, v3  }
0x46a: {  	[tilespmem:s26], [sflag:$0x5] =	stream.indirect_vreg.gather [hbm4b:s7+s4], $0x80, v4, vm0, $0xb8;
	[tilespmem:$0x1F800] =	vst v63  }
0x46b: {  	s30 =	simm.s32 $0x1A800  }
0x46c: {  	[tilespmem:s30], [sflag:$0x5] =	stream.indirect_vreg.gather [hbm4b:s8+s4], $0x80, v4, vm0, $0xb8;
	[tilespmem:$0x1F800] =	vst v63  }
0x46d: {  	s16 =	simm.s32 $0x1B000  }
0x46e: {  	[tilespmem:s16], [sflag:$0x5] =	stream.indirect_vreg.gather [hbm4b:s2+s4], $0x80, v3, vm0, $0xb8;
	[tilespmem:$0x1F800] =	vst v63  }
0x46f: {  	s17 =	simm.s32 $0x1B800  }
0x470: {  	[tilespmem:s17], [sflag:$0x5] =	stream.indirect_vreg.gather [hbm4b:s7+s4], $0x80, v3, vm0, $0xb8;
	[tilespmem:$0x1F800] =	vst v63  }
0x471: {  	s18 =	simm.s32 $0x1C000  }
0x472: {  	[tilespmem:s18], [sflag:$0x5] =	stream.indirect_vreg.gather [hbm4b:s8+s4], $0x80, v3, vm0, $0xb8;
	[tilespmem:$0x1F800] =	vst v63  }
0x473: {  	v3 =	vld [tilespmem:$0xF90];
	_ =	sdelay $0x4  }
0x474: {  	v41 =	vshrl.u32 v3, $0x3  }
0x475: {  	v4 =	vmul.u32 $0x30, v41  }
0x476: {  	v3 =	vand.u32 $0x7, v3  }
0x477: {  	v3 =	vor.u32 v3, v4  }
0x478: {  	v4 =	vperm.xlane v3, v0;
	_ =	sdelay $0x1  }
0x479: {  	v4 =	vadd.s32 v1, v4;
	_ =	sdelay $0x3  }
0x47a: {  	s19 =	simm.s32 $0x1C800;
	v3 =	vperm.xlane v3, v2  }
0x47b: {  	[tilespmem:s19], [sflag:$0x5] =	stream.indirect_vreg.gather [hbm4b:s2+s4], $0x80, v4, vm0, $0xb8;
	[tilespmem:$0x1F800] =	vst v63  }
0x47c: {  	s24 =	simm.s32 $0x1D000;
	v3 =	vadd.s32 v1, v3  }
0x47d: {  	[tilespmem:s24], [sflag:$0x5] =	stream.indirect_vreg.gather [hbm4b:s7+s4], $0x80, v4, vm0, $0xb8;
	[tilespmem:$0x1F800] =	vst v63  }
0x47e: {  	s26 =	simm.s32 $0x1D800  }
0x47f: {  	[tilespmem:s26], [sflag:$0x5] =	stream.indirect_vreg.gather [hbm4b:s8+s4], $0x80, v4, vm0, $0xb8;
	[tilespmem:$0x1F800] =	vst v63  }
0x480: {  	s30 =	simm.s32 $0x1E000  }
0x481: {  	[tilespmem:s30], [sflag:$0x5] =	stream.indirect_vreg.gather [hbm4b:s2+s4], $0x80, v3, vm0, $0xb8;
	[tilespmem:$0x1F800] =	vst v63  }
0x482: {  	s16 =	simm.s32 $0x1E800  }
0x483: {  	[tilespmem:s16], [sflag:$0x5] =	stream.indirect_vreg.gather [hbm4b:s7+s4], $0x80, v3, vm0, $0xb8;
	[tilespmem:$0x1F800] =	vst v63  }
0x484: {  	s17 =	simm.s32 $0x1F000  }
0x485: {  	[tilespmem:s17], [sflag:$0x5] =	stream.indirect_vreg.gather [hbm4b:s8+s4], $0x80, v3, vm0, $0xb8;
	[tilespmem:$0x1F800] =	vst v63  }
0x486: {  	_ =	swait.ge [sflag:s1], $0x6000  }
0x487: {  	[sflag:s1] =	ssyncset.done $0x0  }
0x488: {  	s18 =	rddreg [dreg:$0x1e];
	[sflag:s1] =	ssyncadd.s32 $0xFFFFA000  }
0x489: {  	[hbm4b:s18+s4] =	stream.linear.scatter [tilespmem:s22], [sflag:$0x8], $0x6000, $0x38;
	[tilespmem:$0x1F800] =	vst v63  }
0x48a: {  	_ =	swait.ge [sflag:s3], $0x6000  }
0x48b: {  	[sflag:s3] =	ssyncset.done $0x0  }
0x48c: {  	[sflag:s3] =	ssyncadd.s32 $0xFFFFA000  }
0x48d: {  	v3 =	vld [tilespmem:$0x1000];
	_ =	sdelay $0x4  }
0x48e: {  	v42 =	vshrl.u32 v3, $0x3  }
0x48f: {  	v4 =	vmul.u32 $0x30, v42  }
0x490: {  	v3 =	vand.u32 $0x7, v3  }
0x491: {  	v3 =	vor.u32 v3, v4  }
0x492: {  	v4 =	vperm.xlane v3, v0;
	_ =	sdelay $0x1  }
0x493: {  	v4 =	vadd.s32 v1, v4;
	_ =	sdelay $0x3  }
0x494: {  	v3 =	vperm.xlane v3, v2  }
0x495: {  	[tilespmem:s21], [sflag:$0x1] =	stream.indirect_vreg.gather [hbm4b:s2+s4], $0x80, v4, vm0, $0xb8;
	[tilespmem:$0x1F800] =	vst v63  }
0x496: {  	s19 =	simm.s32 $0x2000;
	v3 =	vadd.s32 v1, v3  }
0x497: {  	[tilespmem:s19], [sflag:$0x1] =	stream.indirect_vreg.gather [hbm4b:s7+s4], $0x80, v4, vm0, $0xb8;
	[tilespmem:$0x1F800] =	vst v63  }
0x498: {  	s24 =	simm.s32 $0x2800  }
0x499: {  	[tilespmem:s24], [sflag:$0x1] =	stream.indirect_vreg.gather [hbm4b:s8+s4], $0x80, v4, vm0, $0xb8;
	[tilespmem:$0x1F800] =	vst v63  }
0x49a: {  	s26 =	simm.s32 $0x3000  }
0x49b: {  	[tilespmem:s26], [sflag:$0x1] =	stream.indirect_vreg.gather [hbm4b:s2+s4], $0x80, v3, vm0, $0xb8;
	[tilespmem:$0x1F800] =	vst v63  }
0x49c: {  	s30 =	simm.s32 $0x3800  }
0x49d: {  	[tilespmem:s30], [sflag:$0x1] =	stream.indirect_vreg.gather [hbm4b:s7+s4], $0x80, v3, vm0, $0xb8;
	[tilespmem:$0x1F800] =	vst v63  }
0x49e: {  	s16 =	simm.s32 $0x4000  }
0x49f: {  	[tilespmem:s16], [sflag:$0x1] =	stream.indirect_vreg.gather [hbm4b:s8+s4], $0x80, v3, vm0, $0xb8;
	[tilespmem:$0x1F800] =	vst v63  }
0x4a0: {  	v3 =	vld [tilespmem:$0x1010];
	_ =	sdelay $0x4  }
0x4a1: {  	v43 =	vshrl.u32 v3, $0x3  }
0x4a2: {  	v4 =	vmul.u32 $0x30, v43  }
0x4a3: {  	v3 =	vand.u32 $0x7, v3  }
0x4a4: {  	v3 =	vor.u32 v3, v4  }
0x4a5: {  	v4 =	vperm.xlane v3, v0;
	_ =	sdelay $0x1  }
0x4a6: {  	v4 =	vadd.s32 v1, v4;
	_ =	sdelay $0x3  }
0x4a7: {  	s17 =	simm.s32 $0x4800;
	v3 =	vperm.xlane v3, v2  }
0x4a8: {  	[tilespmem:s17], [sflag:$0x1] =	stream.indirect_vreg.gather [hbm4b:s2+s4], $0x80, v4, vm0, $0xb8;
	[tilespmem:$0x1F800] =	vst v63  }
0x4a9: {  	s18 =	simm.s32 $0x5000;
	v3 =	vadd.s32 v1, v3  }
0x4aa: {  	[tilespmem:s18], [sflag:$0x1] =	stream.indirect_vreg.gather [hbm4b:s7+s4], $0x80, v4, vm0, $0xb8;
	[tilespmem:$0x1F800] =	vst v63  }
0x4ab: {  	s19 =	simm.s32 $0x5800  }
0x4ac: {  	[tilespmem:s19], [sflag:$0x1] =	stream.indirect_vreg.gather [hbm4b:s8+s4], $0x80, v4, vm0, $0xb8;
	[tilespmem:$0x1F800] =	vst v63  }
0x4ad: {  	s24 =	simm.s32 $0x6000  }
0x4ae: {  	[tilespmem:s24], [sflag:$0x1] =	stream.indirect_vreg.gather [hbm4b:s2+s4], $0x80, v3, vm0, $0xb8;
	[tilespmem:$0x1F800] =	vst v63  }
0x4af: {  	s26 =	simm.s32 $0x6800  }
0x4b0: {  	[tilespmem:s26], [sflag:$0x1] =	stream.indirect_vreg.gather [hbm4b:s7+s4], $0x80, v3, vm0, $0xb8;
	[tilespmem:$0x1F800] =	vst v63  }
0x4b1: {  	s30 =	simm.s32 $0x7000  }
0x4b2: {  	[tilespmem:s30], [sflag:$0x1] =	stream.indirect_vreg.gather [hbm4b:s8+s4], $0x80, v3, vm0, $0xb8;
	[tilespmem:$0x1F800] =	vst v63  }
0x4b3: {  	_ =	swait.ge [sflag:s10], $0x6000  }
0x4b4: {  	[sflag:s10] =	ssyncset.done $0x0  }
0x4b5: {  	s16 =	rddreg [dreg:$0x1f];
	[sflag:s10] =	ssyncadd.s32 $0xFFFFA000  }
0x4b6: {  	[hbm4b:s16+s4] =	stream.linear.scatter [tilespmem:s23], [sflag:$0x9], $0x6000, $0x38;
	[tilespmem:$0x1F800] =	vst v63  }
0x4b7: {  	_ =	swait.ge [sflag:s28], $0x6000  }
0x4b8: {  	[sflag:s28] =	ssyncset.done $0x0  }
0x4b9: {  	[sflag:s28] =	ssyncadd.s32 $0xFFFFA000  }
0x4ba: {  	v3 =	vld [tilespmem:$0x1080];
	_ =	sdelay $0x4  }
0x4bb: {  	v44 =	vshrl.u32 v3, $0x3  }
0x4bc: {  	v4 =	vmul.u32 $0x30, v44  }
0x4bd: {  	v3 =	vand.u32 $0x7, v3  }
0x4be: {  	v3 =	vor.u32 v3, v4  }
0x4bf: {  	v4 =	vperm.xlane v3, v0;
	_ =	sdelay $0x1  }
0x4c0: {  	v4 =	vadd.s32 v1, v4;
	_ =	sdelay $0x3  }
0x4c1: {  	v3 =	vperm.xlane v3, v2  }
0x4c2: {  	[tilespmem:s11], [sflag:$0x2] =	stream.indirect_vreg.gather [hbm4b:s2+s4], $0x80, v4, vm0, $0xb8;
	[tilespmem:$0x1F800] =	vst v63  }
0x4c3: {  	s17 =	simm.s32 $0x8000;
	v3 =	vadd.s32 v1, v3  }
0x4c4: {  	[tilespmem:s17], [sflag:$0x2] =	stream.indirect_vreg.gather [hbm4b:s7+s4], $0x80, v4, vm0, $0xb8;
	[tilespmem:$0x1F800] =	vst v63  }
0x4c5: {  	s18 =	simm.s32 $0x8800  }
0x4c6: {  	[tilespmem:s18], [sflag:$0x2] =	stream.indirect_vreg.gather [hbm4b:s8+s4], $0x80, v4, vm0, $0xb8;
	[tilespmem:$0x1F800] =	vst v63  }
0x4c7: {  	s19 =	simm.s32 $0x9000  }
0x4c8: {  	[tilespmem:s19], [sflag:$0x2] =	stream.indirect_vreg.gather [hbm4b:s2+s4], $0x80, v3, vm0, $0xb8;
	[tilespmem:$0x1F800] =	vst v63  }
0x4c9: {  	s24 =	simm.s32 $0x9800  }
0x4ca: {  	[tilespmem:s24], [sflag:$0x2] =	stream.indirect_vreg.gather [hbm4b:s7+s4], $0x80, v3, vm0, $0xb8;
	[tilespmem:$0x1F800] =	vst v63  }
0x4cb: {  	s26 =	simm.s32 $0xA000  }
0x4cc: {  	[tilespmem:s26], [sflag:$0x2] =	stream.indirect_vreg.gather [hbm4b:s8+s4], $0x80, v3, vm0, $0xb8;
	[tilespmem:$0x1F800] =	vst v63  }
0x4cd: {  	v3 =	vld [tilespmem:$0x1090];
	_ =	sdelay $0x4  }
0x4ce: {  	v45 =	vshrl.u32 v3, $0x3  }
0x4cf: {  	v4 =	vmul.u32 $0x30, v45  }
0x4d0: {  	v3 =	vand.u32 $0x7, v3  }
0x4d1: {  	v3 =	vor.u32 v3, v4  }
0x4d2: {  	v4 =	vperm.xlane v3, v0;
	_ =	sdelay $0x1  }
0x4d3: {  	v4 =	vadd.s32 v1, v4;
	_ =	sdelay $0x3  }
0x4d4: {  	s30 =	simm.s32 $0xA800;
	v3 =	vperm.xlane v3, v2  }
0x4d5: {  	[tilespmem:s30], [sflag:$0x2] =	stream.indirect_vreg.gather [hbm4b:s2+s4], $0x80, v4, vm0, $0xb8;
	[tilespmem:$0x1F800] =	vst v63  }
0x4d6: {  	s24 =	simm.s32 $0xB000;
	v3 =	vadd.s32 v1, v3  }
0x4d7: {  	[tilespmem:s24], [sflag:$0x2] =	stream.indirect_vreg.gather [hbm4b:s7+s4], $0x80, v4, vm0, $0xb8;
	[tilespmem:$0x1F800] =	vst v63  }
0x4d8: {  	s26 =	simm.s32 $0xB800  }
0x4d9: {  	[tilespmem:s26], [sflag:$0x2] =	stream.indirect_vreg.gather [hbm4b:s8+s4], $0x80, v4, vm0, $0xb8;
	[tilespmem:$0x1F800] =	vst v63  }
0x4da: {  	s30 =	simm.s32 $0xC000  }
0x4db: {  	[tilespmem:s30], [sflag:$0x2] =	stream.indirect_vreg.gather [hbm4b:s2+s4], $0x80, v3, vm0, $0xb8;
	[tilespmem:$0x1F800] =	vst v63  }
0x4dc: {  	s15 =	simm.s32 $0xC800  }
0x4dd: {  	[tilespmem:s15], [sflag:$0x2] =	stream.indirect_vreg.gather [hbm4b:s7+s4], $0x80, v3, vm0, $0xb8;
	[tilespmem:$0x1F800] =	vst v63  }
0x4de: {  	s15 =	simm.s32 $0xD000  }
0x4df: {  	[tilespmem:s15], [sflag:$0x2] =	stream.indirect_vreg.gather [hbm4b:s8+s4], $0x80, v3, vm0, $0xb8;
	[tilespmem:$0x1F800] =	vst v63  }
0x4e0: {  	_ =	swait.ge [sflag:s12], $0x6000  }
0x4e1: {  	s15 =	sld [smem:$0x7F1]  }
0x4e2: {  	[sflag:s12] =	ssyncset.done $0x0  }
0x4e3: {  	[sflag:s12] =	ssyncadd.s32 $0xFFFFA000  }
0x4e4: {  	[hbm4b:s15+s4] =	stream.linear.scatter [tilespmem:s25], [sflag:$0xA], $0x6000, $0x38;
	[tilespmem:$0x1F800] =	vst v63  }
0x4e5: {  	_ =	swait.ge [sflag:s13], $0x6000  }
0x4e6: {  	[sflag:s13] =	ssyncset.done $0x0  }
0x4e7: {  	[sflag:s13] =	ssyncadd.s32 $0xFFFFA000  }
0x4e8: {  	v3 =	vld [tilespmem:$0x1100];
	_ =	sdelay $0x4  }
0x4e9: {  	v46 =	vshrl.u32 v3, $0x3  }
0x4ea: {  	v4 =	vmul.u32 $0x30, v46  }
0x4eb: {  	v3 =	vand.u32 $0x7, v3  }
0x4ec: {  	v3 =	vor.u32 v3, v4  }
0x4ed: {  	v4 =	vperm.xlane v3, v0;
	_ =	sdelay $0x1  }
0x4ee: {  	v4 =	vadd.s32 v1, v4;
	_ =	sdelay $0x3  }
0x4ef: {  	v3 =	vperm.xlane v3, v2  }
0x4f0: {  	[tilespmem:s22], [sflag:$0x3] =	stream.indirect_vreg.gather [hbm4b:s2+s4], $0x80, v4, vm0, $0xb8;
	[tilespmem:$0x1F800] =	vst v63  }
0x4f1: {  	s15 =	simm.s32 $0xE000;
	v3 =	vadd.s32 v1, v3  }
0x4f2: {  	[tilespmem:s15], [sflag:$0x3] =	stream.indirect_vreg.gather [hbm4b:s7+s4], $0x80, v4, vm0, $0xb8;
	[tilespmem:$0x1F800] =	vst v63  }
0x4f3: {  	s15 =	simm.s32 $0xE800  }
0x4f4: {  	[tilespmem:s15], [sflag:$0x3] =	stream.indirect_vreg.gather [hbm4b:s8+s4], $0x80, v4, vm0, $0xb8;
	[tilespmem:$0x1F800] =	vst v63  }
0x4f5: {  	s9 =	simm.s32 $0xF000  }
0x4f6: {  	[tilespmem:s9], [sflag:$0x3] =	stream.indirect_vreg.gather [hbm4b:s2+s4], $0x80, v3, vm0, $0xb8;
	[tilespmem:$0x1F800] =	vst v63  }
0x4f7: {  	s15 =	simm.s32 $0xF800  }
0x4f8: {  	[tilespmem:s15], [sflag:$0x3] =	stream.indirect_vreg.gather [hbm4b:s7+s4], $0x80, v3, vm0, $0xb8;
	[tilespmem:$0x1F800] =	vst v63  }
0x4f9: {  	s15 =	simm.s32 $0x10000  }
0x4fa: {  	[tilespmem:s15], [sflag:$0x3] =	stream.indirect_vreg.gather [hbm4b:s8+s4], $0x80, v3, vm0, $0xb8;
	[tilespmem:$0x1F800] =	vst v63  }
0x4fb: {  	v3 =	vld [tilespmem:$0x1110];
	_ =	sdelay $0x4  }
0x4fc: {  	v47 =	vshrl.u32 v3, $0x3  }
0x4fd: {  	v4 =	vmul.u32 $0x30, v47  }
0x4fe: {  	v3 =	vand.u32 $0x7, v3  }
0x4ff: {  	v3 =	vor.u32 v3, v4  }
0x500: {  	v4 =	vperm.xlane v3, v0;
	_ =	sdelay $0x1  }
0x501: {  	v4 =	vadd.s32 v1, v4;
	_ =	sdelay $0x3  }
0x502: {  	s15 =	simm.s32 $0x10800;
	v3 =	vperm.xlane v3, v2  }
0x503: {  	[tilespmem:s15], [sflag:$0x3] =	stream.indirect_vreg.gather [hbm4b:s2+s4], $0x80, v4, vm0, $0xb8;
	[tilespmem:$0x1F800] =	vst v63  }
0x504: {  	v3 =	vadd.s32 v1, v3;
	s15 =	simm.s32 $0x11000  }
0x505: {  	[tilespmem:s15], [sflag:$0x3] =	stream.indirect_vreg.gather [hbm4b:s7+s4], $0x80, v4, vm0, $0xb8;
	[tilespmem:$0x1F800] =	vst v63  }
0x506: {  	s15 =	simm.s32 $0x11800  }
0x507: {  	[tilespmem:s15], [sflag:$0x3] =	stream.indirect_vreg.gather [hbm4b:s8+s4], $0x80, v4, vm0, $0xb8;
	[tilespmem:$0x1F800] =	vst v63  }
0x508: {  	s15 =	simm.s32 $0x12000  }
0x509: {  	[tilespmem:s15], [sflag:$0x3] =	stream.indirect_vreg.gather [hbm4b:s2+s4], $0x80, v3, vm0, $0xb8;
	[tilespmem:$0x1F800] =	vst v63  }
0x50a: {  	s15 =	simm.s32 $0x12800  }
0x50b: {  	[tilespmem:s15], [sflag:$0x3] =	stream.indirect_vreg.gather [hbm4b:s7+s4], $0x80, v3, vm0, $0xb8;
	[tilespmem:$0x1F800] =	vst v63  }
0x50c: {  	s15 =	simm.s32 $0x13000  }
0x50d: {  	[tilespmem:s15], [sflag:$0x3] =	stream.indirect_vreg.gather [hbm4b:s8+s4], $0x80, v3, vm0, $0xb8;
	[tilespmem:$0x1F800] =	vst v63  }
0x50e: {  	_ =	swait.ge [sflag:s29], $0x6000  }
0x50f: {  	s15 =	sld [smem:$0x7F2]  }
0x510: {  	[sflag:s29] =	ssyncset.done $0x0  }
0x511: {  	[sflag:s29] =	ssyncadd.s32 $0xFFFFA000  }
0x512: {  	[hbm4b:s15+s4] =	stream.linear.scatter [tilespmem:s21], [sflag:$0x6], $0x6000, $0x38;
	[tilespmem:$0x1F800] =	vst v63  }
0x513: {  	_ =	swait.ge [sflag:s14], $0x6000  }
0x514: {  	[sflag:s14] =	ssyncset.done $0x0  }
0x515: {  	[sflag:s14] =	ssyncadd.s32 $0xFFFFA000  }
0x516: {  	v3 =	vld [tilespmem:$0x1180];
	_ =	sdelay $0x4  }
0x517: {  	v48 =	vshrl.u32 v3, $0x3  }
0x518: {  	v4 =	vmul.u32 $0x30, v48  }
0x519: {  	v3 =	vand.u32 $0x7, v3  }
0x51a: {  	v3 =	vor.u32 v3, v4  }
0x51b: {  	v4 =	vperm.xlane v3, v0;
	_ =	sdelay $0x1  }
0x51c: {  	v4 =	vadd.s32 v1, v4;
	_ =	sdelay $0x3  }
0x51d: {  	v3 =	vperm.xlane v3, v2  }
0x51e: {  	[tilespmem:s23], [sflag:$0x4] =	stream.indirect_vreg.gather [hbm4b:s2+s4], $0x80, v4, vm0, $0xb8;
	[tilespmem:$0x1F800] =	vst v63  }
0x51f: {  	s15 =	simm.s32 $0x14000;
	v3 =	vadd.s32 v1, v3  }
0x520: {  	[tilespmem:s15], [sflag:$0x4] =	stream.indirect_vreg.gather [hbm4b:s7+s4], $0x80, v4, vm0, $0xb8;
	[tilespmem:$0x1F800] =	vst v63  }
0x521: {  	s15 =	simm.s32 $0x14800  }
0x522: {  	[tilespmem:s15], [sflag:$0x4] =	stream.indirect_vreg.gather [hbm4b:s8+s4], $0x80, v4, vm0, $0xb8;
	[tilespmem:$0x1F800] =	vst v63  }
0x523: {  	s15 =	simm.s32 $0x15000  }
0x524: {  	[tilespmem:s15], [sflag:$0x4] =	stream.indirect_vreg.gather [hbm4b:s2+s4], $0x80, v3, vm0, $0xb8;
	[tilespmem:$0x1F800] =	vst v63  }
0x525: {  	s15 =	simm.s32 $0x15800  }
0x526: {  	[tilespmem:s15], [sflag:$0x4] =	stream.indirect_vreg.gather [hbm4b:s7+s4], $0x80, v3, vm0, $0xb8;
	[tilespmem:$0x1F800] =	vst v63  }
0x527: {  	s15 =	simm.s32 $0x16000  }
0x528: {  	[tilespmem:s15], [sflag:$0x4] =	stream.indirect_vreg.gather [hbm4b:s8+s4], $0x80, v3, vm0, $0xb8;
	[tilespmem:$0x1F800] =	vst v63  }
0x529: {  	v3 =	vld [tilespmem:$0x1190];
	_ =	sdelay $0x4  }
0x52a: {  	v49 =	vshrl.u32 v3, $0x3  }
0x52b: {  	v4 =	vmul.u32 $0x30, v49  }
0x52c: {  	v3 =	vand.u32 $0x7, v3  }
0x52d: {  	v3 =	vor.u32 v3, v4  }
0x52e: {  	v4 =	vperm.xlane v3, v0;
	_ =	sdelay $0x1  }
0x52f: {  	v4 =	vadd.s32 v1, v4;
	_ =	sdelay $0x3  }
0x530: {  	s15 =	simm.s32 $0x16800;
	v3 =	vperm.xlane v3, v2  }
0x531: {  	[tilespmem:s15], [sflag:$0x4] =	stream.indirect_vreg.gather [hbm4b:s2+s4], $0x80, v4, vm0, $0xb8;
	[tilespmem:$0x1F800] =	vst v63  }
0x532: {  	v3 =	vadd.s32 v1, v3;
	s15 =	simm.s32 $0x17000  }
0x533: {  	[tilespmem:s15], [sflag:$0x4] =	stream.indirect_vreg.gather [hbm4b:s7+s4], $0x80, v4, vm0, $0xb8;
	[tilespmem:$0x1F800] =	vst v63  }
0x534: {  	s15 =	simm.s32 $0x17800  }
0x535: {  	[tilespmem:s15], [sflag:$0x4] =	stream.indirect_vreg.gather [hbm4b:s8+s4], $0x80, v4, vm0, $0xb8;
	[tilespmem:$0x1F800] =	vst v63  }
0x536: {  	s15 =	simm.s32 $0x18000  }
0x537: {  	[tilespmem:s15], [sflag:$0x4] =	stream.indirect_vreg.gather [hbm4b:s2+s4], $0x80, v3, vm0, $0xb8;
	[tilespmem:$0x1F800] =	vst v63  }
0x538: {  	s15 =	simm.s32 $0x18800  }
0x539: {  	[tilespmem:s15], [sflag:$0x4] =	stream.indirect_vreg.gather [hbm4b:s7+s4], $0x80, v3, vm0, $0xb8;
	[tilespmem:$0x1F800] =	vst v63  }
0x53a: {  	s15 =	simm.s32 $0x19000  }
0x53b: {  	[tilespmem:s15], [sflag:$0x4] =	stream.indirect_vreg.gather [hbm4b:s8+s4], $0x80, v3, vm0, $0xb8;
	[tilespmem:$0x1F800] =	vst v63  }
0x53c: {  	_ =	swait.ge [sflag:s31], $0x6000  }
0x53d: {  	s15 =	sld [smem:$0x7F3]  }
0x53e: {  	[sflag:s31] =	ssyncset.done $0x0  }
0x53f: {  	[sflag:s31] =	ssyncadd.s32 $0xFFFFA000  }
0x540: {  	[hbm4b:s15+s4] =	stream.linear.scatter [tilespmem:s11], [sflag:$0x7], $0x6000, $0x38;
	[tilespmem:$0x1F800] =	vst v63  }
0x541: {  	_ =	swait.ge [sflag:s20], $0x6000  }
0x542: {  	[sflag:s20] =	ssyncset.done $0x0  }
0x543: {  	[sflag:s20] =	ssyncadd.s32 $0xFFFFA000  }
0x544: {  	v3 =	vld [tilespmem:$0x1200];
	_ =	sdelay $0x4  }
0x545: {  	v50 =	vshrl.u32 v3, $0x3  }
0x546: {  	v4 =	vmul.u32 $0x30, v50  }
0x547: {  	v3 =	vand.u32 $0x7, v3  }
0x548: {  	v3 =	vor.u32 v3, v4  }
0x549: {  	v4 =	vperm.xlane v3, v0;
	_ =	sdelay $0x1  }
0x54a: {  	v4 =	vadd.s32 v1, v4;
	_ =	sdelay $0x3  }
0x54b: {  	v3 =	vperm.xlane v3, v2  }
0x54c: {  	[tilespmem:s25], [sflag:$0x5] =	stream.indirect_vreg.gather [hbm4b:s2+s4], $0x80, v4, vm0, $0xb8;
	[tilespmem:$0x1F800] =	vst v63  }
0x54d: {  	s15 =	simm.s32 $0x1A000;
	v3 =	vadd.s32 v1, v3  }
0x54e: {  	[tilespmem:s15], [sflag:$0x5] =	stream.indirect_vreg.gather [hbm4b:s7+s4], $0x80, v4, vm0, $0xb8;
	[tilespmem:$0x1F800] =	vst v63  }
0x54f: {  	s15 =	simm.s32 $0x1A800  }
0x550: {  	[tilespmem:s15], [sflag:$0x5] =	stream.indirect_vreg.gather [hbm4b:s8+s4], $0x80, v4, vm0, $0xb8;
	[tilespmem:$0x1F800] =	vst v63  }
0x551: {  	s15 =	simm.s32 $0x1B000  }
0x552: {  	[tilespmem:s15], [sflag:$0x5] =	stream.indirect_vreg.gather [hbm4b:s2+s4], $0x80, v3, vm0, $0xb8;
	[tilespmem:$0x1F800] =	vst v63  }
0x553: {  	s15 =	simm.s32 $0x1B800  }
0x554: {  	[tilespmem:s15], [sflag:$0x5] =	stream.indirect_vreg.gather [hbm4b:s7+s4], $0x80, v3, vm0, $0xb8;
	[tilespmem:$0x1F800] =	vst v63  }
0x555: {  	s15 =	simm.s32 $0x1C000  }
0x556: {  	[tilespmem:s15], [sflag:$0x5] =	stream.indirect_vreg.gather [hbm4b:s8+s4], $0x80, v3, vm0, $0xb8;
	[tilespmem:$0x1F800] =	vst v63  }
0x557: {  	v3 =	vld [tilespmem:$0x1210];
	_ =	sdelay $0x4  }
0x558: {  	v51 =	vshrl.u32 v3, $0x3  }
0x559: {  	v4 =	vmul.u32 $0x30, v51  }
0x55a: {  	v3 =	vand.u32 $0x7, v3  }
0x55b: {  	v3 =	vor.u32 v3, v4  }
0x55c: {  	v4 =	vperm.xlane v3, v0;
	_ =	sdelay $0x1  }
0x55d: {  	v4 =	vadd.s32 v1, v4;
	_ =	sdelay $0x3  }
0x55e: {  	s15 =	simm.s32 $0x1C800;
	v3 =	vperm.xlane v3, v2  }
0x55f: {  	[tilespmem:s15], [sflag:$0x5] =	stream.indirect_vreg.gather [hbm4b:s2+s4], $0x80, v4, vm0, $0xb8;
	[tilespmem:$0x1F800] =	vst v63  }
0x560: {  	v3 =	vadd.s32 v1, v3;
	s15 =	simm.s32 $0x1D000  }
0x561: {  	[tilespmem:s15], [sflag:$0x5] =	stream.indirect_vreg.gather [hbm4b:s7+s4], $0x80, v4, vm0, $0xb8;
	[tilespmem:$0x1F800] =	vst v63  }
0x562: {  	s15 =	simm.s32 $0x1D800  }
0x563: {  	[tilespmem:s15], [sflag:$0x5] =	stream.indirect_vreg.gather [hbm4b:s8+s4], $0x80, v4, vm0, $0xb8;
	[tilespmem:$0x1F800] =	vst v63  }
0x564: {  	s15 =	simm.s32 $0x1E000  }
0x565: {  	[tilespmem:s15], [sflag:$0x5] =	stream.indirect_vreg.gather [hbm4b:s2+s4], $0x80, v3, vm0, $0xb8;
	[tilespmem:$0x1F800] =	vst v63  }
0x566: {  	s15 =	simm.s32 $0x1E800  }
0x567: {  	[tilespmem:s15], [sflag:$0x5] =	stream.indirect_vreg.gather [hbm4b:s7+s4], $0x80, v3, vm0, $0xb8;
	[tilespmem:$0x1F800] =	vst v63  }
0x568: {  	s15 =	simm.s32 $0x1F000  }
0x569: {  	[tilespmem:s15], [sflag:$0x5] =	stream.indirect_vreg.gather [hbm4b:s8+s4], $0x80, v3, vm0, $0xb8;
	[tilespmem:$0x1F800] =	vst v63  }
0x56a: {  	_ =	swait.ge [sflag:s1], $0x6000  }
0x56b: {  	s15 =	sld [smem:$0x7F4]  }
0x56c: {  	[sflag:s1] =	ssyncset.done $0x0  }
0x56d: {  	[sflag:s1] =	ssyncadd.s32 $0xFFFFA000  }
0x56e: {  	[hbm4b:s15+s4] =	stream.linear.scatter [tilespmem:s22], [sflag:$0x8], $0x6000, $0x38;
	[tilespmem:$0x1F800] =	vst v63  }
0x56f: {  	_ =	swait.ge [sflag:s3], $0x6000  }
0x570: {  	[sflag:s3] =	ssyncset.done $0x0  }
0x571: {  	[sflag:s3] =	ssyncadd.s32 $0xFFFFA000  }
0x572: {  	v3 =	vld [tilespmem:$0x1280];
	_ =	sdelay $0x4  }
0x573: {  	v52 =	vshrl.u32 v3, $0x3  }
0x574: {  	v4 =	vmul.u32 $0x30, v52  }
0x575: {  	v3 =	vand.u32 $0x7, v3  }
0x576: {  	v3 =	vor.u32 v3, v4  }
0x577: {  	v4 =	vperm.xlane v3, v0;
	_ =	sdelay $0x1  }
0x578: {  	v4 =	vadd.s32 v1, v4;
	_ =	sdelay $0x3  }
0x579: {  	v3 =	vperm.xlane v3, v2  }
0x57a: {  	[tilespmem:s21], [sflag:$0x1] =	stream.indirect_vreg.gather [hbm4b:s2+s4], $0x80, v4, vm0, $0xb8;
	[tilespmem:$0x1F800] =	vst v63  }
0x57b: {  	s15 =	simm.s32 $0x2000;
	v3 =	vadd.s32 v1, v3  }
0x57c: {  	[tilespmem:s15], [sflag:$0x1] =	stream.indirect_vreg.gather [hbm4b:s7+s4], $0x80, v4, vm0, $0xb8;
	[tilespmem:$0x1F800] =	vst v63  }
0x57d: {  	s15 =	simm.s32 $0x2800  }
0x57e: {  	[tilespmem:s15], [sflag:$0x1] =	stream.indirect_vreg.gather [hbm4b:s8+s4], $0x80, v4, vm0, $0xb8;
	[tilespmem:$0x1F800] =	vst v63  }
0x57f: {  	s15 =	simm.s32 $0x3000  }
0x580: {  	[tilespmem:s15], [sflag:$0x1] =	stream.indirect_vreg.gather [hbm4b:s2+s4], $0x80, v3, vm0, $0xb8;
	[tilespmem:$0x1F800] =	vst v63  }
0x581: {  	s15 =	simm.s32 $0x3800  }
0x582: {  	[tilespmem:s15], [sflag:$0x1] =	stream.indirect_vreg.gather [hbm4b:s7+s4], $0x80, v3, vm0, $0xb8;
	[tilespmem:$0x1F800] =	vst v63  }
0x583: {  	s15 =	simm.s32 $0x4000  }
0x584: {  	[tilespmem:s15], [sflag:$0x1] =	stream.indirect_vreg.gather [hbm4b:s8+s4], $0x80, v3, vm0, $0xb8;
	[tilespmem:$0x1F800] =	vst v63  }
0x585: {  	v3 =	vld [tilespmem:$0x1290];
	_ =	sdelay $0x4  }
0x586: {  	v53 =	vshrl.u32 v3, $0x3  }
0x587: {  	v4 =	vmul.u32 $0x30, v53  }
0x588: {  	v3 =	vand.u32 $0x7, v3  }
0x589: {  	v3 =	vor.u32 v3, v4  }
0x58a: {  	v4 =	vperm.xlane v3, v0;
	_ =	sdelay $0x1  }
0x58b: {  	v4 =	vadd.s32 v1, v4;
	_ =	sdelay $0x3  }
0x58c: {  	s15 =	simm.s32 $0x4800;
	v3 =	vperm.xlane v3, v2  }
0x58d: {  	[tilespmem:s15], [sflag:$0x1] =	stream.indirect_vreg.gather [hbm4b:s2+s4], $0x80, v4, vm0, $0xb8;
	[tilespmem:$0x1F800] =	vst v63  }
0x58e: {  	v3 =	vadd.s32 v1, v3;
	s15 =	simm.s32 $0x5000  }
0x58f: {  	[tilespmem:s15], [sflag:$0x1] =	stream.indirect_vreg.gather [hbm4b:s7+s4], $0x80, v4, vm0, $0xb8;
	[tilespmem:$0x1F800] =	vst v63  }
0x590: {  	s15 =	simm.s32 $0x5800  }
0x591: {  	[tilespmem:s15], [sflag:$0x1] =	stream.indirect_vreg.gather [hbm4b:s8+s4], $0x80, v4, vm0, $0xb8;
	[tilespmem:$0x1F800] =	vst v63  }
0x592: {  	s15 =	simm.s32 $0x6000  }
0x593: {  	[tilespmem:s15], [sflag:$0x1] =	stream.indirect_vreg.gather [hbm4b:s2+s4], $0x80, v3, vm0, $0xb8;
	[tilespmem:$0x1F800] =	vst v63  }
0x594: {  	s15 =	simm.s32 $0x6800  }
0x595: {  	[tilespmem:s15], [sflag:$0x1] =	stream.indirect_vreg.gather [hbm4b:s7+s4], $0x80, v3, vm0, $0xb8;
	[tilespmem:$0x1F800] =	vst v63  }
0x596: {  	s15 =	simm.s32 $0x7000  }
0x597: {  	[tilespmem:s15], [sflag:$0x1] =	stream.indirect_vreg.gather [hbm4b:s8+s4], $0x80, v3, vm0, $0xb8;
	[tilespmem:$0x1F800] =	vst v63  }
0x598: {  	_ =	swait.ge [sflag:s10], $0x6000  }
0x599: {  	s15 =	sld [smem:$0x7F5]  }
0x59a: {  	[sflag:s10] =	ssyncset.done $0x0  }
0x59b: {  	[sflag:s10] =	ssyncadd.s32 $0xFFFFA000  }
0x59c: {  	[hbm4b:s15+s4] =	stream.linear.scatter [tilespmem:s23], [sflag:$0x9], $0x6000, $0x38;
	[tilespmem:$0x1F800] =	vst v63  }
0x59d: {  	_ =	swait.ge [sflag:s28], $0x6000  }
0x59e: {  	[sflag:s28] =	ssyncset.done $0x0  }
0x59f: {  	[sflag:s28] =	ssyncadd.s32 $0xFFFFA000  }
0x5a0: {  	v3 =	vld [tilespmem:$0x1300];
	_ =	sdelay $0x4  }
0x5a1: {  	v54 =	vshrl.u32 v3, $0x3  }
0x5a2: {  	v4 =	vmul.u32 $0x30, v54  }
0x5a3: {  	v3 =	vand.u32 $0x7, v3  }
0x5a4: {  	v3 =	vor.u32 v3, v4  }
0x5a5: {  	v4 =	vperm.xlane v3, v0;
	_ =	sdelay $0x1  }
0x5a6: {  	v4 =	vadd.s32 v1, v4;
	_ =	sdelay $0x3  }
0x5a7: {  	v3 =	vperm.xlane v3, v2  }
0x5a8: {  	[tilespmem:s11], [sflag:$0x2] =	stream.indirect_vreg.gather [hbm4b:s2+s4], $0x80, v4, vm0, $0xb8;
	[tilespmem:$0x1F800] =	vst v63  }
0x5a9: {  	s16 =	simm.s32 $0x8000;
	v3 =	vadd.s32 v1, v3  }
0x5aa: {  	[tilespmem:s16], [sflag:$0x2] =	stream.indirect_vreg.gather [hbm4b:s7+s4], $0x80, v4, vm0, $0xb8;
	[tilespmem:$0x1F800] =	vst v63  }
0x5ab: {  	s17 =	simm.s32 $0x8800  }
0x5ac: {  	[tilespmem:s17], [sflag:$0x2] =	stream.indirect_vreg.gather [hbm4b:s8+s4], $0x80, v4, vm0, $0xb8;
	[tilespmem:$0x1F800] =	vst v63  }
0x5ad: {  	s18 =	simm.s32 $0x9000  }
0x5ae: {  	[tilespmem:s18], [sflag:$0x2] =	stream.indirect_vreg.gather [hbm4b:s2+s4], $0x80, v3, vm0, $0xb8;
	[tilespmem:$0x1F800] =	vst v63  }
0x5af: {  	s19 =	simm.s32 $0x9800  }
0x5b0: {  	[tilespmem:s19], [sflag:$0x2] =	stream.indirect_vreg.gather [hbm4b:s7+s4], $0x80, v3, vm0, $0xb8;
	[tilespmem:$0x1F800] =	vst v63  }
0x5b1: {  	s18 =	simm.s32 $0xA000  }
0x5b2: {  	[tilespmem:s18], [sflag:$0x2] =	stream.indirect_vreg.gather [hbm4b:s8+s4], $0x80, v3, vm0, $0xb8;
	[tilespmem:$0x1F800] =	vst v63  }
0x5b3: {  	v3 =	vld [tilespmem:$0x1310];
	_ =	sdelay $0x4  }
0x5b4: {  	v55 =	vshrl.u32 v3, $0x3  }
0x5b5: {  	v4 =	vmul.u32 $0x30, v55  }
0x5b6: {  	v3 =	vand.u32 $0x7, v3  }
0x5b7: {  	v3 =	vor.u32 v3, v4  }
0x5b8: {  	v4 =	vperm.xlane v3, v0;
	_ =	sdelay $0x1  }
0x5b9: {  	v4 =	vadd.s32 v1, v4;
	_ =	sdelay $0x3  }
0x5ba: {  	s19 =	simm.s32 $0xA800;
	v3 =	vperm.xlane v3, v2  }
0x5bb: {  	[tilespmem:s19], [sflag:$0x2] =	stream.indirect_vreg.gather [hbm4b:s2+s4], $0x80, v4, vm0, $0xb8;
	[tilespmem:$0x1F800] =	vst v63  }
0x5bc: {  	s24 =	simm.s32 $0xB000;
	v3 =	vadd.s32 v1, v3  }
0x5bd: {  	[tilespmem:s24], [sflag:$0x2] =	stream.indirect_vreg.gather [hbm4b:s7+s4], $0x80, v4, vm0, $0xb8;
	[tilespmem:$0x1F800] =	vst v63  }
0x5be: {  	s26 =	simm.s32 $0xB800  }
0x5bf: {  	[tilespmem:s26], [sflag:$0x2] =	stream.indirect_vreg.gather [hbm4b:s8+s4], $0x80, v4, vm0, $0xb8;
	[tilespmem:$0x1F800] =	vst v63  }
0x5c0: {  	s30 =	simm.s32 $0xC000  }
0x5c1: {  	[tilespmem:s30], [sflag:$0x2] =	stream.indirect_vreg.gather [hbm4b:s2+s4], $0x80, v3, vm0, $0xb8;
	[tilespmem:$0x1F800] =	vst v63  }
0x5c2: {  	s30 =	simm.s32 $0xC800  }
0x5c3: {  	[tilespmem:s30], [sflag:$0x2] =	stream.indirect_vreg.gather [hbm4b:s7+s4], $0x80, v3, vm0, $0xb8;
	[tilespmem:$0x1F800] =	vst v63  }
0x5c4: {  	s16 =	simm.s32 $0xD000  }
0x5c5: {  	[tilespmem:s16], [sflag:$0x2] =	stream.indirect_vreg.gather [hbm4b:s8+s4], $0x80, v3, vm0, $0xb8;
	[tilespmem:$0x1F800] =	vst v63  }
0x5c6: {  	_ =	swait.ge [sflag:s12], $0x6000  }
0x5c7: {  	s17 =	sld [smem:$0x7F6]  }
0x5c8: {  	[sflag:s12] =	ssyncset.done $0x0  }
0x5c9: {  	[sflag:s12] =	ssyncadd.s32 $0xFFFFA000  }
0x5ca: {  	[hbm4b:s17+s4] =	stream.linear.scatter [tilespmem:s25], [sflag:$0xA], $0x6000, $0x38;
	[tilespmem:$0x1F800] =	vst v63  }
0x5cb: {  	_ =	swait.ge [sflag:s13], $0x6000  }
0x5cc: {  	[sflag:s13] =	ssyncset.done $0x0  }
0x5cd: {  	[sflag:s13] =	ssyncadd.s32 $0xFFFFA000  }
0x5ce: {  	v3 =	vld [tilespmem:$0x1380];
	_ =	sdelay $0x4  }
0x5cf: {  	v56 =	vshrl.u32 v3, $0x3  }
0x5d0: {  	v4 =	vmul.u32 $0x30, v56  }
0x5d1: {  	v3 =	vand.u32 $0x7, v3  }
0x5d2: {  	v3 =	vor.u32 v3, v4  }
0x5d3: {  	v4 =	vperm.xlane v3, v0;
	_ =	sdelay $0x1  }
0x5d4: {  	v4 =	vadd.s32 v1, v4;
	_ =	sdelay $0x3  }
0x5d5: {  	v3 =	vperm.xlane v3, v2  }
0x5d6: {  	[tilespmem:s22], [sflag:$0x3] =	stream.indirect_vreg.gather [hbm4b:s2+s4], $0x80, v4, vm0, $0xb8;
	[tilespmem:$0x1F800] =	vst v63  }
0x5d7: {  	s18 =	simm.s32 $0xE000;
	v3 =	vadd.s32 v1, v3  }
0x5d8: {  	[tilespmem:s18], [sflag:$0x3] =	stream.indirect_vreg.gather [hbm4b:s7+s4], $0x80, v4, vm0, $0xb8;
	[tilespmem:$0x1F800] =	vst v63  }
0x5d9: {  	s19 =	simm.s32 $0xE800  }
0x5da: {  	[tilespmem:s19], [sflag:$0x3] =	stream.indirect_vreg.gather [hbm4b:s8+s4], $0x80, v4, vm0, $0xb8;
	[tilespmem:$0x1F800] =	vst v63  }
0x5db: {  	s9 =	simm.s32 $0xF000  }
0x5dc: {  	[tilespmem:s9], [sflag:$0x3] =	stream.indirect_vreg.gather [hbm4b:s2+s4], $0x80, v3, vm0, $0xb8;
	[tilespmem:$0x1F800] =	vst v63  }
0x5dd: {  	s24 =	simm.s32 $0xF800  }
0x5de: {  	[tilespmem:s24], [sflag:$0x3] =	stream.indirect_vreg.gather [hbm4b:s7+s4], $0x80, v3, vm0, $0xb8;
	[tilespmem:$0x1F800] =	vst v63  }
0x5df: {  	s26 =	simm.s32 $0x10000  }
0x5e0: {  	[tilespmem:s26], [sflag:$0x3] =	stream.indirect_vreg.gather [hbm4b:s8+s4], $0x80, v3, vm0, $0xb8;
	[tilespmem:$0x1F800] =	vst v63  }
0x5e1: {  	v3 =	vld [tilespmem:$0x1390];
	_ =	sdelay $0x4  }
0x5e2: {  	v57 =	vshrl.u32 v3, $0x3  }
0x5e3: {  	v4 =	vmul.u32 $0x30, v57  }
0x5e4: {  	v3 =	vand.u32 $0x7, v3  }
0x5e5: {  	v3 =	vor.u32 v3, v4  }
0x5e6: {  	v4 =	vperm.xlane v3, v0;
	_ =	sdelay $0x1  }
0x5e7: {  	v4 =	vadd.s32 v1, v4;
	_ =	sdelay $0x3  }
0x5e8: {  	s30 =	simm.s32 $0x10800;
	v3 =	vperm.xlane v3, v2  }
0x5e9: {  	[tilespmem:s30], [sflag:$0x3] =	stream.indirect_vreg.gather [hbm4b:s2+s4], $0x80, v4, vm0, $0xb8;
	[tilespmem:$0x1F800] =	vst v63  }
0x5ea: {  	s15 =	simm.s32 $0x11000;
	v3 =	vadd.s32 v1, v3  }
0x5eb: {  	[tilespmem:s15], [sflag:$0x3] =	stream.indirect_vreg.gather [hbm4b:s7+s4], $0x80, v4, vm0, $0xb8;
	[tilespmem:$0x1F800] =	vst v63  }
0x5ec: {  	s16 =	simm.s32 $0x11800  }
0x5ed: {  	[tilespmem:s16], [sflag:$0x3] =	stream.indirect_vreg.gather [hbm4b:s8+s4], $0x80, v4, vm0, $0xb8;
	[tilespmem:$0x1F800] =	vst v63  }
0x5ee: {  	s17 =	simm.s32 $0x12000  }
0x5ef: {  	[tilespmem:s17], [sflag:$0x3] =	stream.indirect_vreg.gather [hbm4b:s2+s4], $0x80, v3, vm0, $0xb8;
	[tilespmem:$0x1F800] =	vst v63  }
0x5f0: {  	s18 =	simm.s32 $0x12800  }
0x5f1: {  	[tilespmem:s18], [sflag:$0x3] =	stream.indirect_vreg.gather [hbm4b:s7+s4], $0x80, v3, vm0, $0xb8;
	[tilespmem:$0x1F800] =	vst v63  }
0x5f2: {  	s19 =	simm.s32 $0x13000  }
0x5f3: {  	[tilespmem:s19], [sflag:$0x3] =	stream.indirect_vreg.gather [hbm4b:s8+s4], $0x80, v3, vm0, $0xb8;
	[tilespmem:$0x1F800] =	vst v63  }
0x5f4: {  	_ =	swait.ge [sflag:s29], $0x6000  }
0x5f5: {  	s24 =	sld [smem:$0x7F7]  }
0x5f6: {  	[sflag:s29] =	ssyncset.done $0x0  }
0x5f7: {  	[sflag:s29] =	ssyncadd.s32 $0xFFFFA000  }
0x5f8: {  	[hbm4b:s24+s4] =	stream.linear.scatter [tilespmem:s21], [sflag:$0x6], $0x6000, $0x38;
	[tilespmem:$0x1F800] =	vst v63  }
0x5f9: {  	_ =	swait.ge [sflag:s14], $0x6000  }
0x5fa: {  	[sflag:s14] =	ssyncset.done $0x0  }
0x5fb: {  	[sflag:s14] =	ssyncadd.s32 $0xFFFFA000  }
0x5fc: {  	v3 =	vld [tilespmem:$0x1400];
	_ =	sdelay $0x4  }
0x5fd: {  	v58 =	vshrl.u32 v3, $0x3  }
0x5fe: {  	v4 =	vmul.u32 $0x30, v58  }
0x5ff: {  	v3 =	vand.u32 $0x7, v3  }
0x600: {  	v3 =	vor.u32 v3, v4  }
0x601: {  	v4 =	vperm.xlane v3, v0;
	_ =	sdelay $0x1  }
0x602: {  	v4 =	vadd.s32 v1, v4;
	_ =	sdelay $0x3  }
0x603: {  	v3 =	vperm.xlane v3, v2  }
0x604: {  	[tilespmem:s23], [sflag:$0x4] =	stream.indirect_vreg.gather [hbm4b:s2+s4], $0x80, v4, vm0, $0xb8;
	[tilespmem:$0x1F800] =	vst v63  }
0x605: {  	s26 =	simm.s32 $0x14000;
	v3 =	vadd.s32 v1, v3  }
0x606: {  	[tilespmem:s26], [sflag:$0x4] =	stream.indirect_vreg.gather [hbm4b:s7+s4], $0x80, v4, vm0, $0xb8;
	[tilespmem:$0x1F800] =	vst v63  }
0x607: {  	s30 =	simm.s32 $0x14800  }
0x608: {  	[tilespmem:s30], [sflag:$0x4] =	stream.indirect_vreg.gather [hbm4b:s8+s4], $0x80, v4, vm0, $0xb8;
	[tilespmem:$0x1F800] =	vst v63  }
0x609: {  	s15 =	simm.s32 $0x15000  }
0x60a: {  	[tilespmem:s15], [sflag:$0x4] =	stream.indirect_vreg.gather [hbm4b:s2+s4], $0x80, v3, vm0, $0xb8;
	[tilespmem:$0x1F800] =	vst v63  }
0x60b: {  	s16 =	simm.s32 $0x15800  }
0x60c: {  	[tilespmem:s16], [sflag:$0x4] =	stream.indirect_vreg.gather [hbm4b:s7+s4], $0x80, v3, vm0, $0xb8;
	[tilespmem:$0x1F800] =	vst v63  }
0x60d: {  	s17 =	simm.s32 $0x16000  }
0x60e: {  	[tilespmem:s17], [sflag:$0x4] =	stream.indirect_vreg.gather [hbm4b:s8+s4], $0x80, v3, vm0, $0xb8;
	[tilespmem:$0x1F800] =	vst v63  }
0x60f: {  	v3 =	vld [tilespmem:$0x1410];
	_ =	sdelay $0x4  }
0x610: {  	v59 =	vshrl.u32 v3, $0x3  }
0x611: {  	v4 =	vmul.u32 $0x30, v59  }
0x612: {  	v3 =	vand.u32 $0x7, v3  }
0x613: {  	v3 =	vor.u32 v3, v4  }
0x614: {  	v4 =	vperm.xlane v3, v0;
	_ =	sdelay $0x1  }
0x615: {  	v4 =	vadd.s32 v1, v4;
	_ =	sdelay $0x3  }
0x616: {  	s18 =	simm.s32 $0x16800;
	v3 =	vperm.xlane v3, v2  }
0x617: {  	[tilespmem:s18], [sflag:$0x4] =	stream.indirect_vreg.gather [hbm4b:s2+s4], $0x80, v4, vm0, $0xb8;
	[tilespmem:$0x1F800] =	vst v63  }
0x618: {  	s19 =	simm.s32 $0x17000;
	v3 =	vadd.s32 v1, v3  }
0x619: {  	[tilespmem:s19], [sflag:$0x4] =	stream.indirect_vreg.gather [hbm4b:s7+s4], $0x80, v4, vm0, $0xb8;
	[tilespmem:$0x1F800] =	vst v63  }
0x61a: {  	s24 =	simm.s32 $0x17800  }
0x61b: {  	[tilespmem:s24], [sflag:$0x4] =	stream.indirect_vreg.gather [hbm4b:s8+s4], $0x80, v4, vm0, $0xb8;
	[tilespmem:$0x1F800] =	vst v63  }
0x61c: {  	s26 =	simm.s32 $0x18000  }
0x61d: {  	[tilespmem:s26], [sflag:$0x4] =	stream.indirect_vreg.gather [hbm4b:s2+s4], $0x80, v3, vm0, $0xb8;
	[tilespmem:$0x1F800] =	vst v63  }
0x61e: {  	s30 =	simm.s32 $0x18800  }
0x61f: {  	[tilespmem:s30], [sflag:$0x4] =	stream.indirect_vreg.gather [hbm4b:s7+s4], $0x80, v3, vm0, $0xb8;
	[tilespmem:$0x1F800] =	vst v63  }
0x620: {  	s15 =	simm.s32 $0x19000  }
0x621: {  	[tilespmem:s15], [sflag:$0x4] =	stream.indirect_vreg.gather [hbm4b:s8+s4], $0x80, v3, vm0, $0xb8;
	[tilespmem:$0x1F800] =	vst v63  }
0x622: {  	_ =	swait.ge [sflag:s31], $0x6000  }
0x623: {  	s16 =	sld [smem:$0x7F8]  }
0x624: {  	[sflag:s31] =	ssyncset.done $0x0  }
0x625: {  	[sflag:s31] =	ssyncadd.s32 $0xFFFFA000  }
0x626: {  	[hbm4b:s16+s4] =	stream.linear.scatter [tilespmem:s11], [sflag:$0x7], $0x6000, $0x38;
	[tilespmem:$0x1F800] =	vst v63  }
0x627: {  	_ =	swait.ge [sflag:s20], $0x6000  }
0x628: {  	[sflag:s20] =	ssyncset.done $0x0  }
0x629: {  	[sflag:s20] =	ssyncadd.s32 $0xFFFFA000  }
0x62a: {  	v3 =	vld [tilespmem:$0x1480];
	_ =	sdelay $0x4  }
0x62b: {  	v60 =	vshrl.u32 v3, $0x3  }
0x62c: {  	v4 =	vmul.u32 $0x30, v60  }
0x62d: {  	v3 =	vand.u32 $0x7, v3  }
0x62e: {  	v3 =	vor.u32 v3, v4  }
0x62f: {  	v4 =	vperm.xlane v3, v0;
	_ =	sdelay $0x1  }
0x630: {  	v4 =	vadd.s32 v1, v4;
	_ =	sdelay $0x3  }
0x631: {  	v3 =	vperm.xlane v3, v2  }
0x632: {  	[tilespmem:s25], [sflag:$0x5] =	stream.indirect_vreg.gather [hbm4b:s2+s4], $0x80, v4, vm0, $0xb8;
	[tilespmem:$0x1F800] =	vst v63  }
0x633: {  	s17 =	simm.s32 $0x1A000;
	v3 =	vadd.s32 v1, v3  }
0x634: {  	[tilespmem:s17], [sflag:$0x5] =	stream.indirect_vreg.gather [hbm4b:s7+s4], $0x80, v4, vm0, $0xb8;
	[tilespmem:$0x1F800] =	vst v63  }
0x635: {  	s18 =	simm.s32 $0x1A800  }
0x636: {  	[tilespmem:s18], [sflag:$0x5] =	stream.indirect_vreg.gather [hbm4b:s8+s4], $0x80, v4, vm0, $0xb8;
	[tilespmem:$0x1F800] =	vst v63  }
0x637: {  	s19 =	simm.s32 $0x1B000  }
0x638: {  	[tilespmem:s19], [sflag:$0x5] =	stream.indirect_vreg.gather [hbm4b:s2+s4], $0x80, v3, vm0, $0xb8;
	[tilespmem:$0x1F800] =	vst v63  }
0x639: {  	s24 =	simm.s32 $0x1B800  }
0x63a: {  	[tilespmem:s24], [sflag:$0x5] =	stream.indirect_vreg.gather [hbm4b:s7+s4], $0x80, v3, vm0, $0xb8;
	[tilespmem:$0x1F800] =	vst v63  }
0x63b: {  	s26 =	simm.s32 $0x1C000  }
0x63c: {  	[tilespmem:s26], [sflag:$0x5] =	stream.indirect_vreg.gather [hbm4b:s8+s4], $0x80, v3, vm0, $0xb8;
	[tilespmem:$0x1F800] =	vst v63  }
0x63d: {  	v3 =	vld [tilespmem:$0x1490];
	_ =	sdelay $0x4  }
0x63e: {  	v61 =	vshrl.u32 v3, $0x3  }
0x63f: {  	v4 =	vmul.u32 $0x30, v61  }
0x640: {  	v3 =	vand.u32 $0x7, v3  }
0x641: {  	v3 =	vor.u32 v3, v4  }
0x642: {  	v4 =	vperm.xlane v3, v0;
	_ =	sdelay $0x1  }
0x643: {  	v4 =	vadd.s32 v1, v4;
	_ =	sdelay $0x3  }
0x644: {  	s30 =	simm.s32 $0x1C800;
	v3 =	vperm.xlane v3, v2  }
0x645: {  	[tilespmem:s30], [sflag:$0x5] =	stream.indirect_vreg.gather [hbm4b:s2+s4], $0x80, v4, vm0, $0xb8;
	[tilespmem:$0x1F800] =	vst v63  }
0x646: {  	s11 =	simm.s32 $0x1D000;
	v3 =	vadd.s32 v1, v3  }
0x647: {  	[tilespmem:s11], [sflag:$0x5] =	stream.indirect_vreg.gather [hbm4b:s7+s4], $0x80, v4, vm0, $0xb8;
	[tilespmem:$0x1F800] =	vst v63  }
0x648: {  	s15 =	simm.s32 $0x1D800  }
0x649: {  	[tilespmem:s15], [sflag:$0x5] =	stream.indirect_vreg.gather [hbm4b:s8+s4], $0x80, v4, vm0, $0xb8;
	[tilespmem:$0x1F800] =	vst v63  }
0x64a: {  	s16 =	simm.s32 $0x1E000  }
0x64b: {  	[tilespmem:s16], [sflag:$0x5] =	stream.indirect_vreg.gather [hbm4b:s2+s4], $0x80, v3, vm0, $0xb8;
	[tilespmem:$0x1F800] =	vst v63  }
0x64c: {  	s17 =	simm.s32 $0x1E800  }
0x64d: {  	[tilespmem:s17], [sflag:$0x5] =	stream.indirect_vreg.gather [hbm4b:s7+s4], $0x80, v3, vm0, $0xb8;
	[tilespmem:$0x1F800] =	vst v63  }
0x64e: {  	s18 =	simm.s32 $0x1F000  }
0x64f: {  	[tilespmem:s18], [sflag:$0x5] =	stream.indirect_vreg.gather [hbm4b:s8+s4], $0x80, v3, vm0, $0xb8;
	[tilespmem:$0x1F800] =	vst v63  }
0x650: {  	_ =	swait.ge [sflag:s1], $0x6000  }
0x651: {  	s19 =	sld [smem:$0x7F9]  }
0x652: {  	[sflag:s1] =	ssyncset.done $0x0  }
0x653: {  	[sflag:s1] =	ssyncadd.s32 $0xFFFFA000  }
0x654: {  	[hbm4b:s19+s4] =	stream.linear.scatter [tilespmem:s22], [sflag:$0x8], $0x6000, $0x38;
	[tilespmem:$0x1F800] =	vst v63  }
0x655: {  	_ =	swait.ge [sflag:s3], $0x6000  }
0x656: {  	[sflag:s3] =	ssyncset.done $0x0  }
0x657: {  	[sflag:s3] =	ssyncadd.s32 $0xFFFFA000  }
0x658: {  	v3 =	vld [tilespmem:$0x1500];
	_ =	sdelay $0x4  }
0x659: {  	v62 =	vshrl.u32 v3, $0x3  }
0x65a: {  	v4 =	vmul.u32 $0x30, v62  }
0x65b: {  	v3 =	vand.u32 $0x7, v3  }
0x65c: {  	v3 =	vor.u32 v3, v4  }
0x65d: {  	v4 =	vperm.xlane v3, v0;
	_ =	sdelay $0x1  }
0x65e: {  	v4 =	vadd.s32 v1, v4;
	_ =	sdelay $0x3  }
0x65f: {  	v3 =	vperm.xlane v3, v2  }
0x660: {  	[tilespmem:s21], [sflag:$0x1] =	stream.indirect_vreg.gather [hbm4b:s2+s4], $0x80, v4, vm0, $0xb8;
	[tilespmem:$0x1F800] =	vst v63  }
0x661: {  	s22 =	simm.s32 $0x2000;
	v3 =	vadd.s32 v1, v3  }
0x662: {  	[tilespmem:s22], [sflag:$0x1] =	stream.indirect_vreg.gather [hbm4b:s7+s4], $0x80, v4, vm0, $0xb8;
	[tilespmem:$0x1F800] =	vst v63  }
0x663: {  	s24 =	simm.s32 $0x2800  }
0x664: {  	[tilespmem:s24], [sflag:$0x1] =	stream.indirect_vreg.gather [hbm4b:s8+s4], $0x80, v4, vm0, $0xb8;
	[tilespmem:$0x1F800] =	vst v63  }
0x665: {  	s26 =	simm.s32 $0x3000  }
0x666: {  	[tilespmem:s26], [sflag:$0x1] =	stream.indirect_vreg.gather [hbm4b:s2+s4], $0x80, v3, vm0, $0xb8;
	[tilespmem:$0x1F800] =	vst v63  }
0x667: {  	s30 =	simm.s32 $0x3800  }
0x668: {  	[tilespmem:s30], [sflag:$0x1] =	stream.indirect_vreg.gather [hbm4b:s7+s4], $0x80, v3, vm0, $0xb8;
	[tilespmem:$0x1F800] =	vst v63  }
0x669: {  	s11 =	simm.s32 $0x4000  }
0x66a: {  	[tilespmem:s11], [sflag:$0x1] =	stream.indirect_vreg.gather [hbm4b:s8+s4], $0x80, v3, vm0, $0xb8;
	[tilespmem:$0x1F800] =	vst v63  }
0x66b: {  	v3 =	vld [tilespmem:$0x1510];
	_ =	sdelay $0x4  }
0x66c: {  	v63 =	vshrl.u32 v3, $0x3  }
0x66d: {  	v4 =	vmul.u32 $0x30, v63  }
0x66e: {  	v3 =	vand.u32 $0x7, v3  }
0x66f: {  	v3 =	vor.u32 v3, v4  }
0x670: {  	v4 =	vperm.xlane v3, v0;
	_ =	sdelay $0x1  }
0x671: {  	v4 =	vadd.s32 v1, v4;
	_ =	sdelay $0x3  }
0x672: {  	s15 =	simm.s32 $0x4800;
	v3 =	vperm.xlane v3, v2  }
0x673: {  	[tilespmem:s15], [sflag:$0x1] =	stream.indirect_vreg.gather [hbm4b:s2+s4], $0x80, v4, vm0, $0xb8;
	[tilespmem:$0x1F800] =	vst v63  }
0x674: {  	s16 =	simm.s32 $0x5000;
	v3 =	vadd.s32 v1, v3  }
0x675: {  	[tilespmem:s16], [sflag:$0x1] =	stream.indirect_vreg.gather [hbm4b:s7+s4], $0x80, v4, vm0, $0xb8;
	[tilespmem:$0x1F800] =	vst v63  }
0x676: {  	s17 =	simm.s32 $0x5800  }
0x677: {  	[tilespmem:s17], [sflag:$0x1] =	stream.indirect_vreg.gather [hbm4b:s8+s4], $0x80, v4, vm0, $0xb8;
	[tilespmem:$0x1F800] =	vst v63  }
0x678: {  	s18 =	simm.s32 $0x6000  }
0x679: {  	[tilespmem:s18], [sflag:$0x1] =	stream.indirect_vreg.gather [hbm4b:s2+s4], $0x80, v3, vm0, $0xb8;
	[tilespmem:$0x1F800] =	vst v63  }
0x67a: {  	s19 =	simm.s32 $0x6800  }
0x67b: {  	[tilespmem:s19], [sflag:$0x1] =	stream.indirect_vreg.gather [hbm4b:s7+s4], $0x80, v3, vm0, $0xb8;
	[tilespmem:$0x1F800] =	vst v63  }
0x67c: {  	s22 =	simm.s32 $0x7000  }
0x67d: {  	[tilespmem:s22], [sflag:$0x1] =	stream.indirect_vreg.gather [hbm4b:s8+s4], $0x80, v3, vm0, $0xb8;
	[tilespmem:$0x1F800] =	vst v63  }
0x67e: {  	s9 =	sld [smem:$0x7F0];
	_ =	swait.ge [sflag:s10], $0x6000  }
0x67f: {  	s24 =	sld [smem:$0x7FA]  }
0x680: {  	[sflag:s10] =	ssyncset.done $0x0  }
0x681: {  	[sflag:s10] =	ssyncadd.s32 $0xFFFFA000  }
0x682: {  	[hbm4b:s24+s4] =	stream.linear.scatter [tilespmem:s23], [sflag:$0x9], $0x6000, $0x38;
	[tilespmem:$0x1F800] =	vst v63  }
0x683: {  	_ =	swait.ge [sflag:s12], $0x6000  }
0x684: {  	s26 =	sld [smem:$0x7FB]  }
0x685: {  	[sflag:s12] =	ssyncset.done $0x0  }
0x686: {  	[sflag:s12] =	ssyncadd.s32 $0xFFFFA000  }
0x687: {  	[hbm4b:s26+s4] =	stream.linear.scatter [tilespmem:s25], [sflag:$0xA], $0x6000, $0x38;
	[tilespmem:$0x1F800] =	vst v63  }
0x688: {  	_ =	swait.ge [sflag:s29], $0x6000  }
0x689: {  	s30 =	sld [smem:$0x7FC]  }
0x68a: {  	[sflag:s29] =	ssyncset.done $0x0  }
0x68b: {  	[sflag:s29] =	ssyncadd.s32 $0xFFFFA000  }
0x68c: {  	[hbm4b:s30+s4] =	stream.linear.scatter [tilespmem:s21], [sflag:$0x6], $0x6000, $0x38;
	[tilespmem:$0x1F800] =	vst v63  }
0x68d: {  	_ =	swait.ge [sflag:s28], $0x6000  }
0x68e: {  	[sflag:s28] =	ssyncset.done $0x0  }
0x68f: {  	[sflag:s28] =	ssyncadd.s32 $0xFFFFA000  }
0x690: {  	_ =	swait.ge [sflag:s13], $0x6000  }
0x691: {  	[sflag:s13] =	ssyncset.done $0x0  }
0x692: {  	[sflag:s13] =	ssyncadd.s32 $0xFFFFA000  }
0x693: {  	_ =	swait.ge [sflag:s14], $0x6000  }
0x694: {  	[sflag:s14] =	ssyncset.done $0x0  }
0x695: {  	[sflag:s14] =	ssyncadd.s32 $0xFFFFA000  }
0x696: {  	p0 =	sne.s32 s9, $0x1;
	_ =	swait.ge [sflag:s20], $0x6000  }
.Ltmp0:
0x697: {  	[sflag:s20] =	ssyncset.done $0x0;
	(pc) =	sbr.rel @p0 .LBB2_1-.Ltmp0, $4  }
0x698: {  	[sflag:s20] =	ssyncadd.s32 $0xFFFFA000  }
0x699: {  	_ =	swait.ge [sflag:s3], $0x6000  }
0x69a: {  	[sflag:s3] =	ssyncset.done $0x0  }
0x69b: {  	s9 =	sadd.s32 $0xFFFFFFFF, s9;
	[sflag:s3] =	ssyncadd.s32 $0xFFFFA000  }
0x69c: {  	_ =	sfence.sel $0x180000  }
0x69d: {  	[bflag:$0x0] =	sbarrier.arrive $0xFFFF  }
0x69e: {  	_ =	strace $0x90000047  }
0x69f: {  	s0 =	stileid.u32;
	[bflag:$0x2] =	sbarrier.arrive $0xFFFF  }
0x6a0: {  	p0 =	sne.s32 s0, $0x0;
	s0 =	rddreg [dreg:$0x5]  }
0x6a1: {  	s0 =	sadd.s32 @!p0 $0x100000, s0  }
0x6a2: {  	[sflag:s0] =	ssyncadd.tile.s32 @!p0 $0x1;
	_ =	shalt  }
.Lfunc_end2:
_tile_overlayer_lowered:
.L_overlay_start_2:
0x6a3: {  	(tag) =	ssettag $0x2  }
0x6a4: {  	s0 =	rddreg [dreg:$0x0];
	s2 =	stileid.u32  }
0x6a5: {  	s1 =	rddreg [dreg:$0x1];
	p0 =	sne.s32 s2, $0x0  }
0x6a6: {  	s3 =	rddreg [dreg:$0x2];
	[bflag:$0x3] =	sbarrier.arrive $0xFFFF;
	s2 =	simm.s32 @!p0 $0x1C0B  }
0x6a7: {  	[timem:s3], [sflag:s2] =	dma.local @!p0 [hbm:s0], s1  }
0x6a8: {  	s0 =	simm.s32 @!p0 $0xB  }
0x6a9: {  	_ =	swait.ge @!p0 [sflag:s0], s1  }
0x6aa: {  	s1 =	ssub.s32 @!p0 $0x0, s1;
	[sflag:s0] =	ssyncset.done @!p0 $0x0  }
0x6ab: {  	[sflag:s0] =	ssyncadd.s32 @!p0 s1  }
0x6ac: {  	[bflag:$0x3] =	sbarrier.arrive $0xFFFF  }
0x6ad: {  	_ =	shalt  }

</sc_bundles>
